<compile_context>
chip_gen: v7x
topology: tpu7x:2x2x1
jax: 0.10.2.dev20260603
libtpu: 0.0.44.dev20260713+nightly
codegen_flags: <defaults>
</compile_context>

<pallas_src>
import functools

import jax
import jax.numpy as jnp
from jax import lax
from jax.experimental import pallas as pl
from jax.experimental.pallas import tpu as pltpu
from jax.experimental.pallas import tpu_sc as plsc

NC = 2
NPR = 3

_LOG1P = (-0.002260995288484514, 0.015055349381361889, -0.04705113446017369,
          0.09475556299860108, -0.1453396417991718, 0.19351750061793127,
          -0.24872052840014142, 0.33318192091083904, -0.49999062475207734,
          0.9999997699016362, 9.473307568734822e-10)


def _log1p_poly(u):
    acc = jnp.full(u.shape, _LOG1P[0], jnp.float32)
    for c in _LOG1P[1:]:
        acc = acc * u + jnp.float32(c)
    return acc



def _sc_scan_hist(h_ref, nblk, k):
    i16 = lax.broadcasted_iota(jnp.int32, (16,), 0)

    def step(jj, carry):
        before, found, bsel, krem = carry
        j = nblk - 1 - jj
        v = h_ref[pl.ds(j * 16, 16)]
        rv = lax.rev(v, (0,))
        cums = plsc.cumsum(rv)
        tot = jnp.sum(v)
        after = before + tot
        crossed = jnp.logical_and(jnp.logical_and(before < k, after >= k),
                                  found == 0)
        cc = before + cums
        lane = jnp.min(jnp.where(cc >= k, i16, 16))
        sat = jnp.sum(jnp.where(i16 == lane, cc, 0.0))
        hv = jnp.sum(jnp.where(i16 == lane, rv, 0.0))
        nb = j * 16 + (15 - lane)
        bsel = jnp.where(crossed, nb, bsel)
        krem = jnp.where(crossed, k - (sat - hv), krem)
        found = jnp.where(crossed, 1, found)
        return (after, found, bsel, krem)

    endcum, found, bsel, krem = lax.fori_loop(
        0, nblk, step, (jnp.float32(0.0), jnp.int32(0), jnp.int32(0),
                        jnp.float32(0.0)))
    return found, bsel, krem, endcum


def _sc_body(cp_hbm, t_hbm, out_hbm, cp_v, t_v, loss_v, ce_v, h1, h2, h3,
             stg):
    c = lax.axis_index("c")
    s = lax.axis_index("s")

    @pl.when(jnp.logical_and(c == 0, s < 8))
    def _run():
        row = s
        pltpu.sync_copy(cp_hbm.at[row], cp_v)
        pltpu.sync_copy(t_hbm.at[row], t_v)

        zf = jnp.zeros((16,), jnp.float32)

        def zloop(i, _):
            h1[pl.ds(i * 16, 16)] = zf

            @pl.when(i < 66)
            def _z2():
                h2[pl.ds(i * 16, 16)] = zf
                h3[pl.ds(i * 16, 16)] = zf

            return 0

        lax.fori_loop(0, 128, zloop, 0)
        ones = jnp.ones((16,), jnp.float32)

        def p1(qq, carry):
            npos, spos = carry
            for u in range(4):
                q = qq * 4 + u
                ti = q >> 3
                lo = (q & 7) * 16
                c0 = cp_v[2 * ti, pl.ds(lo, 16)]
                c1 = cp_v[2 * ti + 1, pl.ds(lo, 16)]
                tv = t_v[pl.ds(q * 16, 16)]
                pos = jnp.clip(tv, 0, 1) > 0
                dmax = jnp.maximum(c0, c1)
                gat = jnp.where(pos, c1, c0)
                ce = dmax - gat + _log1p_poly(jnp.exp(-jnp.abs(c0 - c1)))
                loss = jnp.where(pos, 0.0, ce)
                ce_v[pl.ds(q * 16, 16)] = ce
                loss_v[pl.ds(q * 16, 16)] = loss
                bits = lax.bitcast_convert_type(loss, jnp.int32)
                plsc.addupdate_scatter(
                    h1, [lax.shift_right_logical(bits, 20)], ones)
                npos = npos + jnp.sum(pos.astype(jnp.float32))
                spos = spos + jnp.sum(jnp.where(pos, ce, 0.0))
            return (npos, spos)

        num_pos, sum_pos = lax.fori_loop(0, 256, p1,
                                         (jnp.float32(0.0), jnp.float32(0.0)))
        num_neg = jnp.minimum(jnp.float32(NPR) * num_pos, jnp.float32(16383.0))

        f1, b1, k1, _e1 = _sc_scan_hist(h1, 128, num_neg)

        def p2(q, _):
            bits = lax.bitcast_convert_type(loss_v[pl.ds(q * 16, 16)],
                                            jnp.int32)
            m = lax.shift_right_logical(bits, 20) == b1
            b2v = jnp.bitwise_and(lax.shift_right_logical(bits, 10), 1023)
            plsc.addupdate_scatter(h2, [b2v], ones, mask=m)
            return 0

        lax.fori_loop(0, 1024, p2, 0)
        f2, b2, k2, _e2 = _sc_scan_hist(h2, 64, k1)

        hi21 = jnp.bitwise_or(b1 << 10, b2)

        def p3(q, _):
            bits = lax.bitcast_convert_type(loss_v[pl.ds(q * 16, 16)],
                                            jnp.int32)
            m = lax.shift_right_logical(bits, 10) == hi21
            plsc.addupdate_scatter(h3, [jnp.bitwise_and(bits, 1023)], ones,
                                   mask=m)
            return 0

        lax.fori_loop(0, 1024, p3, 0)
        f3, b3, k3, _e3 = _sc_scan_hist(h3, 64, k2)

        vbits = jnp.where(f3, (b1 << 20) | (b2 << 10) | b3,
                          jnp.int32(0x7F800000))
        vvec = lax.bitcast_convert_type(jnp.broadcast_to(vbits, (16,)),
                                        jnp.float32)

        def p4(qq, acc):
            for u in range(4):
                q = qq * 4 + u
                loss = loss_v[pl.ds(q * 16, 16)]
                ce = ce_v[pl.ds(q * 16, 16)]
                acc = acc + jnp.sum(jnp.where(loss > vvec, ce, 0.0))
            return acc

        sum_gt = lax.fori_loop(0, 256, p4, jnp.float32(0.0))

        vstar = jnp.max(vvec)
        tie = jnp.where(jnp.logical_and(f3 > 0, k3 > 0),
                        vstar * k3, 0.0)
        cls_row = sum_pos + sum_gt + tie

        i16 = lax.broadcasted_iota(jnp.int32, (16,), 0)
        stg[pl.ds(0, 16)] = jnp.where(i16 == 0, cls_row,
                                      jnp.where(i16 == 1, num_pos, 0.0))

        def zs(i, _):
            stg[pl.ds((i + 1) * 16, 16)] = jnp.zeros((16,), jnp.float32)
            return 0

        lax.fori_loop(0, 7, zs, 0)
        pltpu.sync_copy(stg, out_hbm.at[row])


def _sc_cls(cp, tg):
    mesh = plsc.VectorSubcoreMesh(core_axis_name="c", subcore_axis_name="s")
    kern = functools.partial(
        pl.kernel,
        mesh=mesh,
        compiler_params=pltpu.CompilerParams(needs_layout_passes=False),
        out_type=jax.ShapeDtypeStruct((8, 128), jnp.float32),
        scratch_types=[
            pltpu.VMEM((256, 128), jnp.float32),
            pltpu.VMEM((16384,), jnp.int32),
            pltpu.VMEM((16384,), jnp.float32),
            pltpu.VMEM((16384,), jnp.float32),
            pltpu.VMEM((2048,), jnp.float32),
            pltpu.VMEM((1056,), jnp.float32),
            pltpu.VMEM((1056,), jnp.float32),
            pltpu.VMEM((128,), jnp.float32),
        ],
    )(_sc_body)
    return kern(cp, tg)



def _tc_body(x_ref, m_ref, lp_ref, lt_ref, t8_ref, out_ref, acc_ref, *,
             grid_i, grid_j, gts_den):
    i = pl.program_id(0)
    j = pl.program_id(1)
    step = i * grid_j + j
    last = grid_i * grid_j - 1

    @pl.when(step == 0)
    def _init():
        acc_ref[0] = 0.0
        acc_ref[1] = 0.0

    x = x_ref[...].reshape(2048, 128)
    bce_sp = jnp.sum(jnp.maximum(x, 0.0) + jnp.log1p(jnp.exp(-jnp.abs(x))))
    xp = x.reshape(1024, 256)
    mf = m_ref[...].reshape(1024, 128) > 0
    gathered = jnp.sum(jnp.where(mf, xp[:, 128:], xp[:, :128]))
    acc_ref[0] = acc_ref[0] + (bce_sp - gathered)

    d = lp_ref[...] - lt_ref[...]
    ad = jnp.abs(d)
    sl1 = jnp.where(ad < 1.0, 0.5 * d * d, ad - 0.5)
    posl = (jnp.clip(t8_ref[...], 0, 1) > 0)[:, None, :]
    acc_ref[1] = acc_ref[1] + jnp.sum(jnp.where(posl, sl1, 0.0))

    @pl.when(step == last)
    def _fin():
        lane = lax.broadcasted_iota(jnp.int32, (1, 128), 1)
        vec = jnp.where(lane == 0, acc_ref[1],
                        jnp.where(lane == 1, acc_ref[0] / gts_den, 0.0))
        out_ref[...] = vec


def _tc_dense(xg, gts_masks, lp, lt, cls_targets, B, K, A, H, W, L):
    GI, GJ = 4, 4
    BB = B // GI
    awb = A // (GI * GJ)
    rows = H * (W // 128) * NC
    in_specs = [
        pl.BlockSpec((1, BB, rows, 128), lambda i, j: (j, i, 0, 0)),
        pl.BlockSpec((BB, H, W), lambda i, j: (i, 0, 0)),
        pl.BlockSpec((B, K, awb), lambda i, j: (0, 0, i * GJ + j)),
        pl.BlockSpec((B, K, awb), lambda i, j: (0, 0, i * GJ + j)),
        pl.BlockSpec((B, awb), lambda i, j: (0, i * GJ + j)),
    ]
    body = functools.partial(_tc_body, grid_i=GI, grid_j=GJ,
                             gts_den=float(L * B * H * W * NC))
    return pl.pallas_call(
        body,
        grid=(GI, GJ),
        in_specs=in_specs,
        out_specs=pl.BlockSpec((1, 128), lambda i, j: (0, 0)),
        out_shape=jax.ShapeDtypeStruct((1, 128), jnp.float32),
        scratch_shapes=[pltpu.SMEM((2,), jnp.float32)],
        compiler_params=pltpu.CompilerParams(
            dimension_semantics=("arbitrary", "arbitrary")),
    )(xg, gts_masks, lp, lt, cls_targets)


def _combine_body(sc_ref, tc_ref, out_ref):
    scv = sc_ref[...]
    l16 = lax.broadcasted_iota(jnp.int32, (8, 128), 1)
    cls_sum = jnp.sum(jnp.where(l16 == 0, scv, 0.0))
    n_tot = jnp.sum(jnp.where(l16 == 1, scv, 0.0))
    tcv = tc_ref[...]
    lane = lax.broadcasted_iota(jnp.int32, (1, 128), 1)
    loc_sum = jnp.sum(jnp.where(lane == 0, tcv, 0.0))
    gts_loss = jnp.sum(jnp.where(lane == 1, tcv, 0.0))
    vec = jnp.where(lane == 0, loc_sum / n_tot,
                    jnp.where(lane == 1, cls_sum / n_tot,
                              jnp.where(lane == 2, gts_loss, 0.0)))
    out_ref[...] = vec


def kernel(loc_preds, loc_targets, cls_preds, cls_targets, global_text_segs,
           gts_masks):
    B, A, K = loc_preds.shape
    L = global_text_segs.shape[0]
    H, W = gts_masks.shape[1:]

    lp = jnp.transpose(loc_preds, (0, 2, 1))
    lt = jnp.transpose(loc_targets, (0, 2, 1))
    cp = cls_preds.reshape(B, A // 128, 128, NC).transpose(0, 1, 3, 2)
    cp = cp.reshape(B, (A // 128) * NC, 128)
    xg = global_text_segs.reshape(L, B, H, W // 128, 128, NC)
    xg = xg.transpose(0, 1, 2, 3, 5, 4).reshape(L, B, H * (W // 128) * NC, 128)

    sc_out = _sc_cls(cp, cls_targets)
    tc_out = _tc_dense(xg, gts_masks, lp, lt, cls_targets, B, K, A, H, W, L)

    out = pl.pallas_call(
        _combine_body,
        out_shape=jax.ShapeDtypeStruct((1, 128), jnp.float32),
    )(sc_out, tc_out)
    return (out[0, 0], out[0, 1], out[0, 2])

# --- scband reference (transcript-rebuilt; emitter-appended) ---
"""Pipeline reference for scband-ohem-loss-79645873537712 (READ-ONLY COPY).

The authoritative reference and input builder live on the scoring server;
editing this copy changes nothing except your own understanding.
"""

import jax, jax.numpy as jnp
import numpy as np

NUM_CLASSES = 2
NEGPOS_RATIO = 3


def log_sum_exp(x):
    x_max = x.max()
    return jnp.log(jnp.sum(jnp.exp(x - x_max), axis=1, keepdims=True)) + x_max


def setup_inputs(seed: int = 0) -> dict:
    key = jax.random.key(seed)
    ks = jax.random.split(key, 6)
    B, A = 8, 16384
    L, H, W = 4, 256, 256
    loc_preds = jax.random.normal(ks[0], (B, A, 8), dtype=jnp.float32)
    loc_targets = jax.random.normal(ks[1], (B, A, 8), dtype=jnp.float32)
    cls_preds = jax.random.normal(ks[2], (B, A, NUM_CLASSES), dtype=jnp.float32)
    cls_targets = jax.random.randint(ks[3], (B, A), 0, 2, dtype=jnp.int32)
    global_text_segs = jax.random.normal(ks[4], (L, B, H, W, NUM_CLASSES), dtype=jnp.float32)
    gts_masks = jax.random.randint(ks[5], (B, H, W), 0, 2, dtype=jnp.int32)
    return {"loc_preds": loc_preds, "loc_targets": loc_targets, "cls_preds": cls_preds,
            "cls_targets": cls_targets, "global_text_segs": global_text_segs, "gts_masks": gts_masks}


def reference(loc_preds, loc_targets, cls_preds, cls_targets, global_text_segs, gts_masks):
    B, A = cls_targets.shape
    cls_t = jnp.clip(cls_targets, 0, 1)
    pos = cls_t > 0

    # SmoothL1 (sum) over positive anchors
    d = loc_preds - loc_targets
    ad = jnp.abs(d)
    sl1 = jnp.where(ad < 1.0, 0.5 * d * d, ad - 0.5)
    loc_loss = jnp.sum(sl1 * pos[..., None].astype(loc_preds.dtype))

    # OHEM: rank conf losses of negatives
    batch_conf = cls_preds.reshape(-1, NUM_CLASSES)
    lse = log_sum_exp(batch_conf)
    gathered = jnp.take_along_axis(batch_conf, cls_t.reshape(-1, 1), axis=1)
    loss_c = (lse - gathered).reshape(B, A)
    loss_c = jnp.where(pos, 0.0, loss_c)
    loss_idx = jnp.argsort(-loss_c, axis=1)  # descending sort indices
    idx_rank = jnp.argsort(loss_idx, axis=1)
    num_pos = jnp.sum(pos.astype(jnp.int32), axis=1, keepdims=True)
    num_neg = jnp.minimum(NEGPOS_RATIO * num_pos, A - 1)
    neg = idx_rank < num_neg
    sel = (pos | neg).astype(cls_preds.dtype)

    # cross entropy (sum) over selected anchors
    ce = jax.nn.logsumexp(cls_preds, axis=-1) - jnp.take_along_axis(cls_preds, cls_t[..., None], axis=-1)[..., 0]
    cls_loss = jnp.sum(ce * sel)

    N = jnp.sum(num_pos).astype(jnp.float32)
    loc_loss = loc_loss / N
    cls_loss = cls_loss / N

    # global text segmentation BCE-with-logits (mean) per level, then mean over levels
    onehot = jax.nn.one_hot(gts_masks.reshape(-1), NUM_CLASSES, dtype=jnp.float32)
    losses = []
    for i in range(global_text_segs.shape[0]):
        pm = global_text_segs[i].reshape(-1, NUM_CLASSES)
        bce = jnp.maximum(pm, 0.0) - pm * onehot + jnp.log1p(jnp.exp(-jnp.abs(pm)))
        losses.append(jnp.mean(bce))
    gts_loss = jnp.mean(jnp.stack(losses))
    return (loc_loss, cls_loss, gts_loss)

if __name__ == "__main__":
    import jax
    _d = setup_inputs()
    print(jax.jit(kernel)(*tuple(_d.values())))

</pallas_src>

<mosaic_0001>
#map = affine_map<(d0, d1) -> (0, 0, 0)>
#map1 = affine_map<(d0, d1) -> (0, 0)>
module attributes {stable_mosaic.version = 14 : i64} {
  func.func @_sc_body(%arg0: i32, %arg1: i32, %arg2: memref<8x256x128xf32, #tpu.memory_space<hbm>>, %arg3: memref<8x16384xi32, #tpu.memory_space<hbm>>, %arg4: memref<8x128xf32, #tpu.memory_space<hbm>>, %arg5: memref<256x128xf32, #tpu.memory_space<vmem>>, %arg6: memref<16384xi32, #tpu.memory_space<vmem>>, %arg7: memref<16384xf32, #tpu.memory_space<vmem>>, %arg8: memref<16384xf32, #tpu.memory_space<vmem>>, %arg9: memref<2048xf32, #tpu.memory_space<vmem>>, %arg10: memref<1056xf32, #tpu.memory_space<vmem>>, %arg11: memref<1056xf32, #tpu.memory_space<vmem>>, %arg12: memref<128xf32, #tpu.memory_space<vmem>>) attributes {dimension_semantics = [#tpu.dimension_semantics<core_parallel>, #tpu.dimension_semantics<subcore_parallel>], iteration_bounds = array<i64: 2, 16>, scalar_prefetch = 0 : i64, scratch_operands = 8 : i64, tpu.core_type = #tpu.core_type<sc_vector_subcore>, window_params = [{transform_indices = #map}, {transform_indices = #map1}, {transform_indices = #map1}]} {
    %eq3A = arith.constant 0 : i32
    %eq3A_0 = arith.cmpi eq, %arg0, %eq3A : i32
    %lt3A = arith.constant 8 : i32
    %lt3A_1 = arith.cmpi slt, %arg1, %lt3A : i32
    %and3A = arith.andi %eq3A_0, %lt3A_1 : i1
    %convert_element_type3A = arith.extui %and3A : i1 to i32
    %cond3A = arith.constant 0 : i32
    %cond3A_2 = arith.cmpi ne, %convert_element_type3A, %cond3A : i32
    scf.if %cond3A_2 {
      "tpu.region"() ({
        %run_scoped3A = tpu.sem_alloc : memref<!tpu.dma_semaphore, #tpu.memory_space<semaphore_mem>>
        %dma_start3A = arith.constant 0 : i32
        %dma_start3A_116 = arith.constant 0 : i32
        %dma_start3A_117 = tpu.memref_slice %arg2[%arg1, %dma_start3A, %dma_start3A_116] : memref<8x256x128xf32, #tpu.memory_space<hbm>> -> memref<1x256x128xf32, #tpu.memory_space<hbm>>
        %dma_start3A_118 = tpu.memref_squeeze %dma_start3A_117 : memref<1x256x128xf32, #tpu.memory_space<hbm>> -> memref<256x128xf32, #tpu.memory_space<hbm>>
        %dma_start3A_119 = arith.constant 0 : i32
        %dma_start3A_120 = arith.constant 0 : i32
        %dma_start3A_121 = tpu.memref_slice %arg2[%arg1, %dma_start3A_119, %dma_start3A_120] : memref<8x256x128xf32, #tpu.memory_space<hbm>> -> memref<1x256x128xf32, #tpu.memory_space<hbm>>
        %dma_start3A_122 = tpu.memref_squeeze %dma_start3A_121 : memref<1x256x128xf32, #tpu.memory_space<hbm>> -> memref<256x128xf32, #tpu.memory_space<hbm>>
        tpu.enqueue_dma source(%dma_start3A_122 : memref<256x128xf32, #tpu.memory_space<hbm>>) target(%arg5 : memref<256x128xf32, #tpu.memory_space<vmem>>) target_semaphore(%run_scoped3A : memref<!tpu.dma_semaphore, #tpu.memory_space<semaphore_mem>>)
        %dma_wait3A = arith.constant 0 : i32
        %dma_wait3A_123 = arith.constant 0 : i32
        %dma_wait3A_124 = tpu.memref_slice %arg2[%arg1, %dma_wait3A, %dma_wait3A_123] : memref<8x256x128xf32, #tpu.memory_space<hbm>> -> memref<1x256x128xf32, #tpu.memory_space<hbm>>
        %dma_wait3A_125 = tpu.memref_squeeze %dma_wait3A_124 : memref<1x256x128xf32, #tpu.memory_space<hbm>> -> memref<256x128xf32, #tpu.memory_space<hbm>>
        %dma_wait3A_126 = arith.constant 0 : i32
        %dma_wait3A_127 = arith.constant 0 : i32
        %dma_wait3A_128 = tpu.memref_slice %arg2[%arg1, %dma_wait3A_126, %dma_wait3A_127] : memref<8x256x128xf32, #tpu.memory_space<hbm>> -> memref<1x256x128xf32, #tpu.memory_space<hbm>>
        %dma_wait3A_129 = tpu.memref_squeeze %dma_wait3A_128 : memref<1x256x128xf32, #tpu.memory_space<hbm>> -> memref<256x128xf32, #tpu.memory_space<hbm>>
        tpu.wait_dma2 semaphore(%run_scoped3A : memref<!tpu.dma_semaphore, #tpu.memory_space<semaphore_mem>>) src(%dma_wait3A_129 : memref<256x128xf32, #tpu.memory_space<hbm>>) dst(%arg5 : memref<256x128xf32, #tpu.memory_space<vmem>>)
        tpu.yield
      }) : () -> ()
      "tpu.region"() ({
        %run_scoped3A = tpu.sem_alloc : memref<!tpu.dma_semaphore, #tpu.memory_space<semaphore_mem>>
        %dma_start3A = arith.constant 0 : i32
        %dma_start3A_116 = tpu.memref_slice %arg3[%arg1, %dma_start3A] : memref<8x16384xi32, #tpu.memory_space<hbm>> -> memref<1x16384xi32, #tpu.memory_space<hbm>>
        %dma_start3A_117 = tpu.memref_squeeze %dma_start3A_116 : memref<1x16384xi32, #tpu.memory_space<hbm>> -> memref<16384xi32, #tpu.memory_space<hbm>>
        %dma_start3A_118 = arith.constant 0 : i32
        %dma_start3A_119 = tpu.memref_slice %arg3[%arg1, %dma_start3A_118] : memref<8x16384xi32, #tpu.memory_space<hbm>> -> memref<1x16384xi32, #tpu.memory_space<hbm>>
        %dma_start3A_120 = tpu.memref_squeeze %dma_start3A_119 : memref<1x16384xi32, #tpu.memory_space<hbm>> -> memref<16384xi32, #tpu.memory_space<hbm>>
        tpu.enqueue_dma source(%dma_start3A_120 : memref<16384xi32, #tpu.memory_space<hbm>>) target(%arg6 : memref<16384xi32, #tpu.memory_space<vmem>>) target_semaphore(%run_scoped3A : memref<!tpu.dma_semaphore, #tpu.memory_space<semaphore_mem>>)
        %dma_wait3A = arith.constant 0 : i32
        %dma_wait3A_121 = tpu.memref_slice %arg3[%arg1, %dma_wait3A] : memref<8x16384xi32, #tpu.memory_space<hbm>> -> memref<1x16384xi32, #tpu.memory_space<hbm>>
        %dma_wait3A_122 = tpu.memref_squeeze %dma_wait3A_121 : memref<1x16384xi32, #tpu.memory_space<hbm>> -> memref<16384xi32, #tpu.memory_space<hbm>>
        %dma_wait3A_123 = arith.constant 0 : i32
        %dma_wait3A_124 = tpu.memref_slice %arg3[%arg1, %dma_wait3A_123] : memref<8x16384xi32, #tpu.memory_space<hbm>> -> memref<1x16384xi32, #tpu.memory_space<hbm>>
        %dma_wait3A_125 = tpu.memref_squeeze %dma_wait3A_124 : memref<1x16384xi32, #tpu.memory_space<hbm>> -> memref<16384xi32, #tpu.memory_space<hbm>>
        tpu.wait_dma2 semaphore(%run_scoped3A : memref<!tpu.dma_semaphore, #tpu.memory_space<semaphore_mem>>) src(%dma_wait3A_125 : memref<16384xi32, #tpu.memory_space<hbm>>) dst(%arg6 : memref<16384xi32, #tpu.memory_space<vmem>>)
        tpu.yield
      }) : () -> ()
      %broadcast_in_dim3A = arith.constant 0.000000e+00 : f32
      %broadcast_in_dim3A_3 = vector.broadcast %broadcast_in_dim3A : f32 to vector<16xf32>
      %scan3A = arith.constant 0 : i32
      %scan3A_4 = arith.constant 0 : i32
      %scan3A_5 = arith.constant 128 : i32
      %scan3A_6 = arith.addi %scan3A_4, %scan3A_5 : i32
      %scan3A_7 = arith.constant 1 : i32
      %scan3A_8 = scf.for %scan3A_116 = %scan3A_4 to %scan3A_6 step %scan3A_7 iter_args(%scan3A_117 = %scan3A) -> (i32)  : i32 {
        %mul3A_118 = arith.constant 16 : i32
        %mul3A_119 = arith.muli %scan3A_116, %mul3A_118 : i32
        %swap3A_120 = arith.index_cast %mul3A_119 : i32 to index
        %swap3A_121 = tpu.vector_load %arg9[%swap3A_120] {strides = array<i32>} : memref<2048xf32, #tpu.memory_space<vmem>>, vector<16xf32>,
        tpu.vector_store %arg9[%swap3A_120], %broadcast_in_dim3A_3 {strides = array<i32>} : memref<2048xf32, #tpu.memory_space<vmem>>, vector<16xf32>,
        %lt3A_122 = arith.constant 66 : i32
        %lt3A_123 = arith.cmpi slt, %scan3A_116, %lt3A_122 : i32
        %convert_element_type3A_124 = arith.extui %lt3A_123 : i1 to i32
        %cond3A_125 = arith.constant 0 : i32
        %cond3A_126 = arith.cmpi ne, %convert_element_type3A_124, %cond3A_125 : i32
        scf.if %cond3A_126 {
          %mul3A_128 = arith.constant 16 : i32
          %mul3A_129 = arith.muli %scan3A_116, %mul3A_128 : i32
          %swap3A_130 = arith.index_cast %mul3A_129 : i32 to index
          %swap3A_131 = tpu.vector_load %arg10[%swap3A_130] {strides = array<i32>} : memref<1056xf32, #tpu.memory_space<vmem>>, vector<16xf32>,
          tpu.vector_store %arg10[%swap3A_130], %broadcast_in_dim3A_3 {strides = array<i32>} : memref<1056xf32, #tpu.memory_space<vmem>>, vector<16xf32>,
          %mul3A_132 = arith.constant 16 : i32
          %mul3A_133 = arith.muli %scan3A_116, %mul3A_132 : i32
          %swap3A_134 = arith.index_cast %mul3A_133 : i32 to index
          %swap3A_135 = tpu.vector_load %arg11[%swap3A_134] {strides = array<i32>} : memref<1056xf32, #tpu.memory_space<vmem>>, vector<16xf32>,
          tpu.vector_store %arg11[%swap3A_134], %broadcast_in_dim3A_3 {strides = array<i32>} : memref<1056xf32, #tpu.memory_space<vmem>>, vector<16xf32>,
        } else {
        }
        %scan3A_127 = arith.constant 0 : i32
        scf.yield %scan3A_127 : i32
      }
      %scan3A_9 = arith.constant 128 : i32
      %broadcast_in_dim3A_10 = arith.constant 1.000000e+00 : f32
      %broadcast_in_dim3A_11 = vector.broadcast %broadcast_in_dim3A_10 : f32 to vector<16xf32>
      %scan3A_12 = arith.constant 0.000000e+00 : f32
      %scan3A_13 = arith.constant 0.000000e+00 : f32
      %scan3A_14 = arith.constant 0 : i32
      %scan3A_15 = arith.constant 256 : i32
      %scan3A_16 = arith.addi %scan3A_14, %scan3A_15 : i32
      %scan3A_17 = arith.constant 1 : i32
      %scan3A_18:2 = scf.for %scan3A_116 = %scan3A_14 to %scan3A_16 step %scan3A_17 iter_args(%scan3A_117 = %scan3A_12, %scan3A_118 = %scan3A_13) -> (f32, f32)  : i32 {
        %mul3A_119 = arith.constant 4 : i32
        %mul3A_120 = arith.muli %scan3A_116, %mul3A_119 : i32
        %add3A_121 = arith.constant 0 : i32
        %add3A_122 = arith.addi %mul3A_120, %add3A_121 : i32
        %shift_right_arithmetic3A = arith.constant 3 : i32
        %shift_right_arithmetic3A_123 = arith.shrsi %add3A_122, %shift_right_arithmetic3A : i32
        %and3A_124 = arith.constant 7 : i32
        %and3A_125 = arith.andi %add3A_122, %and3A_124 : i32
        %mul3A_126 = arith.constant 16 : i32
        %mul3A_127 = arith.muli %and3A_125, %mul3A_126 : i32
        %mul3A_128 = arith.constant 2 : i32
        %mul3A_129 = arith.muli %mul3A_128, %shift_right_arithmetic3A_123 : i32
        %get3A = arith.index_cast %mul3A_129 : i32 to index
        %get3A_130 = arith.index_cast %mul3A_127 : i32 to index
        %get3A_131 = tpu.vector_load %arg5[%get3A, %get3A_130] {strides = array<i32>} : memref<256x128xf32, #tpu.memory_space<vmem>>, vector<16xf32>,
        %mul3A_132 = arith.constant 2 : i32
        %mul3A_133 = arith.muli %mul3A_132, %shift_right_arithmetic3A_123 : i32
        %add3A_134 = arith.constant 1 : i32
        %add3A_135 = arith.addi %mul3A_133, %add3A_134 : i32
        %get3A_136 = arith.index_cast %add3A_135 : i32 to index
        %get3A_137 = arith.index_cast %mul3A_127 : i32 to index
        %get3A_138 = tpu.vector_load %arg5[%get3A_136, %get3A_137] {strides = array<i32>} : memref<256x128xf32, #tpu.memory_space<vmem>>, vector<16xf32>,
        %mul3A_139 = arith.constant 16 : i32
        %mul3A_140 = arith.muli %add3A_122, %mul3A_139 : i32
        %get3A_141 = arith.index_cast %mul3A_140 : i32 to index
        %get3A_142 = tpu.vector_load %arg6[%get3A_141] {strides = array<i32>} : memref<16384xi32, #tpu.memory_space<vmem>>, vector<16xi32>,
        %jit3A_143 = arith.constant 0 : i32
        %jit3A_144 = arith.constant 1 : i32
        %max3A = vector.broadcast %jit3A_143 : i32 to vector<16xi32>
        %max3A_145 = arith.maxsi %max3A, %get3A_142 : vector<16xi32>
        %min3A_146 = vector.broadcast %jit3A_144 : i32 to vector<16xi32>
        %min3A_147 = arith.minsi %min3A_146, %max3A_145 : vector<16xi32>
        %gt3A_148 = arith.constant 0 : i32
        %gt3A_149 = vector.broadcast %gt3A_148 : i32 to vector<16xi32>
        %gt3A_150 = arith.cmpi sgt, %min3A_147, %gt3A_149 : vector<16xi32>
        %max3A_151 = arith.maximumf %get3A_131, %get3A_138 : vector<16xf32>
        %select_n3A_152 = arith.select %gt3A_150, %get3A_138, %get3A_131 : vector<16xi1>, vector<16xf32>
        %sub3A = arith.subf %max3A_151, %select_n3A_152 : vector<16xf32>
        %sub3A_153 = arith.subf %get3A_131, %get3A_138 : vector<16xf32>
        %abs3A = math.absf %sub3A_153 : vector<16xf32>
        %neg3A = arith.constant 0.000000e+00 : f32
        %neg3A_154 = vector.broadcast %neg3A : f32 to vector<16xf32>
        %neg3A_155 = arith.subf %neg3A_154, %abs3A : vector<16xf32>
        %exp3A = math.exp %neg3A_155 : vector<16xf32>
        %broadcast_in_dim3A_156 = arith.constant -0.00226099533 : f32
        %broadcast_in_dim3A_157 = vector.broadcast %broadcast_in_dim3A_156 : f32 to vector<16xf32>
        %mul3A_158 = arith.mulf %broadcast_in_dim3A_157, %exp3A : vector<16xf32>
        %add3A_159 = arith.constant 0.0150553491 : f32
        %add3A_160 = vector.broadcast %add3A_159 : f32 to vector<16xf32>
        %add3A_161 = arith.addf %mul3A_158, %add3A_160 : vector<16xf32>
        %mul3A_162 = arith.mulf %add3A_161, %exp3A : vector<16xf32>
        %add3A_163 = arith.constant -0.0470511355 : f32
        %add3A_164 = vector.broadcast %add3A_163 : f32 to vector<16xf32>
        %add3A_165 = arith.addf %mul3A_162, %add3A_164 : vector<16xf32>
        %mul3A_166 = arith.mulf %add3A_165, %exp3A : vector<16xf32>
        %add3A_167 = arith.constant 0.0947555601 : f32
        %add3A_168 = vector.broadcast %add3A_167 : f32 to vector<16xf32>
        %add3A_169 = arith.addf %mul3A_166, %add3A_168 : vector<16xf32>
        %mul3A_170 = arith.mulf %add3A_169, %exp3A : vector<16xf32>
        %add3A_171 = arith.constant -0.145339638 : f32
        %add3A_172 = vector.broadcast %add3A_171 : f32 to vector<16xf32>
        %add3A_173 = arith.addf %mul3A_170, %add3A_172 : vector<16xf32>
        %mul3A_174 = arith.mulf %add3A_173, %exp3A : vector<16xf32>
        %add3A_175 = arith.constant 0.193517506 : f32
        %add3A_176 = vector.broadcast %add3A_175 : f32 to vector<16xf32>
        %add3A_177 = arith.addf %mul3A_174, %add3A_176 : vector<16xf32>
        %mul3A_178 = arith.mulf %add3A_177, %exp3A : vector<16xf32>
        %add3A_179 = arith.constant -0.248720527 : f32
        %add3A_180 = vector.broadcast %add3A_179 : f32 to vector<16xf32>
        %add3A_181 = arith.addf %mul3A_178, %add3A_180 : vector<16xf32>
        %mul3A_182 = arith.mulf %add3A_181, %exp3A : vector<16xf32>
        %add3A_183 = arith.constant 0.333181918 : f32
        %add3A_184 = vector.broadcast %add3A_183 : f32 to vector<16xf32>
        %add3A_185 = arith.addf %mul3A_182, %add3A_184 : vector<16xf32>
        %mul3A_186 = arith.mulf %add3A_185, %exp3A : vector<16xf32>
        %add3A_187 = arith.constant -0.499990612 : f32
        %add3A_188 = vector.broadcast %add3A_187 : f32 to vector<16xf32>
        %add3A_189 = arith.addf %mul3A_186, %add3A_188 : vector<16xf32>
        %mul3A_190 = arith.mulf %add3A_189, %exp3A : vector<16xf32>
        %add3A_191 = arith.constant 0.999999761 : f32
        %add3A_192 = vector.broadcast %add3A_191 : f32 to vector<16xf32>
        %add3A_193 = arith.addf %mul3A_190, %add3A_192 : vector<16xf32>
        %mul3A_194 = arith.mulf %add3A_193, %exp3A : vector<16xf32>
        %add3A_195 = arith.constant 9.47330769E-10 : f32
        %add3A_196 = vector.broadcast %add3A_195 : f32 to vector<16xf32>
        %add3A_197 = arith.addf %mul3A_194, %add3A_196 : vector<16xf32>
        %add3A_198 = arith.addf %sub3A, %add3A_197 : vector<16xf32>
        %jit3A_199 = arith.constant 0.000000e+00 : f32
        %broadcast_in_dim3A_200 = vector.broadcast %jit3A_199 : f32 to vector<16xf32>
        %select_n3A_201 = arith.select %gt3A_150, %broadcast_in_dim3A_200, %add3A_198 : vector<16xi1>, vector<16xf32>
        %mul3A_202 = arith.constant 16 : i32
        %mul3A_203 = arith.muli %add3A_122, %mul3A_202 : i32
        %swap3A_204 = arith.index_cast %mul3A_203 : i32 to index
        %swap3A_205 = tpu.vector_load %arg8[%swap3A_204] {strides = array<i32>} : memref<16384xf32, #tpu.memory_space<vmem>>, vector<16xf32>,
        tpu.vector_store %arg8[%swap3A_204], %add3A_198 {strides = array<i32>} : memref<16384xf32, #tpu.memory_space<vmem>>, vector<16xf32>,
        %mul3A_206 = arith.constant 16 : i32
        %mul3A_207 = arith.muli %add3A_122, %mul3A_206 : i32
        %swap3A_208 = arith.index_cast %mul3A_207 : i32 to index
        %swap3A_209 = tpu.vector_load %arg7[%swap3A_208] {strides = array<i32>} : memref<16384xf32, #tpu.memory_space<vmem>>, vector<16xf32>,
        tpu.vector_store %arg7[%swap3A_208], %select_n3A_201 {strides = array<i32>} : memref<16384xf32, #tpu.memory_space<vmem>>, vector<16xf32>,
        %bitcast_convert_type3A_210 = tpu.bitcast %select_n3A_201 : vector<16xf32> -> vector<16xi32>
        %shift_right_logical3A = arith.constant 20 : i32
        %shift_right_logical3A_211 = vector.broadcast %shift_right_logical3A : i32 to vector<16xi32>
        %shift_right_logical3A_212 = arith.shrui %bitcast_convert_type3A_210, %shift_right_logical3A_211 : vector<16xi32>
        tpu.vector_store_idx %arg9[%shift_right_logical3A_212], %broadcast_in_dim3A_11 {add = true} : memref<2048xf32, #tpu.memory_space<vmem>>[vector<16xi32>], vector<16xf32>,
        %convert_element_type3A_213 = arith.extui %gt3A_150 : vector<16xi1> to vector<16xi32>
        %convert_element_type3A_214 = arith.sitofp %convert_element_type3A_213 : vector<16xi32> to vector<16xf32>
        %reduce_sum3A = arith.constant true
        %reduce_sum3A_215 = vector.broadcast %reduce_sum3A : i1 to vector<16xi1>
        %reduce_sum3A_216 = tpu.scan <sum>, %convert_element_type3A_214 masked %reduce_sum3A_215 : vector<16xf32>, vector<16xi1> -> vector<16xf32>
        %reduce_sum3A_217 = vector.extract %reduce_sum3A_216[15] : f32 from vector<16xf32>
        %add3A_218 = arith.addf %scan3A_117, %reduce_sum3A_217 : f32
        %jit3A_219 = arith.constant 0.000000e+00 : f32
        %broadcast_in_dim3A_220 = vector.broadcast %jit3A_219 : f32 to vector<16xf32>
        %select_n3A_221 = arith.select %gt3A_150, %add3A_198, %broadcast_in_dim3A_220 : vector<16xi1>, vector<16xf32>
        %reduce_sum3A_222 = arith.constant true
        %reduce_sum3A_223 = vector.broadcast %reduce_sum3A_222 : i1 to vector<16xi1>
        %reduce_sum3A_224 = tpu.scan <sum>, %select_n3A_221 masked %reduce_sum3A_223 : vector<16xf32>, vector<16xi1> -> vector<16xf32>
        %reduce_sum3A_225 = vector.extract %reduce_sum3A_224[15] : f32 from vector<16xf32>
        %add3A_226 = arith.addf %scan3A_118, %reduce_sum3A_225 : f32
        %mul3A_227 = arith.constant 4 : i32
        %mul3A_228 = arith.muli %scan3A_116, %mul3A_227 : i32
        %add3A_229 = arith.constant 1 : i32
        %add3A_230 = arith.addi %mul3A_228, %add3A_229 : i32
        %shift_right_arithmetic3A_231 = arith.constant 3 : i32
        %shift_right_arithmetic3A_232 = arith.shrsi %add3A_230, %shift_right_arithmetic3A_231 : i32
        %and3A_233 = arith.constant 7 : i32
        %and3A_234 = arith.andi %add3A_230, %and3A_233 : i32
        %mul3A_235 = arith.constant 16 : i32
        %mul3A_236 = arith.muli %and3A_234, %mul3A_235 : i32
        %mul3A_237 = arith.constant 2 : i32
        %mul3A_238 = arith.muli %mul3A_237, %shift_right_arithmetic3A_232 : i32
        %get3A_239 = arith.index_cast %mul3A_238 : i32 to index
        %get3A_240 = arith.index_cast %mul3A_236 : i32 to index
        %get3A_241 = tpu.vector_load %arg5[%get3A_239, %get3A_240] {strides = array<i32>} : memref<256x128xf32, #tpu.memory_space<vmem>>, vector<16xf32>,
        %mul3A_242 = arith.constant 2 : i32
        %mul3A_243 = arith.muli %mul3A_242, %shift_right_arithmetic3A_232 : i32
        %add3A_244 = arith.constant 1 : i32
        %add3A_245 = arith.addi %mul3A_243, %add3A_244 : i32
        %get3A_246 = arith.index_cast %add3A_245 : i32 to index
        %get3A_247 = arith.index_cast %mul3A_236 : i32 to index
        %get3A_248 = tpu.vector_load %arg5[%get3A_246, %get3A_247] {strides = array<i32>} : memref<256x128xf32, #tpu.memory_space<vmem>>, vector<16xf32>,
        %mul3A_249 = arith.constant 16 : i32
        %mul3A_250 = arith.muli %add3A_230, %mul3A_249 : i32
        %get3A_251 = arith.index_cast %mul3A_250 : i32 to index
        %get3A_252 = tpu.vector_load %arg6[%get3A_251] {strides = array<i32>} : memref<16384xi32, #tpu.memory_space<vmem>>, vector<16xi32>,
        %jit3A_253 = arith.constant 0 : i32
        %jit3A_254 = arith.constant 1 : i32
        %max3A_255 = vector.broadcast %jit3A_253 : i32 to vector<16xi32>
        %max3A_256 = arith.maxsi %max3A_255, %get3A_252 : vector<16xi32>
        %min3A_257 = vector.broadcast %jit3A_254 : i32 to vector<16xi32>
        %min3A_258 = arith.minsi %min3A_257, %max3A_256 : vector<16xi32>
        %gt3A_259 = arith.constant 0 : i32
        %gt3A_260 = vector.broadcast %gt3A_259 : i32 to vector<16xi32>
        %gt3A_261 = arith.cmpi sgt, %min3A_258, %gt3A_260 : vector<16xi32>
        %max3A_262 = arith.maximumf %get3A_241, %get3A_248 : vector<16xf32>
        %select_n3A_263 = arith.select %gt3A_261, %get3A_248, %get3A_241 : vector<16xi1>, vector<16xf32>
        %sub3A_264 = arith.subf %max3A_262, %select_n3A_263 : vector<16xf32>
        %sub3A_265 = arith.subf %get3A_241, %get3A_248 : vector<16xf32>
        %abs3A_266 = math.absf %sub3A_265 : vector<16xf32>
        %neg3A_267 = arith.constant 0.000000e+00 : f32
        %neg3A_268 = vector.broadcast %neg3A_267 : f32 to vector<16xf32>
        %neg3A_269 = arith.subf %neg3A_268, %abs3A_266 : vector<16xf32>
        %exp3A_270 = math.exp %neg3A_269 : vector<16xf32>
        %broadcast_in_dim3A_271 = arith.constant -0.00226099533 : f32
        %broadcast_in_dim3A_272 = vector.broadcast %broadcast_in_dim3A_271 : f32 to vector<16xf32>
        %mul3A_273 = arith.mulf %broadcast_in_dim3A_272, %exp3A_270 : vector<16xf32>
        %add3A_274 = arith.constant 0.0150553491 : f32
        %add3A_275 = vector.broadcast %add3A_274 : f32 to vector<16xf32>
        %add3A_276 = arith.addf %mul3A_273, %add3A_275 : vector<16xf32>
        %mul3A_277 = arith.mulf %add3A_276, %exp3A_270 : vector<16xf32>
        %add3A_278 = arith.constant -0.0470511355 : f32
        %add3A_279 = vector.broadcast %add3A_278 : f32 to vector<16xf32>
        %add3A_280 = arith.addf %mul3A_277, %add3A_279 : vector<16xf32>
        %mul3A_281 = arith.mulf %add3A_280, %exp3A_270 : vector<16xf32>
        %add3A_282 = arith.constant 0.0947555601 : f32
        %add3A_283 = vector.broadcast %add3A_282 : f32 to vector<16xf32>
        %add3A_284 = arith.addf %mul3A_281, %add3A_283 : vector<16xf32>
        %mul3A_285 = arith.mulf %add3A_284, %exp3A_270 : vector<16xf32>
        %add3A_286 = arith.constant -0.145339638 : f32
        %add3A_287 = vector.broadcast %add3A_286 : f32 to vector<16xf32>
        %add3A_288 = arith.addf %mul3A_285, %add3A_287 : vector<16xf32>
        %mul3A_289 = arith.mulf %add3A_288, %exp3A_270 : vector<16xf32>
        %add3A_290 = arith.constant 0.193517506 : f32
        %add3A_291 = vector.broadcast %add3A_290 : f32 to vector<16xf32>
        %add3A_292 = arith.addf %mul3A_289, %add3A_291 : vector<16xf32>
        %mul3A_293 = arith.mulf %add3A_292, %exp3A_270 : vector<16xf32>
        %add3A_294 = arith.constant -0.248720527 : f32
        %add3A_295 = vector.broadcast %add3A_294 : f32 to vector<16xf32>
        %add3A_296 = arith.addf %mul3A_293, %add3A_295 : vector<16xf32>
        %mul3A_297 = arith.mulf %add3A_296, %exp3A_270 : vector<16xf32>
        %add3A_298 = arith.constant 0.333181918 : f32
        %add3A_299 = vector.broadcast %add3A_298 : f32 to vector<16xf32>
        %add3A_300 = arith.addf %mul3A_297, %add3A_299 : vector<16xf32>
        %mul3A_301 = arith.mulf %add3A_300, %exp3A_270 : vector<16xf32>
        %add3A_302 = arith.constant -0.499990612 : f32
        %add3A_303 = vector.broadcast %add3A_302 : f32 to vector<16xf32>
        %add3A_304 = arith.addf %mul3A_301, %add3A_303 : vector<16xf32>
        %mul3A_305 = arith.mulf %add3A_304, %exp3A_270 : vector<16xf32>
        %add3A_306 = arith.constant 0.999999761 : f32
        %add3A_307 = vector.broadcast %add3A_306 : f32 to vector<16xf32>
        %add3A_308 = arith.addf %mul3A_305, %add3A_307 : vector<16xf32>
        %mul3A_309 = arith.mulf %add3A_308, %exp3A_270 : vector<16xf32>
        %add3A_310 = arith.constant 9.47330769E-10 : f32
        %add3A_311 = vector.broadcast %add3A_310 : f32 to vector<16xf32>
        %add3A_312 = arith.addf %mul3A_309, %add3A_311 : vector<16xf32>
        %add3A_313 = arith.addf %sub3A_264, %add3A_312 : vector<16xf32>
        %jit3A_314 = arith.constant 0.000000e+00 : f32
        %broadcast_in_dim3A_315 = vector.broadcast %jit3A_314 : f32 to vector<16xf32>
        %select_n3A_316 = arith.select %gt3A_261, %broadcast_in_dim3A_315, %add3A_313 : vector<16xi1>, vector<16xf32>
        %mul3A_317 = arith.constant 16 : i32
        %mul3A_318 = arith.muli %add3A_230, %mul3A_317 : i32
        %swap3A_319 = arith.index_cast %mul3A_318 : i32 to index
        %swap3A_320 = tpu.vector_load %arg8[%swap3A_319] {strides = array<i32>} : memref<16384xf32, #tpu.memory_space<vmem>>, vector<16xf32>,
        tpu.vector_store %arg8[%swap3A_319], %add3A_313 {strides = array<i32>} : memref<16384xf32, #tpu.memory_space<vmem>>, vector<16xf32>,
        %mul3A_321 = arith.constant 16 : i32
        %mul3A_322 = arith.muli %add3A_230, %mul3A_321 : i32
        %swap3A_323 = arith.index_cast %mul3A_322 : i32 to index
        %swap3A_324 = tpu.vector_load %arg7[%swap3A_323] {strides = array<i32>} : memref<16384xf32, #tpu.memory_space<vmem>>, vector<16xf32>,
        tpu.vector_store %arg7[%swap3A_323], %select_n3A_316 {strides = array<i32>} : memref<16384xf32, #tpu.memory_space<vmem>>, vector<16xf32>,
        %bitcast_convert_type3A_325 = tpu.bitcast %select_n3A_316 : vector<16xf32> -> vector<16xi32>
        %shift_right_logical3A_326 = arith.constant 20 : i32
        %shift_right_logical3A_327 = vector.broadcast %shift_right_logical3A_326 : i32 to vector<16xi32>
        %shift_right_logical3A_328 = arith.shrui %bitcast_convert_type3A_325, %shift_right_logical3A_327 : vector<16xi32>
        tpu.vector_store_idx %arg9[%shift_right_logical3A_328], %broadcast_in_dim3A_11 {add = true} : memref<2048xf32, #tpu.memory_space<vmem>>[vector<16xi32>], vector<16xf32>,
        %convert_element_type3A_329 = arith.extui %gt3A_261 : vector<16xi1> to vector<16xi32>
        %convert_element_type3A_330 = arith.sitofp %convert_element_type3A_329 : vector<16xi32> to vector<16xf32>
        %reduce_sum3A_331 = arith.constant true
        %reduce_sum3A_332 = vector.broadcast %reduce_sum3A_331 : i1 to vector<16xi1>
        %reduce_sum3A_333 = tpu.scan <sum>, %convert_element_type3A_330 masked %reduce_sum3A_332 : vector<16xf32>, vector<16xi1> -> vector<16xf32>
        %reduce_sum3A_334 = vector.extract %reduce_sum3A_333[15] : f32 from vector<16xf32>
        %add3A_335 = arith.addf %add3A_218, %reduce_sum3A_334 : f32
        %jit3A_336 = arith.constant 0.000000e+00 : f32
        %broadcast_in_dim3A_337 = vector.broadcast %jit3A_336 : f32 to vector<16xf32>
        %select_n3A_338 = arith.select %gt3A_261, %add3A_313, %broadcast_in_dim3A_337 : vector<16xi1>, vector<16xf32>
        %reduce_sum3A_339 = arith.constant true
        %reduce_sum3A_340 = vector.broadcast %reduce_sum3A_339 : i1 to vector<16xi1>
        %reduce_sum3A_341 = tpu.scan <sum>, %select_n3A_338 masked %reduce_sum3A_340 : vector<16xf32>, vector<16xi1> -> vector<16xf32>
        %reduce_sum3A_342 = vector.extract %reduce_sum3A_341[15] : f32 from vector<16xf32>
        %add3A_343 = arith.addf %add3A_226, %reduce_sum3A_342 : f32
        %mul3A_344 = arith.constant 4 : i32
        %mul3A_345 = arith.muli %scan3A_116, %mul3A_344 : i32
        %add3A_346 = arith.constant 2 : i32
        %add3A_347 = arith.addi %mul3A_345, %add3A_346 : i32
        %shift_right_arithmetic3A_348 = arith.constant 3 : i32
        %shift_right_arithmetic3A_349 = arith.shrsi %add3A_347, %shift_right_arithmetic3A_348 : i32
        %and3A_350 = arith.constant 7 : i32
        %and3A_351 = arith.andi %add3A_347, %and3A_350 : i32
        %mul3A_352 = arith.constant 16 : i32
        %mul3A_353 = arith.muli %and3A_351, %mul3A_352 : i32
        %mul3A_354 = arith.constant 2 : i32
        %mul3A_355 = arith.muli %mul3A_354, %shift_right_arithmetic3A_349 : i32
        %get3A_356 = arith.index_cast %mul3A_355 : i32 to index
        %get3A_357 = arith.index_cast %mul3A_353 : i32 to index
        %get3A_358 = tpu.vector_load %arg5[%get3A_356, %get3A_357] {strides = array<i32>} : memref<256x128xf32, #tpu.memory_space<vmem>>, vector<16xf32>,
        %mul3A_359 = arith.constant 2 : i32
        %mul3A_360 = arith.muli %mul3A_359, %shift_right_arithmetic3A_349 : i32
        %add3A_361 = arith.constant 1 : i32
        %add3A_362 = arith.addi %mul3A_360, %add3A_361 : i32
        %get3A_363 = arith.index_cast %add3A_362 : i32 to index
        %get3A_364 = arith.index_cast %mul3A_353 : i32 to index
        %get3A_365 = tpu.vector_load %arg5[%get3A_363, %get3A_364] {strides = array<i32>} : memref<256x128xf32, #tpu.memory_space<vmem>>, vector<16xf32>,
        %mul3A_366 = arith.constant 16 : i32
        %mul3A_367 = arith.muli %add3A_347, %mul3A_366 : i32
        %get3A_368 = arith.index_cast %mul3A_367 : i32 to index
        %get3A_369 = tpu.vector_load %arg6[%get3A_368] {strides = array<i32>} : memref<16384xi32, #tpu.memory_space<vmem>>, vector<16xi32>,
        %jit3A_370 = arith.constant 0 : i32
        %jit3A_371 = arith.constant 1 : i32
        %max3A_372 = vector.broadcast %jit3A_370 : i32 to vector<16xi32>
        %max3A_373 = arith.maxsi %max3A_372, %get3A_369 : vector<16xi32>
        %min3A_374 = vector.broadcast %jit3A_371 : i32 to vector<16xi32>
        %min3A_375 = arith.minsi %min3A_374, %max3A_373 : vector<16xi32>
        %gt3A_376 = arith.constant 0 : i32
        %gt3A_377 = vector.broadcast %gt3A_376 : i32 to vector<16xi32>
        %gt3A_378 = arith.cmpi sgt, %min3A_375, %gt3A_377 : vector<16xi32>
        %max3A_379 = arith.maximumf %get3A_358, %get3A_365 : vector<16xf32>
        %select_n3A_380 = arith.select %gt3A_378, %get3A_365, %get3A_358 : vector<16xi1>, vector<16xf32>
        %sub3A_381 = arith.subf %max3A_379, %select_n3A_380 : vector<16xf32>
        %sub3A_382 = arith.subf %get3A_358, %get3A_365 : vector<16xf32>
        %abs3A_383 = math.absf %sub3A_382 : vector<16xf32>
        %neg3A_384 = arith.constant 0.000000e+00 : f32
        %neg3A_385 = vector.broadcast %neg3A_384 : f32 to vector<16xf32>
        %neg3A_386 = arith.subf %neg3A_385, %abs3A_383 : vector<16xf32>
        %exp3A_387 = math.exp %neg3A_386 : vector<16xf32>
        %broadcast_in_dim3A_388 = arith.constant -0.00226099533 : f32
        %broadcast_in_dim3A_389 = vector.broadcast %broadcast_in_dim3A_388 : f32 to vector<16xf32>
        %mul3A_390 = arith.mulf %broadcast_in_dim3A_389, %exp3A_387 : vector<16xf32>
        %add3A_391 = arith.constant 0.0150553491 : f32
        %add3A_392 = vector.broadcast %add3A_391 : f32 to vector<16xf32>
        %add3A_393 = arith.addf %mul3A_390, %add3A_392 : vector<16xf32>
        %mul3A_394 = arith.mulf %add3A_393, %exp3A_387 : vector<16xf32>
        %add3A_395 = arith.constant -0.0470511355 : f32
        %add3A_396 = vector.broadcast %add3A_395 : f32 to vector<16xf32>
        %add3A_397 = arith.addf %mul3A_394, %add3A_396 : vector<16xf32>
        %mul3A_398 = arith.mulf %add3A_397, %exp3A_387 : vector<16xf32>
        %add3A_399 = arith.constant 0.0947555601 : f32
        %add3A_400 = vector.broadcast %add3A_399 : f32 to vector<16xf32>
        %add3A_401 = arith.addf %mul3A_398, %add3A_400 : vector<16xf32>
        %mul3A_402 = arith.mulf %add3A_401, %exp3A_387 : vector<16xf32>
        %add3A_403 = arith.constant -0.145339638 : f32
        %add3A_404 = vector.broadcast %add3A_403 : f32 to vector<16xf32>
        %add3A_405 = arith.addf %mul3A_402, %add3A_404 : vector<16xf32>
        %mul3A_406 = arith.mulf %add3A_405, %exp3A_387 : vector<16xf32>
        %add3A_407 = arith.constant 0.193517506 : f32
        %add3A_408 = vector.broadcast %add3A_407 : f32 to vector<16xf32>
        %add3A_409 = arith.addf %mul3A_406, %add3A_408 : vector<16xf32>
        %mul3A_410 = arith.mulf %add3A_409, %exp3A_387 : vector<16xf32>
        %add3A_411 = arith.constant -0.248720527 : f32
        %add3A_412 = vector.broadcast %add3A_411 : f32 to vector<16xf32>
        %add3A_413 = arith.addf %mul3A_410, %add3A_412 : vector<16xf32>
        %mul3A_414 = arith.mulf %add3A_413, %exp3A_387 : vector<16xf32>
        %add3A_415 = arith.constant 0.333181918 : f32
        %add3A_416 = vector.broadcast %add3A_415 : f32 to vector<16xf32>
        %add3A_417 = arith.addf %mul3A_414, %add3A_416 : vector<16xf32>
        %mul3A_418 = arith.mulf %add3A_417, %exp3A_387 : vector<16xf32>
        %add3A_419 = arith.constant -0.499990612 : f32
        %add3A_420 = vector.broadcast %add3A_419 : f32 to vector<16xf32>
        %add3A_421 = arith.addf %mul3A_418, %add3A_420 : vector<16xf32>
        %mul3A_422 = arith.mulf %add3A_421, %exp3A_387 : vector<16xf32>
        %add3A_423 = arith.constant 0.999999761 : f32
        %add3A_424 = vector.broadcast %add3A_423 : f32 to vector<16xf32>
        %add3A_425 = arith.addf %mul3A_422, %add3A_424 : vector<16xf32>
        %mul3A_426 = arith.mulf %add3A_425, %exp3A_387 : vector<16xf32>
        %add3A_427 = arith.constant 9.47330769E-10 : f32
        %add3A_428 = vector.broadcast %add3A_427 : f32 to vector<16xf32>
        %add3A_429 = arith.addf %mul3A_426, %add3A_428 : vector<16xf32>
        %add3A_430 = arith.addf %sub3A_381, %add3A_429 : vector<16xf32>
        %jit3A_431 = arith.constant 0.000000e+00 : f32
        %broadcast_in_dim3A_432 = vector.broadcast %jit3A_431 : f32 to vector<16xf32>
        %select_n3A_433 = arith.select %gt3A_378, %broadcast_in_dim3A_432, %add3A_430 : vector<16xi1>, vector<16xf32>
        %mul3A_434 = arith.constant 16 : i32
        %mul3A_435 = arith.muli %add3A_347, %mul3A_434 : i32
        %swap3A_436 = arith.index_cast %mul3A_435 : i32 to index
        %swap3A_437 = tpu.vector_load %arg8[%swap3A_436] {strides = array<i32>} : memref<16384xf32, #tpu.memory_space<vmem>>, vector<16xf32>,
        tpu.vector_store %arg8[%swap3A_436], %add3A_430 {strides = array<i32>} : memref<16384xf32, #tpu.memory_space<vmem>>, vector<16xf32>,
        %mul3A_438 = arith.constant 16 : i32
        %mul3A_439 = arith.muli %add3A_347, %mul3A_438 : i32
        %swap3A_440 = arith.index_cast %mul3A_439 : i32 to index
        %swap3A_441 = tpu.vector_load %arg7[%swap3A_440] {strides = array<i32>} : memref<16384xf32, #tpu.memory_space<vmem>>, vector<16xf32>,
        tpu.vector_store %arg7[%swap3A_440], %select_n3A_433 {strides = array<i32>} : memref<16384xf32, #tpu.memory_space<vmem>>, vector<16xf32>,
        %bitcast_convert_type3A_442 = tpu.bitcast %select_n3A_433 : vector<16xf32> -> vector<16xi32>
        %shift_right_logical3A_443 = arith.constant 20 : i32
        %shift_right_logical3A_444 = vector.broadcast %shift_right_logical3A_443 : i32 to vector<16xi32>
        %shift_right_logical3A_445 = arith.shrui %bitcast_convert_type3A_442, %shift_right_logical3A_444 : vector<16xi32>
        tpu.vector_store_idx %arg9[%shift_right_logical3A_445], %broadcast_in_dim3A_11 {add = true} : memref<2048xf32, #tpu.memory_space<vmem>>[vector<16xi32>], vector<16xf32>,
        %convert_element_type3A_446 = arith.extui %gt3A_378 : vector<16xi1> to vector<16xi32>
        %convert_element_type3A_447 = arith.sitofp %convert_element_type3A_446 : vector<16xi32> to vector<16xf32>
        %reduce_sum3A_448 = arith.constant true
        %reduce_sum3A_449 = vector.broadcast %reduce_sum3A_448 : i1 to vector<16xi1>
        %reduce_sum3A_450 = tpu.scan <sum>, %convert_element_type3A_447 masked %reduce_sum3A_449 : vector<16xf32>, vector<16xi1> -> vector<16xf32>
        %reduce_sum3A_451 = vector.extract %reduce_sum3A_450[15] : f32 from vector<16xf32>
        %add3A_452 = arith.addf %add3A_335, %reduce_sum3A_451 : f32
        %jit3A_453 = arith.constant 0.000000e+00 : f32
        %broadcast_in_dim3A_454 = vector.broadcast %jit3A_453 : f32 to vector<16xf32>
        %select_n3A_455 = arith.select %gt3A_378, %add3A_430, %broadcast_in_dim3A_454 : vector<16xi1>, vector<16xf32>
        %reduce_sum3A_456 = arith.constant true
        %reduce_sum3A_457 = vector.broadcast %reduce_sum3A_456 : i1 to vector<16xi1>
        %reduce_sum3A_458 = tpu.scan <sum>, %select_n3A_455 masked %reduce_sum3A_457 : vector<16xf32>, vector<16xi1> -> vector<16xf32>
        %reduce_sum3A_459 = vector.extract %reduce_sum3A_458[15] : f32 from vector<16xf32>
        %add3A_460 = arith.addf %add3A_343, %reduce_sum3A_459 : f32
        %mul3A_461 = arith.constant 4 : i32
        %mul3A_462 = arith.muli %scan3A_116, %mul3A_461 : i32
        %add3A_463 = arith.constant 3 : i32
        %add3A_464 = arith.addi %mul3A_462, %add3A_463 : i32
        %shift_right_arithmetic3A_465 = arith.constant 3 : i32
        %shift_right_arithmetic3A_466 = arith.shrsi %add3A_464, %shift_right_arithmetic3A_465 : i32
        %and3A_467 = arith.constant 7 : i32
        %and3A_468 = arith.andi %add3A_464, %and3A_467 : i32
        %mul3A_469 = arith.constant 16 : i32
        %mul3A_470 = arith.muli %and3A_468, %mul3A_469 : i32
        %mul3A_471 = arith.constant 2 : i32
        %mul3A_472 = arith.muli %mul3A_471, %shift_right_arithmetic3A_466 : i32
        %get3A_473 = arith.index_cast %mul3A_472 : i32 to index
        %get3A_474 = arith.index_cast %mul3A_470 : i32 to index
        %get3A_475 = tpu.vector_load %arg5[%get3A_473, %get3A_474] {strides = array<i32>} : memref<256x128xf32, #tpu.memory_space<vmem>>, vector<16xf32>,
        %mul3A_476 = arith.constant 2 : i32
        %mul3A_477 = arith.muli %mul3A_476, %shift_right_arithmetic3A_466 : i32
        %add3A_478 = arith.constant 1 : i32
        %add3A_479 = arith.addi %mul3A_477, %add3A_478 : i32
        %get3A_480 = arith.index_cast %add3A_479 : i32 to index
        %get3A_481 = arith.index_cast %mul3A_470 : i32 to index
        %get3A_482 = tpu.vector_load %arg5[%get3A_480, %get3A_481] {strides = array<i32>} : memref<256x128xf32, #tpu.memory_space<vmem>>, vector<16xf32>,
        %mul3A_483 = arith.constant 16 : i32
        %mul3A_484 = arith.muli %add3A_464, %mul3A_483 : i32
        %get3A_485 = arith.index_cast %mul3A_484 : i32 to index
        %get3A_486 = tpu.vector_load %arg6[%get3A_485] {strides = array<i32>} : memref<16384xi32, #tpu.memory_space<vmem>>, vector<16xi32>,
        %jit3A_487 = arith.constant 0 : i32
        %jit3A_488 = arith.constant 1 : i32
        %max3A_489 = vector.broadcast %jit3A_487 : i32 to vector<16xi32>
        %max3A_490 = arith.maxsi %max3A_489, %get3A_486 : vector<16xi32>
        %min3A_491 = vector.broadcast %jit3A_488 : i32 to vector<16xi32>
        %min3A_492 = arith.minsi %min3A_491, %max3A_490 : vector<16xi32>
        %gt3A_493 = arith.constant 0 : i32
        %gt3A_494 = vector.broadcast %gt3A_493 : i32 to vector<16xi32>
        %gt3A_495 = arith.cmpi sgt, %min3A_492, %gt3A_494 : vector<16xi32>
        %max3A_496 = arith.maximumf %get3A_475, %get3A_482 : vector<16xf32>
        %select_n3A_497 = arith.select %gt3A_495, %get3A_482, %get3A_475 : vector<16xi1>, vector<16xf32>
        %sub3A_498 = arith.subf %max3A_496, %select_n3A_497 : vector<16xf32>
        %sub3A_499 = arith.subf %get3A_475, %get3A_482 : vector<16xf32>
        %abs3A_500 = math.absf %sub3A_499 : vector<16xf32>
        %neg3A_501 = arith.constant 0.000000e+00 : f32
        %neg3A_502 = vector.broadcast %neg3A_501 : f32 to vector<16xf32>
        %neg3A_503 = arith.subf %neg3A_502, %abs3A_500 : vector<16xf32>
        %exp3A_504 = math.exp %neg3A_503 : vector<16xf32>
        %broadcast_in_dim3A_505 = arith.constant -0.00226099533 : f32
        %broadcast_in_dim3A_506 = vector.broadcast %broadcast_in_dim3A_505 : f32 to vector<16xf32>
        %mul3A_507 = arith.mulf %broadcast_in_dim3A_506, %exp3A_504 : vector<16xf32>
        %add3A_508 = arith.constant 0.0150553491 : f32
        %add3A_509 = vector.broadcast %add3A_508 : f32 to vector<16xf32>
        %add3A_510 = arith.addf %mul3A_507, %add3A_509 : vector<16xf32>
        %mul3A_511 = arith.mulf %add3A_510, %exp3A_504 : vector<16xf32>
        %add3A_512 = arith.constant -0.0470511355 : f32
        %add3A_513 = vector.broadcast %add3A_512 : f32 to vector<16xf32>
        %add3A_514 = arith.addf %mul3A_511, %add3A_513 : vector<16xf32>
        %mul3A_515 = arith.mulf %add3A_514, %exp3A_504 : vector<16xf32>
        %add3A_516 = arith.constant 0.0947555601 : f32
        %add3A_517 = vector.broadcast %add3A_516 : f32 to vector<16xf32>
        %add3A_518 = arith.addf %mul3A_515, %add3A_517 : vector<16xf32>
        %mul3A_519 = arith.mulf %add3A_518, %exp3A_504 : vector<16xf32>
        %add3A_520 = arith.constant -0.145339638 : f32
        %add3A_521 = vector.broadcast %add3A_520 : f32 to vector<16xf32>
        %add3A_522 = arith.addf %mul3A_519, %add3A_521 : vector<16xf32>
        %mul3A_523 = arith.mulf %add3A_522, %exp3A_504 : vector<16xf32>
        %add3A_524 = arith.constant 0.193517506 : f32
        %add3A_525 = vector.broadcast %add3A_524 : f32 to vector<16xf32>
        %add3A_526 = arith.addf %mul3A_523, %add3A_525 : vector<16xf32>
        %mul3A_527 = arith.mulf %add3A_526, %exp3A_504 : vector<16xf32>
        %add3A_528 = arith.constant -0.248720527 : f32
        %add3A_529 = vector.broadcast %add3A_528 : f32 to vector<16xf32>
        %add3A_530 = arith.addf %mul3A_527, %add3A_529 : vector<16xf32>
        %mul3A_531 = arith.mulf %add3A_530, %exp3A_504 : vector<16xf32>
        %add3A_532 = arith.constant 0.333181918 : f32
        %add3A_533 = vector.broadcast %add3A_532 : f32 to vector<16xf32>
        %add3A_534 = arith.addf %mul3A_531, %add3A_533 : vector<16xf32>
        %mul3A_535 = arith.mulf %add3A_534, %exp3A_504 : vector<16xf32>
        %add3A_536 = arith.constant -0.499990612 : f32
        %add3A_537 = vector.broadcast %add3A_536 : f32 to vector<16xf32>
        %add3A_538 = arith.addf %mul3A_535, %add3A_537 : vector<16xf32>
        %mul3A_539 = arith.mulf %add3A_538, %exp3A_504 : vector<16xf32>
        %add3A_540 = arith.constant 0.999999761 : f32
        %add3A_541 = vector.broadcast %add3A_540 : f32 to vector<16xf32>
        %add3A_542 = arith.addf %mul3A_539, %add3A_541 : vector<16xf32>
        %mul3A_543 = arith.mulf %add3A_542, %exp3A_504 : vector<16xf32>
        %add3A_544 = arith.constant 9.47330769E-10 : f32
        %add3A_545 = vector.broadcast %add3A_544 : f32 to vector<16xf32>
        %add3A_546 = arith.addf %mul3A_543, %add3A_545 : vector<16xf32>
        %add3A_547 = arith.addf %sub3A_498, %add3A_546 : vector<16xf32>
        %jit3A_548 = arith.constant 0.000000e+00 : f32
        %broadcast_in_dim3A_549 = vector.broadcast %jit3A_548 : f32 to vector<16xf32>
        %select_n3A_550 = arith.select %gt3A_495, %broadcast_in_dim3A_549, %add3A_547 : vector<16xi1>, vector<16xf32>
        %mul3A_551 = arith.constant 16 : i32
        %mul3A_552 = arith.muli %add3A_464, %mul3A_551 : i32
        %swap3A_553 = arith.index_cast %mul3A_552 : i32 to index
        %swap3A_554 = tpu.vector_load %arg8[%swap3A_553] {strides = array<i32>} : memref<16384xf32, #tpu.memory_space<vmem>>, vector<16xf32>,
        tpu.vector_store %arg8[%swap3A_553], %add3A_547 {strides = array<i32>} : memref<16384xf32, #tpu.memory_space<vmem>>, vector<16xf32>,
        %mul3A_555 = arith.constant 16 : i32
        %mul3A_556 = arith.muli %add3A_464, %mul3A_555 : i32
        %swap3A_557 = arith.index_cast %mul3A_556 : i32 to index
        %swap3A_558 = tpu.vector_load %arg7[%swap3A_557] {strides = array<i32>} : memref<16384xf32, #tpu.memory_space<vmem>>, vector<16xf32>,
        tpu.vector_store %arg7[%swap3A_557], %select_n3A_550 {strides = array<i32>} : memref<16384xf32, #tpu.memory_space<vmem>>, vector<16xf32>,
        %bitcast_convert_type3A_559 = tpu.bitcast %select_n3A_550 : vector<16xf32> -> vector<16xi32>
        %shift_right_logical3A_560 = arith.constant 20 : i32
        %shift_right_logical3A_561 = vector.broadcast %shift_right_logical3A_560 : i32 to vector<16xi32>
        %shift_right_logical3A_562 = arith.shrui %bitcast_convert_type3A_559, %shift_right_logical3A_561 : vector<16xi32>
        tpu.vector_store_idx %arg9[%shift_right_logical3A_562], %broadcast_in_dim3A_11 {add = true} : memref<2048xf32, #tpu.memory_space<vmem>>[vector<16xi32>], vector<16xf32>,
        %convert_element_type3A_563 = arith.extui %gt3A_495 : vector<16xi1> to vector<16xi32>
        %convert_element_type3A_564 = arith.sitofp %convert_element_type3A_563 : vector<16xi32> to vector<16xf32>
        %reduce_sum3A_565 = arith.constant true
        %reduce_sum3A_566 = vector.broadcast %reduce_sum3A_565 : i1 to vector<16xi1>
        %reduce_sum3A_567 = tpu.scan <sum>, %convert_element_type3A_564 masked %reduce_sum3A_566 : vector<16xf32>, vector<16xi1> -> vector<16xf32>
        %reduce_sum3A_568 = vector.extract %reduce_sum3A_567[15] : f32 from vector<16xf32>
        %add3A_569 = arith.addf %add3A_452, %reduce_sum3A_568 : f32
        %jit3A_570 = arith.constant 0.000000e+00 : f32
        %broadcast_in_dim3A_571 = vector.broadcast %jit3A_570 : f32 to vector<16xf32>
        %select_n3A_572 = arith.select %gt3A_495, %add3A_547, %broadcast_in_dim3A_571 : vector<16xi1>, vector<16xf32>
        %reduce_sum3A_573 = arith.constant true
        %reduce_sum3A_574 = vector.broadcast %reduce_sum3A_573 : i1 to vector<16xi1>
        %reduce_sum3A_575 = tpu.scan <sum>, %select_n3A_572 masked %reduce_sum3A_574 : vector<16xf32>, vector<16xi1> -> vector<16xf32>
        %reduce_sum3A_576 = vector.extract %reduce_sum3A_575[15] : f32 from vector<16xf32>
        %add3A_577 = arith.addf %add3A_460, %reduce_sum3A_576 : f32
        scf.yield %add3A_569, %add3A_577 : f32, f32
      }
      %scan3A_19 = arith.constant 256 : i32
      %mul3A = arith.constant 3.000000e+00 : f32
      %mul3A_20 = arith.mulf %mul3A, %scan3A_18#0 : f32
      %min3A = arith.constant 1.638300e+04 : f32
      %min3A_21 = arith.minimumf %mul3A_20, %min3A : f32
      %iota3A = tpu.iota {dimensions = array<i32: 0>} : vector<16xi32>
      %scan3A_22 = arith.constant 0.000000e+00 : f32
      %scan3A_23 = arith.constant 0 : i32
      %scan3A_24 = arith.constant 0 : i32
      %scan3A_25 = arith.constant 0.000000e+00 : f32
      %scan3A_26 = arith.constant 0 : i32
      %scan3A_27 = arith.constant 128 : i32
      %scan3A_28 = arith.addi %scan3A_26, %scan3A_27 : i32
      %scan3A_29 = arith.constant 1 : i32
      %scan3A_30:4 = scf.for %scan3A_116 = %scan3A_26 to %scan3A_28 step %scan3A_29 iter_args(%scan3A_117 = %scan3A_22, %scan3A_118 = %scan3A_23, %scan3A_119 = %scan3A_24, %scan3A_120 = %scan3A_25) -> (f32, i32, i32, f32)  : i32 {
        %sub3A = arith.constant 127 : i32
        %sub3A_121 = arith.subi %sub3A, %scan3A_116 : i32
        %mul3A_122 = arith.constant 16 : i32
        %mul3A_123 = arith.muli %sub3A_121, %mul3A_122 : i32
        %get3A = arith.index_cast %mul3A_123 : i32 to index
        %get3A_124 = tpu.vector_load %arg9[%get3A] {strides = array<i32>} : memref<2048xf32, #tpu.memory_space<vmem>>, vector<16xf32>,
        %rev3A = arith.constant 15 : i32
        %rev3A_125 = vector.broadcast %rev3A : i32 to vector<16xi32>
        %rev3A_126 = tpu.iota {dimensions = array<i32: 0>} : vector<16xi32>
        %rev3A_127 = arith.subi %rev3A_125, %rev3A_126 : vector<16xi32>
        %rev3A_128 = tpu.dynamic_gather %get3A_124[%rev3A_127] in [0] : vector<16xf32>, vector<16xi32> -> vector<16xf32>
        %broadcast_in_dim3A_129 = arith.constant true
        %broadcast_in_dim3A_130 = vector.broadcast %broadcast_in_dim3A_129 : i1 to vector<16xi1>
        %masked_cumsum3A = tpu.scan <sum>, %rev3A_128 masked %broadcast_in_dim3A_130 : vector<16xf32>, vector<16xi1> -> vector<16xf32>
        %reduce_sum3A = arith.constant true
        %reduce_sum3A_131 = vector.broadcast %reduce_sum3A : i1 to vector<16xi1>
        %reduce_sum3A_132 = tpu.scan <sum>, %get3A_124 masked %reduce_sum3A_131 : vector<16xf32>, vector<16xi1> -> vector<16xf32>
        %reduce_sum3A_133 = vector.extract %reduce_sum3A_132[15] : f32 from vector<16xf32>
        %add3A_134 = arith.addf %scan3A_117, %reduce_sum3A_133 : f32
        %lt3A_135 = arith.cmpf olt, %scan3A_117, %min3A_21 : f32
        %ge3A = arith.cmpf oge, %add3A_134, %min3A_21 : f32
        %and3A_136 = arith.andi %lt3A_135, %ge3A : i1
        %eq3A_137 = arith.constant 0 : i32
        %eq3A_138 = arith.cmpi eq, %scan3A_118, %eq3A_137 : i32
        %and3A_139 = arith.andi %and3A_136, %eq3A_138 : i1
        %add3A_140 = vector.broadcast %scan3A_117 : f32 to vector<16xf32>
        %add3A_141 = arith.addf %add3A_140, %masked_cumsum3A : vector<16xf32>
        %ge3A_142 = vector.broadcast %min3A_21 : f32 to vector<16xf32>
        %ge3A_143 = arith.cmpf oge, %add3A_141, %ge3A_142 : vector<16xf32>
        %jit3A_144 = arith.constant 16 : i32
        %broadcast_in_dim3A_145 = vector.broadcast %jit3A_144 : i32 to vector<16xi32>
        %select_n3A_146 = arith.select %ge3A_143, %iota3A, %broadcast_in_dim3A_145 : vector<16xi1>, vector<16xi32>
        %reduce_min3A = arith.constant true
        %reduce_min3A_147 = vector.broadcast %reduce_min3A : i1 to vector<16xi1>
        %reduce_min3A_148 = arith.constant -2147483648 : i32
        %reduce_min3A_149 = vector.broadcast %reduce_min3A_148 : i32 to vector<16xi32>
        %reduce_min3A_150 = arith.xori %select_n3A_146, %reduce_min3A_149 : vector<16xi32>
        %reduce_min3A_151 = tpu.scan <min>, %reduce_min3A_150 masked %reduce_min3A_147 : vector<16xi32>, vector<16xi1> -> vector<16xi32>
        %reduce_min3A_152 = arith.xori %reduce_min3A_151, %reduce_min3A_149 : vector<16xi32>
        %reduce_min3A_153 = vector.extract %reduce_min3A_152[15] : i32 from vector<16xi32>
        %eq3A_154 = vector.broadcast %reduce_min3A_153 : i32 to vector<16xi32>
        %eq3A_155 = arith.cmpi eq, %iota3A, %eq3A_154 : vector<16xi32>
        %jit3A_156 = arith.constant 0.000000e+00 : f32
        %broadcast_in_dim3A_157 = vector.broadcast %jit3A_156 : f32 to vector<16xf32>
        %select_n3A_158 = arith.select %eq3A_155, %add3A_141, %broadcast_in_dim3A_157 : vector<16xi1>, vector<16xf32>
        %reduce_sum3A_159 = arith.constant true
        %reduce_sum3A_160 = vector.broadcast %reduce_sum3A_159 : i1 to vector<16xi1>
        %reduce_sum3A_161 = tpu.scan <sum>, %select_n3A_158 masked %reduce_sum3A_160 : vector<16xf32>, vector<16xi1> -> vector<16xf32>
        %reduce_sum3A_162 = vector.extract %reduce_sum3A_161[15] : f32 from vector<16xf32>
        %eq3A_163 = vector.broadcast %reduce_min3A_153 : i32 to vector<16xi32>
        %eq3A_164 = arith.cmpi eq, %iota3A, %eq3A_163 : vector<16xi32>
        %jit3A_165 = arith.constant 0.000000e+00 : f32
        %broadcast_in_dim3A_166 = vector.broadcast %jit3A_165 : f32 to vector<16xf32>
        %select_n3A_167 = arith.select %eq3A_164, %rev3A_128, %broadcast_in_dim3A_166 : vector<16xi1>, vector<16xf32>
        %reduce_sum3A_168 = arith.constant true
        %reduce_sum3A_169 = vector.broadcast %reduce_sum3A_168 : i1 to vector<16xi1>
        %reduce_sum3A_170 = tpu.scan <sum>, %select_n3A_167 masked %reduce_sum3A_169 : vector<16xf32>, vector<16xi1> -> vector<16xf32>
        %reduce_sum3A_171 = vector.extract %reduce_sum3A_170[15] : f32 from vector<16xf32>
        %mul3A_172 = arith.constant 16 : i32
        %mul3A_173 = arith.muli %sub3A_121, %mul3A_172 : i32
        %sub3A_174 = arith.constant 15 : i32
        %sub3A_175 = arith.subi %sub3A_174, %reduce_min3A_153 : i32
        %add3A_176 = arith.addi %mul3A_173, %sub3A_175 : i32
        %select_n3A_177 = arith.select %and3A_139, %add3A_176, %scan3A_119 : i32
        %sub3A_178 = arith.subf %reduce_sum3A_162, %reduce_sum3A_171 : f32
        %sub3A_179 = arith.subf %min3A_21, %sub3A_178 : f32
        %select_n3A_180 = arith.select %and3A_139, %sub3A_179, %scan3A_120 : f32
        %jit3A_181 = arith.constant 1 : i32
        %select_n3A_182 = arith.select %and3A_139, %jit3A_181, %scan3A_118 : i32
        scf.yield %add3A_134, %select_n3A_182, %select_n3A_177, %select_n3A_180 : f32, i32, i32, f32
      }
      %scan3A_31 = arith.constant 128 : i32
      %scan3A_32 = arith.constant 0 : i32
      %scan3A_33 = arith.constant 0 : i32
      %scan3A_34 = arith.constant 1024 : i32
      %scan3A_35 = arith.addi %scan3A_33, %scan3A_34 : i32
      %scan3A_36 = arith.constant 1 : i32
      %scan3A_37 = scf.for %scan3A_116 = %scan3A_33 to %scan3A_35 step %scan3A_36 iter_args(%scan3A_117 = %scan3A_32) -> (i32)  : i32 {
        %mul3A_118 = arith.constant 16 : i32
        %mul3A_119 = arith.muli %scan3A_116, %mul3A_118 : i32
        %get3A = arith.index_cast %mul3A_119 : i32 to index
        %get3A_120 = tpu.vector_load %arg7[%get3A] {strides = array<i32>} : memref<16384xf32, #tpu.memory_space<vmem>>, vector<16xf32>,
        %bitcast_convert_type3A_121 = tpu.bitcast %get3A_120 : vector<16xf32> -> vector<16xi32>
        %shift_right_logical3A = arith.constant 20 : i32
        %shift_right_logical3A_122 = vector.broadcast %shift_right_logical3A : i32 to vector<16xi32>
        %shift_right_logical3A_123 = arith.shrui %bitcast_convert_type3A_121, %shift_right_logical3A_122 : vector<16xi32>
        %eq3A_124 = vector.broadcast %scan3A_30#2 : i32 to vector<16xi32>
        %eq3A_125 = arith.cmpi eq, %shift_right_logical3A_123, %eq3A_124 : vector<16xi32>
        %shift_right_logical3A_126 = arith.constant 10 : i32
        %shift_right_logical3A_127 = vector.broadcast %shift_right_logical3A_126 : i32 to vector<16xi32>
        %shift_right_logical3A_128 = arith.shrui %bitcast_convert_type3A_121, %shift_right_logical3A_127 : vector<16xi32>
        %and3A_129 = arith.constant 1023 : i32
        %and3A_130 = vector.broadcast %and3A_129 : i32 to vector<16xi32>
        %and3A_131 = arith.andi %shift_right_logical3A_128, %and3A_130 : vector<16xi32>
        tpu.vector_store_idx %arg10[%and3A_131], %broadcast_in_dim3A_11 masked %eq3A_125 {add = true} : memref<1056xf32, #tpu.memory_space<vmem>>[vector<16xi32>], vector<16xf32>, vector<16xi1>
        %scan3A_132 = arith.constant 0 : i32
        scf.yield %scan3A_132 : i32
      }
      %scan3A_38 = arith.constant 1024 : i32
      %iota3A_39 = tpu.iota {dimensions = array<i32: 0>} : vector<16xi32>
      %scan3A_40 = arith.constant 0.000000e+00 : f32
      %scan3A_41 = arith.constant 0 : i32
      %scan3A_42 = arith.constant 0 : i32
      %scan3A_43 = arith.constant 0.000000e+00 : f32
      %scan3A_44 = arith.constant 0 : i32
      %scan3A_45 = arith.constant 64 : i32
      %scan3A_46 = arith.addi %scan3A_44, %scan3A_45 : i32
      %scan3A_47 = arith.constant 1 : i32
      %scan3A_48:4 = scf.for %scan3A_116 = %scan3A_44 to %scan3A_46 step %scan3A_47 iter_args(%scan3A_117 = %scan3A_40, %scan3A_118 = %scan3A_41, %scan3A_119 = %scan3A_42, %scan3A_120 = %scan3A_43) -> (f32, i32, i32, f32)  : i32 {
        %sub3A = arith.constant 63 : i32
        %sub3A_121 = arith.subi %sub3A, %scan3A_116 : i32
        %mul3A_122 = arith.constant 16 : i32
        %mul3A_123 = arith.muli %sub3A_121, %mul3A_122 : i32
        %get3A = arith.index_cast %mul3A_123 : i32 to index
        %get3A_124 = tpu.vector_load %arg10[%get3A] {strides = array<i32>} : memref<1056xf32, #tpu.memory_space<vmem>>, vector<16xf32>,
        %rev3A = arith.constant 15 : i32
        %rev3A_125 = vector.broadcast %rev3A : i32 to vector<16xi32>
        %rev3A_126 = tpu.iota {dimensions = array<i32: 0>} : vector<16xi32>
        %rev3A_127 = arith.subi %rev3A_125, %rev3A_126 : vector<16xi32>
        %rev3A_128 = tpu.dynamic_gather %get3A_124[%rev3A_127] in [0] : vector<16xf32>, vector<16xi32> -> vector<16xf32>
        %broadcast_in_dim3A_129 = arith.constant true
        %broadcast_in_dim3A_130 = vector.broadcast %broadcast_in_dim3A_129 : i1 to vector<16xi1>
        %masked_cumsum3A = tpu.scan <sum>, %rev3A_128 masked %broadcast_in_dim3A_130 : vector<16xf32>, vector<16xi1> -> vector<16xf32>
        %reduce_sum3A = arith.constant true
        %reduce_sum3A_131 = vector.broadcast %reduce_sum3A : i1 to vector<16xi1>
        %reduce_sum3A_132 = tpu.scan <sum>, %get3A_124 masked %reduce_sum3A_131 : vector<16xf32>, vector<16xi1> -> vector<16xf32>
        %reduce_sum3A_133 = vector.extract %reduce_sum3A_132[15] : f32 from vector<16xf32>
        %add3A_134 = arith.addf %scan3A_117, %reduce_sum3A_133 : f32
        %lt3A_135 = arith.cmpf olt, %scan3A_117, %scan3A_30#3 : f32
        %ge3A = arith.cmpf oge, %add3A_134, %scan3A_30#3 : f32
        %and3A_136 = arith.andi %lt3A_135, %ge3A : i1
        %eq3A_137 = arith.constant 0 : i32
        %eq3A_138 = arith.cmpi eq, %scan3A_118, %eq3A_137 : i32
        %and3A_139 = arith.andi %and3A_136, %eq3A_138 : i1
        %add3A_140 = vector.broadcast %scan3A_117 : f32 to vector<16xf32>
        %add3A_141 = arith.addf %add3A_140, %masked_cumsum3A : vector<16xf32>
        %ge3A_142 = vector.broadcast %scan3A_30#3 : f32 to vector<16xf32>
        %ge3A_143 = arith.cmpf oge, %add3A_141, %ge3A_142 : vector<16xf32>
        %jit3A_144 = arith.constant 16 : i32
        %broadcast_in_dim3A_145 = vector.broadcast %jit3A_144 : i32 to vector<16xi32>
        %select_n3A_146 = arith.select %ge3A_143, %iota3A_39, %broadcast_in_dim3A_145 : vector<16xi1>, vector<16xi32>
        %reduce_min3A = arith.constant true
        %reduce_min3A_147 = vector.broadcast %reduce_min3A : i1 to vector<16xi1>
        %reduce_min3A_148 = arith.constant -2147483648 : i32
        %reduce_min3A_149 = vector.broadcast %reduce_min3A_148 : i32 to vector<16xi32>
        %reduce_min3A_150 = arith.xori %select_n3A_146, %reduce_min3A_149 : vector<16xi32>
        %reduce_min3A_151 = tpu.scan <min>, %reduce_min3A_150 masked %reduce_min3A_147 : vector<16xi32>, vector<16xi1> -> vector<16xi32>
        %reduce_min3A_152 = arith.xori %reduce_min3A_151, %reduce_min3A_149 : vector<16xi32>
        %reduce_min3A_153 = vector.extract %reduce_min3A_152[15] : i32 from vector<16xi32>
        %eq3A_154 = vector.broadcast %reduce_min3A_153 : i32 to vector<16xi32>
        %eq3A_155 = arith.cmpi eq, %iota3A_39, %eq3A_154 : vector<16xi32>
        %jit3A_156 = arith.constant 0.000000e+00 : f32
        %broadcast_in_dim3A_157 = vector.broadcast %jit3A_156 : f32 to vector<16xf32>
        %select_n3A_158 = arith.select %eq3A_155, %add3A_141, %broadcast_in_dim3A_157 : vector<16xi1>, vector<16xf32>
        %reduce_sum3A_159 = arith.constant true
        %reduce_sum3A_160 = vector.broadcast %reduce_sum3A_159 : i1 to vector<16xi1>
        %reduce_sum3A_161 = tpu.scan <sum>, %select_n3A_158 masked %reduce_sum3A_160 : vector<16xf32>, vector<16xi1> -> vector<16xf32>
        %reduce_sum3A_162 = vector.extract %reduce_sum3A_161[15] : f32 from vector<16xf32>
        %eq3A_163 = vector.broadcast %reduce_min3A_153 : i32 to vector<16xi32>
        %eq3A_164 = arith.cmpi eq, %iota3A_39, %eq3A_163 : vector<16xi32>
        %jit3A_165 = arith.constant 0.000000e+00 : f32
        %broadcast_in_dim3A_166 = vector.broadcast %jit3A_165 : f32 to vector<16xf32>
        %select_n3A_167 = arith.select %eq3A_164, %rev3A_128, %broadcast_in_dim3A_166 : vector<16xi1>, vector<16xf32>
        %reduce_sum3A_168 = arith.constant true
        %reduce_sum3A_169 = vector.broadcast %reduce_sum3A_168 : i1 to vector<16xi1>
        %reduce_sum3A_170 = tpu.scan <sum>, %select_n3A_167 masked %reduce_sum3A_169 : vector<16xf32>, vector<16xi1> -> vector<16xf32>
        %reduce_sum3A_171 = vector.extract %reduce_sum3A_170[15] : f32 from vector<16xf32>
        %mul3A_172 = arith.constant 16 : i32
        %mul3A_173 = arith.muli %sub3A_121, %mul3A_172 : i32
        %sub3A_174 = arith.constant 15 : i32
        %sub3A_175 = arith.subi %sub3A_174, %reduce_min3A_153 : i32
        %add3A_176 = arith.addi %mul3A_173, %sub3A_175 : i32
        %select_n3A_177 = arith.select %and3A_139, %add3A_176, %scan3A_119 : i32
        %sub3A_178 = arith.subf %reduce_sum3A_162, %reduce_sum3A_171 : f32
        %sub3A_179 = arith.subf %scan3A_30#3, %sub3A_178 : f32
        %select_n3A_180 = arith.select %and3A_139, %sub3A_179, %scan3A_120 : f32
        %jit3A_181 = arith.constant 1 : i32
        %select_n3A_182 = arith.select %and3A_139, %jit3A_181, %scan3A_118 : i32
        scf.yield %add3A_134, %select_n3A_182, %select_n3A_177, %select_n3A_180 : f32, i32, i32, f32
      }
      %scan3A_49 = arith.constant 64 : i32
      %shift_left3A = arith.constant 10 : i32
      %shift_left3A_50 = arith.shli %scan3A_30#2, %shift_left3A : i32
      %or3A = arith.ori %shift_left3A_50, %scan3A_48#2 : i32
      %scan3A_51 = arith.constant 0 : i32
      %scan3A_52 = arith.constant 0 : i32
      %scan3A_53 = arith.constant 1024 : i32
      %scan3A_54 = arith.addi %scan3A_52, %scan3A_53 : i32
      %scan3A_55 = arith.constant 1 : i32
      %scan3A_56 = scf.for %scan3A_116 = %scan3A_52 to %scan3A_54 step %scan3A_55 iter_args(%scan3A_117 = %scan3A_51) -> (i32)  : i32 {
        %mul3A_118 = arith.constant 16 : i32
        %mul3A_119 = arith.muli %scan3A_116, %mul3A_118 : i32
        %get3A = arith.index_cast %mul3A_119 : i32 to index
        %get3A_120 = tpu.vector_load %arg7[%get3A] {strides = array<i32>} : memref<16384xf32, #tpu.memory_space<vmem>>, vector<16xf32>,
        %bitcast_convert_type3A_121 = tpu.bitcast %get3A_120 : vector<16xf32> -> vector<16xi32>
        %shift_right_logical3A = arith.constant 10 : i32
        %shift_right_logical3A_122 = vector.broadcast %shift_right_logical3A : i32 to vector<16xi32>
        %shift_right_logical3A_123 = arith.shrui %bitcast_convert_type3A_121, %shift_right_logical3A_122 : vector<16xi32>
        %eq3A_124 = vector.broadcast %or3A : i32 to vector<16xi32>
        %eq3A_125 = arith.cmpi eq, %shift_right_logical3A_123, %eq3A_124 : vector<16xi32>
        %and3A_126 = arith.constant 1023 : i32
        %and3A_127 = vector.broadcast %and3A_126 : i32 to vector<16xi32>
        %and3A_128 = arith.andi %bitcast_convert_type3A_121, %and3A_127 : vector<16xi32>
        tpu.vector_store_idx %arg11[%and3A_128], %broadcast_in_dim3A_11 masked %eq3A_125 {add = true} : memref<1056xf32, #tpu.memory_space<vmem>>[vector<16xi32>], vector<16xf32>, vector<16xi1>
        %scan3A_129 = arith.constant 0 : i32
        scf.yield %scan3A_129 : i32
      }
      %scan3A_57 = arith.constant 1024 : i32
      %iota3A_58 = tpu.iota {dimensions = array<i32: 0>} : vector<16xi32>
      %scan3A_59 = arith.constant 0.000000e+00 : f32
      %scan3A_60 = arith.constant 0 : i32
      %scan3A_61 = arith.constant 0 : i32
      %scan3A_62 = arith.constant 0.000000e+00 : f32
      %scan3A_63 = arith.constant 0 : i32
      %scan3A_64 = arith.constant 64 : i32
      %scan3A_65 = arith.addi %scan3A_63, %scan3A_64 : i32
      %scan3A_66 = arith.constant 1 : i32
      %scan3A_67:4 = scf.for %scan3A_116 = %scan3A_63 to %scan3A_65 step %scan3A_66 iter_args(%scan3A_117 = %scan3A_59, %scan3A_118 = %scan3A_60, %scan3A_119 = %scan3A_61, %scan3A_120 = %scan3A_62) -> (f32, i32, i32, f32)  : i32 {
        %sub3A = arith.constant 63 : i32
        %sub3A_121 = arith.subi %sub3A, %scan3A_116 : i32
        %mul3A_122 = arith.constant 16 : i32
        %mul3A_123 = arith.muli %sub3A_121, %mul3A_122 : i32
        %get3A = arith.index_cast %mul3A_123 : i32 to index
        %get3A_124 = tpu.vector_load %arg11[%get3A] {strides = array<i32>} : memref<1056xf32, #tpu.memory_space<vmem>>, vector<16xf32>,
        %rev3A = arith.constant 15 : i32
        %rev3A_125 = vector.broadcast %rev3A : i32 to vector<16xi32>
        %rev3A_126 = tpu.iota {dimensions = array<i32: 0>} : vector<16xi32>
        %rev3A_127 = arith.subi %rev3A_125, %rev3A_126 : vector<16xi32>
        %rev3A_128 = tpu.dynamic_gather %get3A_124[%rev3A_127] in [0] : vector<16xf32>, vector<16xi32> -> vector<16xf32>
        %broadcast_in_dim3A_129 = arith.constant true
        %broadcast_in_dim3A_130 = vector.broadcast %broadcast_in_dim3A_129 : i1 to vector<16xi1>
        %masked_cumsum3A = tpu.scan <sum>, %rev3A_128 masked %broadcast_in_dim3A_130 : vector<16xf32>, vector<16xi1> -> vector<16xf32>
        %reduce_sum3A = arith.constant true
        %reduce_sum3A_131 = vector.broadcast %reduce_sum3A : i1 to vector<16xi1>
        %reduce_sum3A_132 = tpu.scan <sum>, %get3A_124 masked %reduce_sum3A_131 : vector<16xf32>, vector<16xi1> -> vector<16xf32>
        %reduce_sum3A_133 = vector.extract %reduce_sum3A_132[15] : f32 from vector<16xf32>
        %add3A_134 = arith.addf %scan3A_117, %reduce_sum3A_133 : f32
        %lt3A_135 = arith.cmpf olt, %scan3A_117, %scan3A_48#3 : f32
        %ge3A = arith.cmpf oge, %add3A_134, %scan3A_48#3 : f32
        %and3A_136 = arith.andi %lt3A_135, %ge3A : i1
        %eq3A_137 = arith.constant 0 : i32
        %eq3A_138 = arith.cmpi eq, %scan3A_118, %eq3A_137 : i32
        %and3A_139 = arith.andi %and3A_136, %eq3A_138 : i1
        %add3A_140 = vector.broadcast %scan3A_117 : f32 to vector<16xf32>
        %add3A_141 = arith.addf %add3A_140, %masked_cumsum3A : vector<16xf32>
        %ge3A_142 = vector.broadcast %scan3A_48#3 : f32 to vector<16xf32>
        %ge3A_143 = arith.cmpf oge, %add3A_141, %ge3A_142 : vector<16xf32>
        %jit3A_144 = arith.constant 16 : i32
        %broadcast_in_dim3A_145 = vector.broadcast %jit3A_144 : i32 to vector<16xi32>
        %select_n3A_146 = arith.select %ge3A_143, %iota3A_58, %broadcast_in_dim3A_145 : vector<16xi1>, vector<16xi32>
        %reduce_min3A = arith.constant true
        %reduce_min3A_147 = vector.broadcast %reduce_min3A : i1 to vector<16xi1>
        %reduce_min3A_148 = arith.constant -2147483648 : i32
        %reduce_min3A_149 = vector.broadcast %reduce_min3A_148 : i32 to vector<16xi32>
        %reduce_min3A_150 = arith.xori %select_n3A_146, %reduce_min3A_149 : vector<16xi32>
        %reduce_min3A_151 = tpu.scan <min>, %reduce_min3A_150 masked %reduce_min3A_147 : vector<16xi32>, vector<16xi1> -> vector<16xi32>
        %reduce_min3A_152 = arith.xori %reduce_min3A_151, %reduce_min3A_149 : vector<16xi32>
        %reduce_min3A_153 = vector.extract %reduce_min3A_152[15] : i32 from vector<16xi32>
        %eq3A_154 = vector.broadcast %reduce_min3A_153 : i32 to vector<16xi32>
        %eq3A_155 = arith.cmpi eq, %iota3A_58, %eq3A_154 : vector<16xi32>
        %jit3A_156 = arith.constant 0.000000e+00 : f32
        %broadcast_in_dim3A_157 = vector.broadcast %jit3A_156 : f32 to vector<16xf32>
        %select_n3A_158 = arith.select %eq3A_155, %add3A_141, %broadcast_in_dim3A_157 : vector<16xi1>, vector<16xf32>
        %reduce_sum3A_159 = arith.constant true
        %reduce_sum3A_160 = vector.broadcast %reduce_sum3A_159 : i1 to vector<16xi1>
        %reduce_sum3A_161 = tpu.scan <sum>, %select_n3A_158 masked %reduce_sum3A_160 : vector<16xf32>, vector<16xi1> -> vector<16xf32>
        %reduce_sum3A_162 = vector.extract %reduce_sum3A_161[15] : f32 from vector<16xf32>
        %eq3A_163 = vector.broadcast %reduce_min3A_153 : i32 to vector<16xi32>
        %eq3A_164 = arith.cmpi eq, %iota3A_58, %eq3A_163 : vector<16xi32>
        %jit3A_165 = arith.constant 0.000000e+00 : f32
        %broadcast_in_dim3A_166 = vector.broadcast %jit3A_165 : f32 to vector<16xf32>
        %select_n3A_167 = arith.select %eq3A_164, %rev3A_128, %broadcast_in_dim3A_166 : vector<16xi1>, vector<16xf32>
        %reduce_sum3A_168 = arith.constant true
        %reduce_sum3A_169 = vector.broadcast %reduce_sum3A_168 : i1 to vector<16xi1>
        %reduce_sum3A_170 = tpu.scan <sum>, %select_n3A_167 masked %reduce_sum3A_169 : vector<16xf32>, vector<16xi1> -> vector<16xf32>
        %reduce_sum3A_171 = vector.extract %reduce_sum3A_170[15] : f32 from vector<16xf32>
        %mul3A_172 = arith.constant 16 : i32
        %mul3A_173 = arith.muli %sub3A_121, %mul3A_172 : i32
        %sub3A_174 = arith.constant 15 : i32
        %sub3A_175 = arith.subi %sub3A_174, %reduce_min3A_153 : i32
        %add3A_176 = arith.addi %mul3A_173, %sub3A_175 : i32
        %select_n3A_177 = arith.select %and3A_139, %add3A_176, %scan3A_119 : i32
        %sub3A_178 = arith.subf %reduce_sum3A_162, %reduce_sum3A_171 : f32
        %sub3A_179 = arith.subf %scan3A_48#3, %sub3A_178 : f32
        %select_n3A_180 = arith.select %and3A_139, %sub3A_179, %scan3A_120 : f32
        %jit3A_181 = arith.constant 1 : i32
        %select_n3A_182 = arith.select %and3A_139, %jit3A_181, %scan3A_118 : i32
        scf.yield %add3A_134, %select_n3A_182, %select_n3A_177, %select_n3A_180 : f32, i32, i32, f32
      }
      %scan3A_68 = arith.constant 64 : i32
      %shift_left3A_69 = arith.constant 20 : i32
      %shift_left3A_70 = arith.shli %scan3A_30#2, %shift_left3A_69 : i32
      %shift_left3A_71 = arith.constant 10 : i32
      %shift_left3A_72 = arith.shli %scan3A_48#2, %shift_left3A_71 : i32
      %or3A_73 = arith.ori %shift_left3A_70, %shift_left3A_72 : i32
      %or3A_74 = arith.ori %or3A_73, %scan3A_67#2 : i32
      %jit3A = arith.constant 2139095040 : i32
      %ne3A = arith.constant 0 : i32
      %ne3A_75 = arith.cmpi ne, %scan3A_67#1, %ne3A : i32
      %select_n3A = arith.select %ne3A_75, %or3A_74, %jit3A : i32
      %broadcast_in_dim3A_76 = vector.broadcast %select_n3A : i32 to vector<16xi32>
      %bitcast_convert_type3A = tpu.bitcast %broadcast_in_dim3A_76 : vector<16xi32> -> vector<16xf32>
      %scan3A_77 = arith.constant 0.000000e+00 : f32
      %scan3A_78 = arith.constant 0 : i32
      %scan3A_79 = arith.constant 256 : i32
      %scan3A_80 = arith.addi %scan3A_78, %scan3A_79 : i32
      %scan3A_81 = arith.constant 1 : i32
      %scan3A_82 = scf.for %scan3A_116 = %scan3A_78 to %scan3A_80 step %scan3A_81 iter_args(%scan3A_117 = %scan3A_77) -> (f32)  : i32 {
        %mul3A_118 = arith.constant 4 : i32
        %mul3A_119 = arith.muli %scan3A_116, %mul3A_118 : i32
        %add3A_120 = arith.constant 0 : i32
        %add3A_121 = arith.addi %mul3A_119, %add3A_120 : i32
        %mul3A_122 = arith.constant 16 : i32
        %mul3A_123 = arith.muli %add3A_121, %mul3A_122 : i32
        %get3A = arith.index_cast %mul3A_123 : i32 to index
        %get3A_124 = tpu.vector_load %arg7[%get3A] {strides = array<i32>} : memref<16384xf32, #tpu.memory_space<vmem>>, vector<16xf32>,
        %mul3A_125 = arith.constant 16 : i32
        %mul3A_126 = arith.muli %add3A_121, %mul3A_125 : i32
        %get3A_127 = arith.index_cast %mul3A_126 : i32 to index
        %get3A_128 = tpu.vector_load %arg8[%get3A_127] {strides = array<i32>} : memref<16384xf32, #tpu.memory_space<vmem>>, vector<16xf32>,
        %gt3A_129 = arith.cmpf ogt, %get3A_124, %bitcast_convert_type3A : vector<16xf32>
        %jit3A_130 = arith.constant 0.000000e+00 : f32
        %broadcast_in_dim3A_131 = vector.broadcast %jit3A_130 : f32 to vector<16xf32>
        %select_n3A_132 = arith.select %gt3A_129, %get3A_128, %broadcast_in_dim3A_131 : vector<16xi1>, vector<16xf32>
        %reduce_sum3A = arith.constant true
        %reduce_sum3A_133 = vector.broadcast %reduce_sum3A : i1 to vector<16xi1>
        %reduce_sum3A_134 = tpu.scan <sum>, %select_n3A_132 masked %reduce_sum3A_133 : vector<16xf32>, vector<16xi1> -> vector<16xf32>
        %reduce_sum3A_135 = vector.extract %reduce_sum3A_134[15] : f32 from vector<16xf32>
        %add3A_136 = arith.addf %scan3A_117, %reduce_sum3A_135 : f32
        %mul3A_137 = arith.constant 4 : i32
        %mul3A_138 = arith.muli %scan3A_116, %mul3A_137 : i32
        %add3A_139 = arith.constant 1 : i32
        %add3A_140 = arith.addi %mul3A_138, %add3A_139 : i32
        %mul3A_141 = arith.constant 16 : i32
        %mul3A_142 = arith.muli %add3A_140, %mul3A_141 : i32
        %get3A_143 = arith.index_cast %mul3A_142 : i32 to index
        %get3A_144 = tpu.vector_load %arg7[%get3A_143] {strides = array<i32>} : memref<16384xf32, #tpu.memory_space<vmem>>, vector<16xf32>,
        %mul3A_145 = arith.constant 16 : i32
        %mul3A_146 = arith.muli %add3A_140, %mul3A_145 : i32
        %get3A_147 = arith.index_cast %mul3A_146 : i32 to index
        %get3A_148 = tpu.vector_load %arg8[%get3A_147] {strides = array<i32>} : memref<16384xf32, #tpu.memory_space<vmem>>, vector<16xf32>,
        %gt3A_149 = arith.cmpf ogt, %get3A_144, %bitcast_convert_type3A : vector<16xf32>
        %jit3A_150 = arith.constant 0.000000e+00 : f32
        %broadcast_in_dim3A_151 = vector.broadcast %jit3A_150 : f32 to vector<16xf32>
        %select_n3A_152 = arith.select %gt3A_149, %get3A_148, %broadcast_in_dim3A_151 : vector<16xi1>, vector<16xf32>
        %reduce_sum3A_153 = arith.constant true
        %reduce_sum3A_154 = vector.broadcast %reduce_sum3A_153 : i1 to vector<16xi1>
        %reduce_sum3A_155 = tpu.scan <sum>, %select_n3A_152 masked %reduce_sum3A_154 : vector<16xf32>, vector<16xi1> -> vector<16xf32>
        %reduce_sum3A_156 = vector.extract %reduce_sum3A_155[15] : f32 from vector<16xf32>
        %add3A_157 = arith.addf %add3A_136, %reduce_sum3A_156 : f32
        %mul3A_158 = arith.constant 4 : i32
        %mul3A_159 = arith.muli %scan3A_116, %mul3A_158 : i32
        %add3A_160 = arith.constant 2 : i32
        %add3A_161 = arith.addi %mul3A_159, %add3A_160 : i32
        %mul3A_162 = arith.constant 16 : i32
        %mul3A_163 = arith.muli %add3A_161, %mul3A_162 : i32
        %get3A_164 = arith.index_cast %mul3A_163 : i32 to index
        %get3A_165 = tpu.vector_load %arg7[%get3A_164] {strides = array<i32>} : memref<16384xf32, #tpu.memory_space<vmem>>, vector<16xf32>,
        %mul3A_166 = arith.constant 16 : i32
        %mul3A_167 = arith.muli %add3A_161, %mul3A_166 : i32
        %get3A_168 = arith.index_cast %mul3A_167 : i32 to index
        %get3A_169 = tpu.vector_load %arg8[%get3A_168] {strides = array<i32>} : memref<16384xf32, #tpu.memory_space<vmem>>, vector<16xf32>,
        %gt3A_170 = arith.cmpf ogt, %get3A_165, %bitcast_convert_type3A : vector<16xf32>
        %jit3A_171 = arith.constant 0.000000e+00 : f32
        %broadcast_in_dim3A_172 = vector.broadcast %jit3A_171 : f32 to vector<16xf32>
        %select_n3A_173 = arith.select %gt3A_170, %get3A_169, %broadcast_in_dim3A_172 : vector<16xi1>, vector<16xf32>
        %reduce_sum3A_174 = arith.constant true
        %reduce_sum3A_175 = vector.broadcast %reduce_sum3A_174 : i1 to vector<16xi1>
        %reduce_sum3A_176 = tpu.scan <sum>, %select_n3A_173 masked %reduce_sum3A_175 : vector<16xf32>, vector<16xi1> -> vector<16xf32>
        %reduce_sum3A_177 = vector.extract %reduce_sum3A_176[15] : f32 from vector<16xf32>
        %add3A_178 = arith.addf %add3A_157, %reduce_sum3A_177 : f32
        %mul3A_179 = arith.constant 4 : i32
        %mul3A_180 = arith.muli %scan3A_116, %mul3A_179 : i32
        %add3A_181 = arith.constant 3 : i32
        %add3A_182 = arith.addi %mul3A_180, %add3A_181 : i32
        %mul3A_183 = arith.constant 16 : i32
        %mul3A_184 = arith.muli %add3A_182, %mul3A_183 : i32
        %get3A_185 = arith.index_cast %mul3A_184 : i32 to index
        %get3A_186 = tpu.vector_load %arg7[%get3A_185] {strides = array<i32>} : memref<16384xf32, #tpu.memory_space<vmem>>, vector<16xf32>,
        %mul3A_187 = arith.constant 16 : i32
        %mul3A_188 = arith.muli %add3A_182, %mul3A_187 : i32
        %get3A_189 = arith.index_cast %mul3A_188 : i32 to index
        %get3A_190 = tpu.vector_load %arg8[%get3A_189] {strides = array<i32>} : memref<16384xf32, #tpu.memory_space<vmem>>, vector<16xf32>,
        %gt3A_191 = arith.cmpf ogt, %get3A_186, %bitcast_convert_type3A : vector<16xf32>
        %jit3A_192 = arith.constant 0.000000e+00 : f32
        %broadcast_in_dim3A_193 = vector.broadcast %jit3A_192 : f32 to vector<16xf32>
        %select_n3A_194 = arith.select %gt3A_191, %get3A_190, %broadcast_in_dim3A_193 : vector<16xi1>, vector<16xf32>
        %reduce_sum3A_195 = arith.constant true
        %reduce_sum3A_196 = vector.broadcast %reduce_sum3A_195 : i1 to vector<16xi1>
        %reduce_sum3A_197 = tpu.scan <sum>, %select_n3A_194 masked %reduce_sum3A_196 : vector<16xf32>, vector<16xi1> -> vector<16xf32>
        %reduce_sum3A_198 = vector.extract %reduce_sum3A_197[15] : f32 from vector<16xf32>
        %add3A_199 = arith.addf %add3A_178, %reduce_sum3A_198 : f32
        scf.yield %add3A_199 : f32
      }
      %scan3A_83 = arith.constant 256 : i32
      %reduce_max3A = arith.constant true
      %reduce_max3A_84 = vector.broadcast %reduce_max3A : i1 to vector<16xi1>
      %reduce_max3A_85 = tpu.scan <max>, %bitcast_convert_type3A masked %reduce_max3A_84 : vector<16xf32>, vector<16xi1> -> vector<16xf32>
      %reduce_max3A_86 = vector.extract %reduce_max3A_85[15] : f32 from vector<16xf32>
      %gt3A = arith.constant 0 : i32
      %gt3A_87 = arith.cmpi sgt, %scan3A_67#1, %gt3A : i32
      %gt3A_88 = arith.constant 0.000000e+00 : f32
      %gt3A_89 = arith.cmpf ogt, %scan3A_67#3, %gt3A_88 : f32
      %and3A_90 = arith.andi %gt3A_87, %gt3A_89 : i1
      %mul3A_91 = arith.mulf %reduce_max3A_86, %scan3A_67#3 : f32
      %jit3A_92 = arith.constant 0.000000e+00 : f32
      %select_n3A_93 = arith.select %and3A_90, %mul3A_91, %jit3A_92 : f32
      %add3A = arith.addf %scan3A_18#1, %scan3A_82 : f32
      %add3A_94 = arith.addf %add3A, %select_n3A_93 : f32
      %iota3A_95 = tpu.iota {dimensions = array<i32: 0>} : vector<16xi32>
      %eq3A_96 = arith.constant 0 : i32
      %eq3A_97 = vector.broadcast %eq3A_96 : i32 to vector<16xi32>
      %eq3A_98 = arith.cmpi eq, %iota3A_95, %eq3A_97 : vector<16xi32>
      %eq3A_99 = arith.constant 1 : i32
      %eq3A_100 = vector.broadcast %eq3A_99 : i32 to vector<16xi32>
      %eq3A_101 = arith.cmpi eq, %iota3A_95, %eq3A_100 : vector<16xi32>
      %jit3A_102 = arith.constant 0.000000e+00 : f32
      %broadcast_in_dim3A_103 = vector.broadcast %scan3A_18#0 : f32 to vector<16xf32>
      %broadcast_in_dim3A_104 = vector.broadcast %jit3A_102 : f32 to vector<16xf32>
      %select_n3A_105 = arith.select %eq3A_101, %broadcast_in_dim3A_103, %broadcast_in_dim3A_104 : vector<16xi1>, vector<16xf32>
      %broadcast_in_dim3A_106 = vector.broadcast %add3A_94 : f32 to vector<16xf32>
      %select_n3A_107 = arith.select %eq3A_98, %broadcast_in_dim3A_106, %select_n3A_105 : vector<16xi1>, vector<16xf32>
      %swap3A = arith.constant 0 : index
      %swap3A_108 = tpu.vector_load %arg12[%swap3A] {strides = array<i32>} : memref<128xf32, #tpu.memory_space<vmem>>, vector<16xf32>,
      tpu.vector_store %arg12[%swap3A], %select_n3A_107 {strides = array<i32>} : memref<128xf32, #tpu.memory_space<vmem>>, vector<16xf32>,
      %scan3A_109 = arith.constant 0 : i32
      %scan3A_110 = arith.constant 0 : i32
      %scan3A_111 = arith.constant 7 : i32
      %scan3A_112 = arith.addi %scan3A_110, %scan3A_111 : i32
      %scan3A_113 = arith.constant 1 : i32
      %scan3A_114 = scf.for %scan3A_116 = %scan3A_110 to %scan3A_112 step %scan3A_113 iter_args(%scan3A_117 = %scan3A_109) -> (i32)  : i32 {
        %broadcast_in_dim3A_118 = arith.constant 0.000000e+00 : f32
        %broadcast_in_dim3A_119 = vector.broadcast %broadcast_in_dim3A_118 : f32 to vector<16xf32>
        %add3A_120 = arith.constant 1 : i32
        %add3A_121 = arith.addi %scan3A_116, %add3A_120 : i32
        %mul3A_122 = arith.constant 16 : i32
        %mul3A_123 = arith.muli %add3A_121, %mul3A_122 : i32
        %swap3A_124 = arith.index_cast %mul3A_123 : i32 to index
        %swap3A_125 = tpu.vector_load %arg12[%swap3A_124] {strides = array<i32>} : memref<128xf32, #tpu.memory_space<vmem>>, vector<16xf32>,
        tpu.vector_store %arg12[%swap3A_124], %broadcast_in_dim3A_119 {strides = array<i32>} : memref<128xf32, #tpu.memory_space<vmem>>, vector<16xf32>,
        %scan3A_126 = arith.constant 0 : i32
        scf.yield %scan3A_126 : i32
      }
      %scan3A_115 = arith.constant 7 : i32
      "tpu.region"() ({
        %run_scoped3A = tpu.sem_alloc : memref<!tpu.dma_semaphore, #tpu.memory_space<semaphore_mem>>
        %dma_start3A = arith.constant 0 : i32
        %dma_start3A_116 = tpu.memref_slice %arg4[%arg1, %dma_start3A] : memref<8x128xf32, #tpu.memory_space<hbm>> -> memref<1x128xf32, #tpu.memory_space<hbm>>
        %dma_start3A_117 = tpu.memref_squeeze %dma_start3A_116 : memref<1x128xf32, #tpu.memory_space<hbm>> -> memref<128xf32, #tpu.memory_space<hbm>>
        %dma_start3A_118 = arith.constant 0 : i32
        %dma_start3A_119 = tpu.memref_slice %arg4[%arg1, %dma_start3A_118] : memref<8x128xf32, #tpu.memory_space<hbm>> -> memref<1x128xf32, #tpu.memory_space<hbm>>
        %dma_start3A_120 = tpu.memref_squeeze %dma_start3A_119 : memref<1x128xf32, #tpu.memory_space<hbm>> -> memref<128xf32, #tpu.memory_space<hbm>>
        tpu.enqueue_dma source(%arg12 : memref<128xf32, #tpu.memory_space<vmem>>) target(%dma_start3A_120 : memref<128xf32, #tpu.memory_space<hbm>>) target_semaphore(%run_scoped3A : memref<!tpu.dma_semaphore, #tpu.memory_space<semaphore_mem>>)
        %dma_wait3A = arith.constant 0 : i32
        %dma_wait3A_121 = tpu.memref_slice %arg4[%arg1, %dma_wait3A] : memref<8x128xf32, #tpu.memory_space<hbm>> -> memref<1x128xf32, #tpu.memory_space<hbm>>
        %dma_wait3A_122 = tpu.memref_squeeze %dma_wait3A_121 : memref<1x128xf32, #tpu.memory_space<hbm>> -> memref<128xf32, #tpu.memory_space<hbm>>
        %dma_wait3A_123 = arith.constant 0 : i32
        %dma_wait3A_124 = tpu.memref_slice %arg4[%arg1, %dma_wait3A_123] : memref<8x128xf32, #tpu.memory_space<hbm>> -> memref<1x128xf32, #tpu.memory_space<hbm>>
        %dma_wait3A_125 = tpu.memref_squeeze %dma_wait3A_124 : memref<1x128xf32, #tpu.memory_space<hbm>> -> memref<128xf32, #tpu.memory_space<hbm>>
        tpu.wait_dma2 semaphore(%run_scoped3A : memref<!tpu.dma_semaphore, #tpu.memory_space<semaphore_mem>>) src(%arg12 : memref<128xf32, #tpu.memory_space<vmem>>) dst(%dma_wait3A_125 : memref<128xf32, #tpu.memory_space<hbm>>)
        tpu.yield
      }) : () -> ()
    } else {
    }
    return
  }
}

module attributes {stable_mosaic.version = 14 : i64} {
  func.func @_combine_body(%arg0: memref<8x128xf32, #tpu.memory_space<vmem>>, %arg1: memref<1x128xf32, #tpu.memory_space<vmem>>, %arg2: memref<1x128xf32, #tpu.memory_space<vmem>>) attributes {dimension_semantics = [], scalar_prefetch = 0 : i64, scratch_operands = 0 : i64, tpu.core_type = #tpu.core_type<tc>} {
    %get3A = arith.constant 0 : index
    %get3A_0 = arith.constant 0 : index
    %get3A_1 = vector.load %arg0[%get3A, %get3A_0] : memref<8x128xf32, #tpu.memory_space<vmem>>, vector<8x128xf32>
    %iota3A = tpu.iota {dimensions = array<i32: 1>} : vector<8x128xi32>
    %eq3A = arith.constant 0 : i32
    %eq3A_2 = vector.broadcast %eq3A : i32 to vector<8x128xi32>
    %eq3A_3 = arith.cmpi eq, %iota3A, %eq3A_2 : vector<8x128xi32>
    %jit3A = arith.constant 0.000000e+00 : f32
    %broadcast_in_dim3A = vector.broadcast %jit3A : f32 to vector<8x128xf32>
    %select_n3A = arith.select %eq3A_3, %get3A_1, %broadcast_in_dim3A : vector<8x128xi1>, vector<8x128xf32>
    %reduce_sum3A = vector.shape_cast %select_n3A : vector<8x128xf32> to vector<1x8x128xf32>
    %reduce_sum3A_4 = arith.constant dense<0.000000e+00> : vector<1xf32>
    %reduce_sum3A_5 = vector.multi_reduction <add>, %reduce_sum3A, %reduce_sum3A_4 [1, 2] : vector<1x8x128xf32> to vector<1xf32>
    %reduce_sum3A_6 = vector.shape_cast %reduce_sum3A_5 : vector<1xf32> to vector<1x1x1xf32>
    %reduce_sum3A_7 = vector.extract %reduce_sum3A_6[0, 0, 0] : f32 from vector<1x1x1xf32>
    %eq3A_8 = arith.constant 1 : i32
    %eq3A_9 = vector.broadcast %eq3A_8 : i32 to vector<8x128xi32>
    %eq3A_10 = arith.cmpi eq, %iota3A, %eq3A_9 : vector<8x128xi32>
    %jit3A_11 = arith.constant 0.000000e+00 : f32
    %broadcast_in_dim3A_12 = vector.broadcast %jit3A_11 : f32 to vector<8x128xf32>
    %select_n3A_13 = arith.select %eq3A_10, %get3A_1, %broadcast_in_dim3A_12 : vector<8x128xi1>, vector<8x128xf32>
    %reduce_sum3A_14 = vector.shape_cast %select_n3A_13 : vector<8x128xf32> to vector<1x8x128xf32>
    %reduce_sum3A_15 = arith.constant dense<0.000000e+00> : vector<1xf32>
    %reduce_sum3A_16 = vector.multi_reduction <add>, %reduce_sum3A_14, %reduce_sum3A_15 [1, 2] : vector<1x8x128xf32> to vector<1xf32>
    %reduce_sum3A_17 = vector.shape_cast %reduce_sum3A_16 : vector<1xf32> to vector<1x1x1xf32>
    %reduce_sum3A_18 = vector.extract %reduce_sum3A_17[0, 0, 0] : f32 from vector<1x1x1xf32>
    %get3A_19 = arith.constant 0 : index
    %get3A_20 = arith.constant 0 : index
    %get3A_21 = vector.load %arg1[%get3A_19, %get3A_20] : memref<1x128xf32, #tpu.memory_space<vmem>>, vector<1x128xf32>
    %iota3A_22 = tpu.iota {dimensions = array<i32: 1>} : vector<1x128xi32>
    %eq3A_23 = arith.constant 0 : i32
    %eq3A_24 = vector.broadcast %eq3A_23 : i32 to vector<1x128xi32>
    %eq3A_25 = arith.cmpi eq, %iota3A_22, %eq3A_24 : vector<1x128xi32>
    %jit3A_26 = arith.constant 0.000000e+00 : f32
    %broadcast_in_dim3A_27 = vector.broadcast %jit3A_26 : f32 to vector<1x128xf32>
    %select_n3A_28 = arith.select %eq3A_25, %get3A_21, %broadcast_in_dim3A_27 : vector<1x128xi1>, vector<1x128xf32>
    %reduce_sum3A_29 = vector.shape_cast %select_n3A_28 : vector<1x128xf32> to vector<1x1x128xf32>
    %reduce_sum3A_30 = arith.constant dense<0.000000e+00> : vector<1xf32>
    %reduce_sum3A_31 = vector.multi_reduction <add>, %reduce_sum3A_29, %reduce_sum3A_30 [1, 2] : vector<1x1x128xf32> to vector<1xf32>
    %reduce_sum3A_32 = vector.shape_cast %reduce_sum3A_31 : vector<1xf32> to vector<1x1x1xf32>
    %reduce_sum3A_33 = vector.extract %reduce_sum3A_32[0, 0, 0] : f32 from vector<1x1x1xf32>
    %eq3A_34 = arith.constant 1 : i32
    %eq3A_35 = vector.broadcast %eq3A_34 : i32 to vector<1x128xi32>
    %eq3A_36 = arith.cmpi eq, %iota3A_22, %eq3A_35 : vector<1x128xi32>
    %jit3A_37 = arith.constant 0.000000e+00 : f32
    %broadcast_in_dim3A_38 = vector.broadcast %jit3A_37 : f32 to vector<1x128xf32>
    %select_n3A_39 = arith.select %eq3A_36, %get3A_21, %broadcast_in_dim3A_38 : vector<1x128xi1>, vector<1x128xf32>
    %reduce_sum3A_40 = vector.shape_cast %select_n3A_39 : vector<1x128xf32> to vector<1x1x128xf32>
    %reduce_sum3A_41 = arith.constant dense<0.000000e+00> : vector<1xf32>
    %reduce_sum3A_42 = vector.multi_reduction <add>, %reduce_sum3A_40, %reduce_sum3A_41 [1, 2] : vector<1x1x128xf32> to vector<1xf32>
    %reduce_sum3A_43 = vector.shape_cast %reduce_sum3A_42 : vector<1xf32> to vector<1x1x1xf32>
    %reduce_sum3A_44 = vector.extract %reduce_sum3A_43[0, 0, 0] : f32 from vector<1x1x1xf32>
    %eq3A_45 = arith.constant 0 : i32
    %eq3A_46 = vector.broadcast %eq3A_45 : i32 to vector<1x128xi32>
    %eq3A_47 = arith.cmpi eq, %iota3A_22, %eq3A_46 : vector<1x128xi32>
    %div3A = arith.divf %reduce_sum3A_33, %reduce_sum3A_18 : f32
    %eq3A_48 = arith.constant 1 : i32
    %eq3A_49 = vector.broadcast %eq3A_48 : i32 to vector<1x128xi32>
    %eq3A_50 = arith.cmpi eq, %iota3A_22, %eq3A_49 : vector<1x128xi32>
    %div3A_51 = arith.divf %reduce_sum3A_7, %reduce_sum3A_18 : f32
    %eq3A_52 = arith.constant 2 : i32
    %eq3A_53 = vector.broadcast %eq3A_52 : i32 to vector<1x128xi32>
    %eq3A_54 = arith.cmpi eq, %iota3A_22, %eq3A_53 : vector<1x128xi32>
    %jit3A_55 = arith.constant 0.000000e+00 : f32
    %broadcast_in_dim3A_56 = vector.broadcast %reduce_sum3A_44 : f32 to vector<1x128xf32>
    %broadcast_in_dim3A_57 = vector.broadcast %jit3A_55 : f32 to vector<1x128xf32>
    %select_n3A_58 = arith.select %eq3A_54, %broadcast_in_dim3A_56, %broadcast_in_dim3A_57 : vector<1x128xi1>, vector<1x128xf32>
    %broadcast_in_dim3A_59 = vector.broadcast %div3A_51 : f32 to vector<1x128xf32>
    %select_n3A_60 = arith.select %eq3A_50, %broadcast_in_dim3A_59, %select_n3A_58 : vector<1x128xi1>, vector<1x128xf32>
    %broadcast_in_dim3A_61 = vector.broadcast %div3A : f32 to vector<1x128xf32>
    %select_n3A_62 = arith.select %eq3A_47, %broadcast_in_dim3A_61, %select_n3A_60 : vector<1x128xi1>, vector<1x128xf32>
    %swap3A = arith.constant 0 : index
    %swap3A_63 = arith.constant 0 : index
    %swap3A_64 = vector.load %arg2[%swap3A, %swap3A_63] : memref<1x128xf32, #tpu.memory_space<vmem>>, vector<1x128xf32>
    tpu.vector_store %arg2[%swap3A, %swap3A_63], %select_n3A_62 {strides = array<i32>} : memref<1x128xf32, #tpu.memory_space<vmem>>, vector<1x128xf32>,
    return
  }
}

module attributes {stable_mosaic.version = 14 : i64} {
  func.func @_tc_body(%arg0: i32, %arg1: i32, %arg2: memref<1x2x1024x128xf32, #tpu.memory_space<vmem>>, %arg3: memref<2x256x256xi32, #tpu.memory_space<vmem>>, %arg4: memref<8x8x1024xf32, #tpu.memory_space<vmem>>, %arg5: memref<8x8x1024xf32, #tpu.memory_space<vmem>>, %arg6: memref<8x1024xi32, #tpu.memory_space<vmem>>, %arg7: memref<1x128xf32, #tpu.memory_space<vmem>>, %arg8: memref<2xf32, #tpu.memory_space<smem>>) attributes {dimension_semantics = [#tpu.dimension_semantics<arbitrary>, #tpu.dimension_semantics<arbitrary>], iteration_bounds = array<i64: 4, 4>, scalar_prefetch = 0 : i64, scratch_operands = 1 : i64, tpu.core_type = #tpu.core_type<tc>, window_params = [{transform_indices = @transform_0, window_bounds = array<i64: 1, 2, 1024, 128>}, {transform_indices = @transform_1, window_bounds = array<i64: 2, 256, 256>}, {transform_indices = @transform_2, window_bounds = array<i64: 8, 8, 1024>}, {transform_indices = @transform_3, window_bounds = array<i64: 8, 8, 1024>}, {transform_indices = @transform_4, window_bounds = array<i64: 8, 1024>}, {pipeline_mode = #tpu.pipeline_mode<synchronous>, transform_indices = @transform_5, window_bounds = array<i64: 1, 128>}]} {
    %mul3A = arith.constant 4 : i32
    %mul3A_0 = arith.muli %arg0, %mul3A : i32
    %add3A = arith.addi %mul3A_0, %arg1 : i32
    %eq3A = arith.constant 0 : i32
    %eq3A_1 = arith.cmpi eq, %add3A, %eq3A : i32
    %convert_element_type3A = arith.extui %eq3A_1 : i1 to i32
    %cond3A = arith.constant 0 : i32
    %cond3A_2 = arith.cmpi ne, %convert_element_type3A, %cond3A : i32
    scf.if %cond3A_2 {
      %swap3A_84 = arith.constant 0.000000e+00 : f32
      %swap3A_85 = arith.constant 0 : index
      %swap3A_86 = memref.load %arg8[%swap3A_85] : memref<2xf32, #tpu.memory_space<smem>>
      memref.store %swap3A_84, %arg8[%swap3A_85] : memref<2xf32, #tpu.memory_space<smem>>
      %swap3A_87 = arith.constant 0.000000e+00 : f32
      %swap3A_88 = arith.constant 1 : index
      %swap3A_89 = memref.load %arg8[%swap3A_88] : memref<2xf32, #tpu.memory_space<smem>>
      memref.store %swap3A_87, %arg8[%swap3A_88] : memref<2xf32, #tpu.memory_space<smem>>
    } else {
    }
    %get3A = arith.constant 0 : index
    %get3A_3 = arith.constant 0 : index
    %get3A_4 = arith.constant 0 : index
    %get3A_5 = arith.constant 0 : index
    %get3A_6 = vector.load %arg2[%get3A, %get3A_3, %get3A_4, %get3A_5] : memref<1x2x1024x128xf32, #tpu.memory_space<vmem>>, vector<1x2x1024x128xf32>
    %reshape3A = vector.shape_cast %get3A_6 : vector<1x2x1024x128xf32> to vector<2048x128xf32>
    %max3A = arith.constant 0.000000e+00 : f32
    %max3A_7 = vector.broadcast %max3A : f32 to vector<2048x128xf32>
    %max3A_8 = arith.maximumf %reshape3A, %max3A_7 : vector<2048x128xf32>
    %abs3A = math.absf %reshape3A : vector<2048x128xf32>
    %neg3A = arith.constant 0.000000e+00 : f32
    %neg3A_9 = vector.broadcast %neg3A : f32 to vector<2048x128xf32>
    %neg3A_10 = arith.subf %neg3A_9, %abs3A : vector<2048x128xf32>
    %exp3A = math.exp %neg3A_10 : vector<2048x128xf32>
    %log1p3A = math.log1p %exp3A : vector<2048x128xf32>
    %add3A_11 = arith.addf %max3A_8, %log1p3A : vector<2048x128xf32>
    %reduce_sum3A = vector.shape_cast %add3A_11 : vector<2048x128xf32> to vector<1x2048x128xf32>
    %reduce_sum3A_12 = arith.constant dense<0.000000e+00> : vector<1xf32>
    %reduce_sum3A_13 = vector.multi_reduction <add>, %reduce_sum3A, %reduce_sum3A_12 [1, 2] : vector<1x2048x128xf32> to vector<1xf32>
    %reduce_sum3A_14 = vector.shape_cast %reduce_sum3A_13 : vector<1xf32> to vector<1x1x1xf32>
    %reduce_sum3A_15 = vector.extract %reduce_sum3A_14[0, 0, 0] : f32 from vector<1x1x1xf32>
    %reshape3A_16 = vector.shape_cast %reshape3A : vector<2048x128xf32> to vector<1024x256xf32>
    %get3A_17 = arith.constant 0 : index
    %get3A_18 = arith.constant 0 : index
    %get3A_19 = arith.constant 0 : index
    %get3A_20 = vector.load %arg3[%get3A_17, %get3A_18, %get3A_19] : memref<2x256x256xi32, #tpu.memory_space<vmem>>, vector<2x256x256xi32>
    %reshape3A_21 = vector.shape_cast %get3A_20 : vector<2x256x256xi32> to vector<1024x128xi32>
    %gt3A = arith.constant 0 : i32
    %gt3A_22 = vector.broadcast %gt3A : i32 to vector<1024x128xi32>
    %gt3A_23 = arith.cmpi sgt, %reshape3A_21, %gt3A_22 : vector<1024x128xi32>
    %slice3A = vector.extract_strided_slice %reshape3A_16 {offsets = [0, 128], sizes = [1024, 128], strides = [1, 1]} : vector<1024x256xf32> to vector<1024x128xf32>
    %slice3A_24 = vector.extract_strided_slice %reshape3A_16 {offsets = [0, 0], sizes = [1024, 128], strides = [1, 1]} : vector<1024x256xf32> to vector<1024x128xf32>
    %select_n3A = arith.select %gt3A_23, %slice3A, %slice3A_24 : vector<1024x128xi1>, vector<1024x128xf32>
    %reduce_sum3A_25 = vector.shape_cast %select_n3A : vector<1024x128xf32> to vector<1x1024x128xf32>
    %reduce_sum3A_26 = arith.constant dense<0.000000e+00> : vector<1xf32>
    %reduce_sum3A_27 = vector.multi_reduction <add>, %reduce_sum3A_25, %reduce_sum3A_26 [1, 2] : vector<1x1024x128xf32> to vector<1xf32>
    %reduce_sum3A_28 = vector.shape_cast %reduce_sum3A_27 : vector<1xf32> to vector<1x1x1xf32>
    %reduce_sum3A_29 = vector.extract %reduce_sum3A_28[0, 0, 0] : f32 from vector<1x1x1xf32>
    %get3A_30 = arith.constant 0 : index
    %get3A_31 = memref.load %arg8[%get3A_30] : memref<2xf32, #tpu.memory_space<smem>>
    %sub3A = arith.subf %reduce_sum3A_15, %reduce_sum3A_29 : f32
    %add3A_32 = arith.addf %get3A_31, %sub3A : f32
    %swap3A = arith.constant 0 : index
    %swap3A_33 = memref.load %arg8[%swap3A] : memref<2xf32, #tpu.memory_space<smem>>
    memref.store %add3A_32, %arg8[%swap3A] : memref<2xf32, #tpu.memory_space<smem>>
    %get3A_34 = arith.constant 0 : index
    %get3A_35 = arith.constant 0 : index
    %get3A_36 = arith.constant 0 : index
    %get3A_37 = vector.load %arg4[%get3A_34, %get3A_35, %get3A_36] : memref<8x8x1024xf32, #tpu.memory_space<vmem>>, vector<8x8x1024xf32>
    %get3A_38 = arith.constant 0 : index
    %get3A_39 = arith.constant 0 : index
    %get3A_40 = arith.constant 0 : index
    %get3A_41 = vector.load %arg5[%get3A_38, %get3A_39, %get3A_40] : memref<8x8x1024xf32, #tpu.memory_space<vmem>>, vector<8x8x1024xf32>
    %sub3A_42 = arith.subf %get3A_37, %get3A_41 : vector<8x8x1024xf32>
    %abs3A_43 = math.absf %sub3A_42 : vector<8x8x1024xf32>
    %lt3A = arith.constant 1.000000e+00 : f32
    %lt3A_44 = vector.broadcast %lt3A : f32 to vector<8x8x1024xf32>
    %lt3A_45 = arith.cmpf olt, %abs3A_43, %lt3A_44 : vector<8x8x1024xf32>
    %mul3A_46 = arith.constant 5.000000e-01 : f32
    %mul3A_47 = vector.broadcast %mul3A_46 : f32 to vector<8x8x1024xf32>
    %mul3A_48 = arith.mulf %mul3A_47, %sub3A_42 : vector<8x8x1024xf32>
    %mul3A_49 = arith.mulf %mul3A_48, %sub3A_42 : vector<8x8x1024xf32>
    %sub3A_50 = arith.constant 5.000000e-01 : f32
    %sub3A_51 = vector.broadcast %sub3A_50 : f32 to vector<8x8x1024xf32>
    %sub3A_52 = arith.subf %abs3A_43, %sub3A_51 : vector<8x8x1024xf32>
    %select_n3A_53 = arith.select %lt3A_45, %mul3A_49, %sub3A_52 : vector<8x8x1024xi1>, vector<8x8x1024xf32>
    %get3A_54 = arith.constant 0 : index
    %get3A_55 = arith.constant 0 : index
    %get3A_56 = vector.load %arg6[%get3A_54, %get3A_55] : memref<8x1024xi32, #tpu.memory_space<vmem>>, vector<8x1024xi32>
    %jit3A = arith.constant 0 : i32
    %jit3A_57 = arith.constant 1 : i32
    %max3A_58 = vector.broadcast %jit3A : i32 to vector<8x1024xi32>
    %max3A_59 = arith.maxsi %max3A_58, %get3A_56 : vector<8x1024xi32>
    %min3A = vector.broadcast %jit3A_57 : i32 to vector<8x1024xi32>
    %min3A_60 = arith.minsi %min3A, %max3A_59 : vector<8x1024xi32>
    %gt3A_61 = arith.constant 0 : i32
    %gt3A_62 = vector.broadcast %gt3A_61 : i32 to vector<8x1024xi32>
    %gt3A_63 = arith.cmpi sgt, %min3A_60, %gt3A_62 : vector<8x1024xi32>
    %broadcast_in_dim3A = vector.shape_cast %gt3A_63 : vector<8x1024xi1> to vector<8x1x1024xi1>
    %get3A_64 = arith.constant 1 : index
    %get3A_65 = memref.load %arg8[%get3A_64] : memref<2xf32, #tpu.memory_space<smem>>
    %jit3A_66 = arith.constant 0.000000e+00 : f32
    %broadcast_in_dim3A_67 = vector.shape_cast %broadcast_in_dim3A : vector<8x1x1024xi1> to vector<8x1x1024xi1>
    %broadcast_in_dim3A_68 = vector.broadcast %broadcast_in_dim3A_67 : vector<8x1x1024xi1> to vector<8x8x1024xi1>
    %broadcast_in_dim3A_69 = vector.broadcast %jit3A_66 : f32 to vector<8x8x1024xf32>
    %select_n3A_70 = arith.select %broadcast_in_dim3A_68, %select_n3A_53, %broadcast_in_dim3A_69 : vector<8x8x1024xi1>, vector<8x8x1024xf32>
    %reduce_sum3A_71 = vector.shape_cast %select_n3A_70 : vector<8x8x1024xf32> to vector<1x8x8x1024xf32>
    %reduce_sum3A_72 = arith.constant dense<0.000000e+00> : vector<1xf32>
    %reduce_sum3A_73 = vector.multi_reduction <add>, %reduce_sum3A_71, %reduce_sum3A_72 [1, 2, 3] : vector<1x8x8x1024xf32> to vector<1xf32>
    %reduce_sum3A_74 = vector.shape_cast %reduce_sum3A_73 : vector<1xf32> to vector<1x1x1x1xf32>
    %reduce_sum3A_75 = vector.extract %reduce_sum3A_74[0, 0, 0, 0] : f32 from vector<1x1x1x1xf32>
    %add3A_76 = arith.addf %get3A_65, %reduce_sum3A_75 : f32
    %swap3A_77 = arith.constant 1 : index
    %swap3A_78 = memref.load %arg8[%swap3A_77] : memref<2xf32, #tpu.memory_space<smem>>
    memref.store %add3A_76, %arg8[%swap3A_77] : memref<2xf32, #tpu.memory_space<smem>>
    %eq3A_79 = arith.constant 15 : i32
    %eq3A_80 = arith.cmpi eq, %add3A, %eq3A_79 : i32
    %convert_element_type3A_81 = arith.extui %eq3A_80 : i1 to i32
    %cond3A_82 = arith.constant 0 : i32
    %cond3A_83 = arith.cmpi ne, %convert_element_type3A_81, %cond3A_82 : i32
    scf.if %cond3A_83 {
      %iota3A = tpu.iota {dimensions = array<i32: 1>} : vector<1x128xi32>
      %eq3A_84 = arith.constant 0 : i32
      %eq3A_85 = vector.broadcast %eq3A_84 : i32 to vector<1x128xi32>
      %eq3A_86 = arith.cmpi eq, %iota3A, %eq3A_85 : vector<1x128xi32>
      %get3A_87 = arith.constant 1 : index
      %get3A_88 = memref.load %arg8[%get3A_87] : memref<2xf32, #tpu.memory_space<smem>>
      %eq3A_89 = arith.constant 1 : i32
      %eq3A_90 = vector.broadcast %eq3A_89 : i32 to vector<1x128xi32>
      %eq3A_91 = arith.cmpi eq, %iota3A, %eq3A_90 : vector<1x128xi32>
      %get3A_92 = arith.constant 0 : index
      %get3A_93 = memref.load %arg8[%get3A_92] : memref<2xf32, #tpu.memory_space<smem>>
      %div3A = arith.constant 0x4A800000 : f32
      %div3A_94 = arith.divf %get3A_93, %div3A : f32
      %jit3A_95 = arith.constant 0.000000e+00 : f32
      %broadcast_in_dim3A_96 = vector.broadcast %div3A_94 : f32 to vector<1x128xf32>
      %broadcast_in_dim3A_97 = vector.broadcast %jit3A_95 : f32 to vector<1x128xf32>
      %select_n3A_98 = arith.select %eq3A_91, %broadcast_in_dim3A_96, %broadcast_in_dim3A_97 : vector<1x128xi1>, vector<1x128xf32>
      %broadcast_in_dim3A_99 = vector.broadcast %get3A_88 : f32 to vector<1x128xf32>
      %select_n3A_100 = arith.select %eq3A_86, %broadcast_in_dim3A_99, %select_n3A_98 : vector<1x128xi1>, vector<1x128xf32>
      %swap3A_101 = arith.constant 0 : index
      %swap3A_102 = arith.constant 0 : index
      %swap3A_103 = vector.load %arg7[%swap3A_101, %swap3A_102] : memref<1x128xf32, #tpu.memory_space<vmem>>, vector<1x128xf32>
      tpu.vector_store %arg7[%swap3A_101, %swap3A_102], %select_n3A_100 {strides = array<i32>} : memref<1x128xf32, #tpu.memory_space<vmem>>, vector<1x128xf32>,
    } else {
    }
    return
  }
  func.func @transform_0(%arg0: i32, %arg1: i32) -> (i32, i32, i32, i32) {
    %c0_i32 = arith.constant 0 : i32
    %c0_i32_0 = arith.constant 0 : i32
    %c0_i32_1 = arith.constant 0 : i32
    return %arg1, %arg0, %c0_i32, %c0_i32_0 : i32, i32, i32, i32
  }
  func.func @transform_1(%arg0: i32, %arg1: i32) -> (i32, i32, i32) {
    %c0_i32 = arith.constant 0 : i32
    %c0_i32_0 = arith.constant 0 : i32
    %c0_i32_1 = arith.constant 0 : i32
    return %arg0, %c0_i32, %c0_i32_0 : i32, i32, i32
  }
  func.func @transform_2(%arg0: i32, %arg1: i32) -> (i32, i32, i32) {
    %mul3A = arith.constant 4 : i32
    %mul3A_0 = arith.muli %arg0, %mul3A : i32
    %add3A = arith.addi %mul3A_0, %arg1 : i32
    %c0_i32 = arith.constant 0 : i32
    %c0_i32_1 = arith.constant 0 : i32
    %c0_i32_2 = arith.constant 0 : i32
    return %c0_i32, %c0_i32_1, %add3A : i32, i32, i32
  }
  func.func @transform_3(%arg0: i32, %arg1: i32) -> (i32, i32, i32) {
    %mul3A = arith.constant 4 : i32
    %mul3A_0 = arith.muli %arg0, %mul3A : i32
    %add3A = arith.addi %mul3A_0, %arg1 : i32
    %c0_i32 = arith.constant 0 : i32
    %c0_i32_1 = arith.constant 0 : i32
    %c0_i32_2 = arith.constant 0 : i32
    return %c0_i32, %c0_i32_1, %add3A : i32, i32, i32
  }
  func.func @transform_4(%arg0: i32, %arg1: i32) -> (i32, i32) {
    %mul3A = arith.constant 4 : i32
    %mul3A_0 = arith.muli %arg0, %mul3A : i32
    %add3A = arith.addi %mul3A_0, %arg1 : i32
    %c0_i32 = arith.constant 0 : i32
    %c0_i32_1 = arith.constant 0 : i32
    return %c0_i32, %add3A : i32, i32
  }
  func.func @transform_5(%arg0: i32, %arg1: i32) -> (i32, i32) {
    %c0_i32 = arith.constant 0 : i32
    %c0_i32_0 = arith.constant 0 : i32
    %c0_i32_1 = arith.constant 0 : i32
    return %c0_i32, %c0_i32_0 : i32, i32
  }
}

</mosaic_0001>

<sc_bundles>
// kernel: kernel.5.cloned.1.call-start
scs
__scs_entry_jumppad:
0x0: {  	(pc) =	sbr.rel $0x88, $3  }
0x1: {  	(tag) =	ssettag $0x0;
	lr =	simm.s32 $0x1  }
0x2: {  	[smem:$0x3F9B] =	sst lr;
	_ =	strace $0xD0000000  }
0x3: {  	_ = 	snop  }
0x4: {  	_ = 	snop  }
0x5: {  	_ = 	snop  }
0x6: {  	_ = 	snop  }
0x7: {  	_ = 	snop  }
__scs_overlays_trampoline_lowered:
0x8: {  	[smem:$0x3FAA] =	sst s0  }
0x9: {  	[smem:$0x3FAB] =	sst s1  }
0xa: {  	[smem:$0x3FAC] =	sst s2  }
0xb: {  	[smem:$0x3FAD] =	sst s3  }
0xc: {  	[smem:$0x3FAE] =	sst s4  }
0xd: {  	[smem:$0x3FAF] =	sst s5  }
0xe: {  	[smem:$0x3FB0] =	sst s6  }
0xf: {  	[smem:$0x3FB1] =	sst s7  }
0x10: {  	[smem:$0x3FB2] =	sst s8  }
0x11: {  	[smem:$0x3FB3] =	sst s9;
	s0 =	simm.s32 @!p0 $0x0  }
0x12: {  	s1 =	sld [smem:$0x3F99];
	s0 =	simm.s32 @p0 $0x1  }
0x13: {  	[smem:$0x3FB4] =	sst s0;
	s0 =	simm.s32 @!p1 $0x0  }
0x14: {  	s2 =	sld [smem:$0x3F98];
	s0 =	simm.s32 @p1 $0x1  }
0x15: {  	[smem:$0x3FB5] =	sst s0;
	s0 =	simm.s32 @!p2 $0x0  }
0x16: {  	s3 =	sld [smem:$0x3FDB];
	s0 =	simm.s32 @p2 $0x1  }
0x17: {  	s4 =	simm.s32 $0x1BF5;
	[smem:$0x3FB7] =	sst s0  }
0x18: {  	s0 =	sld [smem:$0x3F9A];
	_ =	swait.ge [sflag:s4], $0x0  }
0x19: {  	s7 =	sld [smem:$0x3F9B]  }
0x1a: {  	s8 =	sadd.s32 $0xFFFFE003, lr  }
0x1b: {  	s9 =	sadd.s32 $0xFFFFFEF7, lr;
	s5 =	simm.s32 $0xFFFFFFFF;
	p2 =	slt.u32 s8, $0xFFFFF086  }
0x1c: {  	p1 =	slt.u32 s9, $0xF7A;
	s5 =	simm.s32 @!p2 $0x0  }
0x1d: {  	s5 =	simm.s32 @p1 $0x1;
	p0 =	seq.s32 s7, s2  }
0x1e: {  	s7 =	smul.u32 @!p0 $0xF7A, s2;
	p2 =	seq.s32 @!p0 s5, $0x0  }
0x1f: {  	s9 =	smul.u32 $0xF7A, s1;
	s8 =	simm.s32 @!p0 $0x1BF5;
	p2 =	por !p2, p0  }
0x20: {  	[sflag:s8] =	ssyncset.s32 @!p0 $0xFFFFF086;
	s6 =	sadd.s32 @!p0 s3, s7;
	s7 =	simm.s32 @!p0 $0x108  }
0x21: {  	s3 =	sadd.s32 s3, s9;
	s6 =	sadd.s32 @!p0 $0x88, s6;
	s7 =	simm.s32 @p2 $0x1082  }
0x22: {  	[simem:s7], [sflag:s8] =	dma.local @!p0 [hbm:s6], $0xF7A  }
0x23: {  	s9 =	sor.u32 $0xD0000000, s2;
	s6 =	simm.s32 $0x108;
	_ =	swait.ge @!p0 [sflag:s8], $0x0  }
0x24: {  	s3 =	sadd.s32 $0x88, s3;
	s6 =	simm.s32 @!p1 $0x1082;
	[sflag:s4] =	ssyncset.s32 $0xFFFFF086  }
0x25: {  	[simem:s6], [sflag:s4] =	dma.local [hbm:s3], $0xF7A  }
0x26: {  	[smem:$0x3F9B] =	sst s1;
	(tag) =	ssettag s2;
	_ =	strace s9  }
0x27: {  	s1 =	sld [smem:$0x3FAB]  }
0x28: {  	s2 =	sld [smem:$0x3FAC]  }
0x29: {  	s4 =	sld [smem:$0x3FAE]  }
0x2a: {  	p0 =	seq.s32 s5, $0x0;
	s5 =	sld [smem:$0x3FAF]  }
0x2b: {  	s6 =	sld [smem:$0x3FB0]  }
0x2c: {  	s7 =	sld [smem:$0x3FB1]  }
0x2d: {  	s3 =	simm.s32 $0x108;
	s8 =	sld [smem:$0x3FB2]  }
0x2e: {  	s3 =	simm.s32 @!p0 $0x1082;
	s9 =	sld [smem:$0x3FB3]  }
0x2f: {  	lr =	sadd.s32 s0, s3;
	s0 =	sld [smem:$0x3FAA]  }
0x30: {  	s3 =	sld [smem:$0x3FAD]  }
0x31: {  	[smem:$0x3FB6] =	sst s10  }
0x32: {  	s10 =	sld [smem:$0x3FB4];
	_ =	sdelay $0x3  }
0x33: {  	p0 =	seq.s32 s10, $0x1;
	s10 =	sld [smem:$0x3FB6];
	_ =	sdelay $0x3  }
0x34: {  	[smem:$0x3FB6] =	sst s10  }
0x35: {  	s10 =	sld [smem:$0x3FB5];
	_ =	sdelay $0x3  }
0x36: {  	p1 =	seq.s32 s10, $0x1;
	s10 =	sld [smem:$0x3FB6];
	_ =	sdelay $0x3  }
0x37: {  	[smem:$0x3FB6] =	sst s10  }
0x38: {  	s10 =	sld [smem:$0x3FB7]  }
0x39: {  	_ = 	snop;
	(pc) =	sbr.ind lr, $3  }
0x3a: {  	_ = 	snop  }
0x3b: {  	_ = 	snop  }
0x3c: {  	p2 =	seq.s32 s10, $0x1;
	s10 =	sld [smem:$0x3FB6]  }
0x3d: {  	_ =	shalt  }
0x3e: {  	_ =	shalt  }
0x3f: {  	_ =	shalt  }
0x40: {  	_ =	shalt  }
0x41: {  	_ =	shalt  }
0x42: {  	_ =	shalt  }
0x43: {  	_ =	shalt  }
0x44: {  	_ =	shalt  }
0x45: {  	_ =	shalt  }
0x46: {  	_ =	shalt  }
0x47: {  	_ =	shalt  }
0x48: {  	_ =	shalt  }
0x49: {  	_ =	shalt  }
0x4a: {  	_ =	shalt  }
0x4b: {  	_ =	shalt  }
0x4c: {  	_ =	shalt  }
0x4d: {  	_ =	shalt  }
0x4e: {  	_ =	shalt  }
0x4f: {  	_ =	shalt  }
0x50: {  	_ =	shalt  }
0x51: {  	_ =	shalt  }
0x52: {  	_ =	shalt  }
0x53: {  	_ =	shalt  }
0x54: {  	_ =	shalt  }
0x55: {  	_ =	shalt  }
0x56: {  	_ =	shalt  }
0x57: {  	_ =	shalt  }
0x58: {  	_ =	shalt  }
0x59: {  	_ =	shalt  }
0x5a: {  	_ =	shalt  }
0x5b: {  	_ =	shalt  }
0x5c: {  	_ =	shalt  }
0x5d: {  	_ =	shalt  }
0x5e: {  	_ =	shalt  }
0x5f: {  	_ =	shalt  }
0x60: {  	_ =	shalt  }
0x61: {  	_ =	shalt  }
0x62: {  	_ =	shalt  }
0x63: {  	_ =	shalt  }
0x64: {  	_ =	shalt  }
0x65: {  	_ =	shalt  }
0x66: {  	_ =	shalt  }
0x67: {  	_ =	shalt  }
0x68: {  	_ =	shalt  }
0x69: {  	_ =	shalt  }
0x6a: {  	_ =	shalt  }
0x6b: {  	_ =	shalt  }
0x6c: {  	_ =	shalt  }
0x6d: {  	_ =	shalt  }
0x6e: {  	_ =	shalt  }
0x6f: {  	_ =	shalt  }
0x70: {  	_ =	shalt  }
0x71: {  	_ =	shalt  }
0x72: {  	_ =	shalt  }
0x73: {  	_ =	shalt  }
0x74: {  	_ =	shalt  }
0x75: {  	_ =	shalt  }
0x76: {  	_ =	shalt  }
0x77: {  	_ =	shalt  }
0x78: {  	_ =	shalt  }
0x79: {  	_ =	shalt  }
0x7a: {  	_ =	shalt  }
0x7b: {  	_ =	shalt  }
0x7c: {  	_ =	shalt  }
0x7d: {  	_ =	shalt  }
0x7e: {  	_ =	shalt  }
0x7f: {  	_ =	shalt  }
0x80: {  	_ =	shalt  }
0x81: {  	_ =	shalt  }
0x82: {  	_ =	shalt  }
0x83: {  	_ =	shalt  }
0x84: {  	_ =	shalt  }
0x85: {  	_ =	shalt  }
0x86: {  	_ =	shalt  }
0x87: {  	_ =	shalt  }
.Lfunc_end0:
.L_simem_size_0:
called_computation_lowered:
.L_overlay_start_0:
0x88: {  	s2 =	sld [smem:$0x3FD9]  }
0x89: {  	s3 =	sld [smem:$0x3FFE];
	_ =	sdelay $0x1  }
0x8a: {  	s1 =	srdreg.scid  }
0x8b: {  	s0 =	sand.u32 $0x1, s1  }
0x8c: {  	s17 =	sshll.u32 s0, $0xA;
	s2 =	sadd.s32 s3, s2  }
0x8d: {  	s2 =	sadd.s32 s2, s17  }
0x8e: {  	[smem:$0x3FC2] =	sst s2  }
0x8f: {  	_ = 	snop  }
0x90: {  	s2 =	sld [smem:$0x3FC7]  }
0x91: {  	s18 =	sld [smem:$0x3FC6];
	(tm) =	ssettm $0x1  }
0x92: {  	s4 =	sld [smem:$0x3FFB];
	_ =	sdelay $0x3  }
0x93: {  	_ =	strace s4  }
0x94: {  	s4 =	sld [smem:$0x3FFC];
	_ =	sdelay $0x3  }
0x95: {  	_ =	strace s4  }
0x96: {  	s4 =	sld [smem:$0x3FFD];
	_ =	sdelay $0x3  }
0x97: {  	_ =	strace s4  }
0x98: {  	_ =	strace $0x8FFFFFFF  }
0x99: {  	s19 =	sld [smem:$0x3FDB];
	_ =	sdelay $0x1  }
0x9a: {  	s5 =	simm.s32 $_scs_section_size  }
0x9b: {  	s6 =	simm.s32 $_size__tile_overlayer_lowered;
	s7 =	simm.s32 $_tile_overlayer_lowered  }
0x9c: {  	s22 =	simm.s32 $0x1BFF;
	s21 =	sshll.u32 s7, $0x1;
	s4 =	sadd.s32 s5, s19  }
0x9d: {  	s8 =	simm.s32 $0x0;
	s20 =	sshll.u32 s6, $0x1;
	s6 =	sadd.s32 s21, s4  }
0x9e: {  	[timem:s8], [sflag:s22] =	dma.local [hbm:s6], s20  }
0x9f: {  	_ =	swait.ge [sflag:s22], s20  }
0xa0: {  	s5 =	ssub.s32 $0x0, s20;
	[sflag:s22] =	ssyncset.done $0x0  }
0xa1: {  	[sflag:s22] =	ssyncadd.s32 s5;
	_ =	sdelay $0x1  }
0xa2: {  	s23 =	simm.s32 $0x1B8B  }
0xa3: {  	_ =	swait.ge [sflag:s23], $0x1  }
0xa4: {  	[sflag:s23] =	ssyncset.done $0x0  }
0xa5: {  	s25 =	simm.s32 $0x1B8E;
	s24 =	sld [smem:$0x3FFE];
	[sflag:s23] =	ssyncadd.s32 $0xFFFFFFFF  }
0xa6: {  	s26 =	simm.s32 $execute0_lowered;
	[smem:$0x3FD2] =	sst s25  }
0xa7: {  	s6 =	sshll.u32 s26, $0x1;
	_ =	strace $0x80000046;
	[dreg:$0x1] =	wrdreg $0xFFFFFFFF  }
0xa8: {  	s28 =	simm.s32 $_size_execute0_lowered;
	s4 =	sadd.s32 s4, s6;
	[dreg:$0x0] =	wrdreg $0x0  }
0xa9: {  	s6 =	sshll.u32 s28, $0x1;
	[dreg:$0x2] =	wrdreg s4  }
0xaa: {  	[dreg:$0x3] =	wrdreg s6  }
0xab: {  	[dreg:$0x4] =	wrdreg $0xC0  }
0xac: {  	_ =	task [dreg:s8], $0x5FFFF  }
0xad: {  	[dreg:$0x1] =	wrdreg $0xFFFFFFFF  }
0xae: {  	[dreg:$0x0] =	wrdreg $0x60  }
0xaf: {  	[dreg:$0x2] =	wrdreg s2  }
0xb0: {  	[dreg:$0x3] =	wrdreg s18  }
0xb1: {  	[dreg:$0x4] =	wrdreg s24  }
0xb2: {  	[dreg:$0x5] =	wrdreg $0x9  }
0xb3: {  	_ =	task.clear_ibuf [dreg:s8], $0x6FFFF;
	_ =	strace $0x90000046  }
0xb4: {  	s29 =	simm.s32 $0x9;
	_ =	strace $0x80000048  }
0xb5: {  	_ =	swait.ge [sflag:s29], $0x1  }
0xb6: {  	[sflag:s29] =	ssyncadd.s32 $0xFFFFFFFF  }
0xb7: {  	_ =	strace $0x90000048  }
0xb8: {  	_ =	sfence  }
0xb9: {  	s30 =	sld [smem:$0x0];
	_ =	sdelay $0x2  }
0xba: {  	s31 =	sshll.u32 s1, $0xD;
	s1 =	sshrl.u32 s1, $0x2  }
0xbb: {  	s3 =	sand.u32 $0x4000, s31;
	s1 =	sadd.s32 s1, s30  }
0xbc: {  	s0 =	sor.u32 s3, s0;
	s1 =	sshll.u32 s1, $0x11  }
0xbd: {  	s0 =	sor.u32 s1, s0  }
0xbe: {  	s0 =	sadd.s32 $0x8F2B, s0  }
0xbf: {  	[sflag:s0] =	ssyncadd.remote.s32 $0x1  }
0xc0: {  	_ =	sfence.sel $0xFFFF  }
0xc1: {  	[dreg:$0x0] =	wrdreg $0xFFFFFFFF;
	(pc) =	sbr.abs _section_cstart, $3  }
0xc2: {  	[dreg:$0x1] =	wrdreg $0xFFFFFFFF  }
0xc3: {  	_ =	task.clear_ibuf [dreg:s8], $0x2FFFF;
	_ =	strace $0x9FFFFFFF  }
0xc4: {  	(tm) =	ssettm $0x7FFFFFFF  }
0xc5: {  	_ =	shalt  }
tec
execute0_lowered:
.L_overlay_start_1:
0x0: {  	(tag) =	ssettag $0x1  }
0x1: {  	s0 =	srdreg.scid  }
0x2: {  	s3 =	sand.u32 $0x1, s0  }
0x3: {  	s5 =	stileid.u32;
	p0 =	seq.s32 s3, $0x1  }
0x4: {  	p1 =	sgt.u32 @!p0 s5, $0x7  }
0x5: {  	p0 =	por p0, p1  }
.Ltmp0:
0x6: {  	s2 =	rddreg [dreg:$0x0];
	(pc) =	sbr.rel @p0 .LBB2_18-.Ltmp0, $4  }
0x7: {  	s1 =	rddreg [dreg:$0x1]  }
0x8: {  	s4 =	rddreg [dreg:$0x3];
	s3 =	simm.s32 $0x0  }
0x9: {  	[smem:$0x7FF] =	sst s3  }
0xa: {  	s0 =	rddreg [dreg:$0x2];
	_ =	strace $0x80000047  }
0xb: {  	s4 =	sshll.u32 s5, $0xC  }
0xc: {  	s26 =	simm.s32 $0x1;
	s2 =	sadd.s32 s2, s4  }
0xd: {  	[tilespmem:s3], [sflag:$0x1] =	stream.linear.gather [hbm4b:s2+s3], $0x8000, $0x38;
	[tilespmem:$0x15180] =	vst v63  }
0xe: {  	s28 =	sshll.u32 s5, $0x4;
	_ =	swait.ge [sflag:s26], $0x8000  }
0xf: {  	s29 =	simm.s32 $0x80;
	s30 =	simm.s32 $0x400;
	[sflag:s26] =	ssyncset.done $0x0  }
0x10: {  	s6 =	simm.s32 $0x8000;
	s1 =	sadd.s32 s1, s28;
	[sflag:s26] =	ssyncadd.s32 $0xFFFF8000  }
0x11: {  	[tilespmem:s6], [sflag:$0x1] =	stream.strided.gather [hbm4b:s1+s29], $0x4000, s30, s29, $0x38;
	[tilespmem:$0x15180] =	vst v63  }
0x12: {  	_ =	swait.ge [sflag:s26], $0x4000  }
0x13: {  	p1 =	por $0x0, $0x0;
	[sflag:s26] =	ssyncset.done $0x0  }
0x14: {  	v0 =	vimm.f32 $0.0e+00;
	s31 =	sadd.s32 s28, s0;
	s0 =	simm.s32 $0x14000;
	[sflag:s26] =	ssyncadd.s32 $0xFFFFC000  }
0x15: {  	v1 =	vimm.f32 @!p1 $0.0e+00;
	s4 =	simm.s32 $0x14C90;
	s2 =	simm.s32 $0x14800;
	s1 =	sadd.s32 $0x1000, s31;
	[tilespmem:s0+$0x0] =	vst v0  }
0x16: {  	s3 =	simm.s32 $0x1;
	[dreg:$0x5] =	wrdreg s1;
	s1 =	simm.s32 $0x14C80;
	[tilespmem:s2+$0x0] =	vst @!p1 v1  }
.LBB2_2:
0x17: {  	s0 =	sadd.s32 $0x10, s0;
	s5 =	smov.u32 s3;
	s3 =	sadd.s32 $0x1, s3  }
0x18: {  	[tilespmem:s1+$0x0] =	vst @!p1 v1;
	s2 =	sadd.s32 $0x10, s2;
	s1 =	smov.u32 s4;
	p0 =	sne.s32 s3, $0x80  }
.Ltmp1:
0x19: {  	(pc) =	sbr.rel @p0 .LBB2_2-.Ltmp1, $4  }
0x1a: {  	_ = 	snop  }
0x1b: {  	p1 =	sgt.u32 s5, $0x41  }
0x1c: {  	v1 =	vimm.f32 @!p1 $0.0e+00;
	[tilespmem:s0+$0x0] =	vst v0  }
0x1d: {  	s4 =	sadd.s32 $0x10, s4;
	[tilespmem:s2+$0x0] =	vst @!p1 v1  }
0x1e: {  	s0 =	simm.s32 $0x1  }
0x1f: {  	[dreg:$0x4] =	wrdreg s0  }
0x20: {  	p0 =	por $0x0, $0x0;
	s2 =	rddreg [dreg:$0x4]  }
0x21: {  	s31 =	simm.s32 $0x0;
	s3 =	simm.s32 $0x0;
	s2 =	simm.s32 @!p0 $0x0  }
0x22: {  	s4 =	sand.u32 $0x40, s31;
	s7 =	sand.u32 $0x7F00, s3;
	s2 =	sshll.u32 s2, $0x6  }
0x23: {  	[tilespmem:s1+$0x0] =	vst @!p1 v1;
	s10 =	sor.u32 s4, s7;
	s9 =	sadd.s32 $0x0, s2  }
0x24: {  	v0 =	vld [tilespmem:s10+$0x0];
	s1 =	sor.u32 $0x80, s9  }
0x25: {  	v1 =	vld [tilespmem:s1+$0x0];
	_ =	sdelay $0x4  }
0x26: {  	v2 =	vsub.f32 v0, v1;
	_ =	sdelay $0x1  }
0x27: {  	v2 =	vand.u32 $0x7FFFFFFF, v2  }
0x28: {  	v2 =	vsub.f32 $0.0e+00, v2;
	_ =	sdelay $0x1  }
0x29: {  	v2 =	vmul.f32 $1.442695020e+00, v2;
	_ =	sdelay $0x1  }
0x2a: {  	(erf) = vpow2.f32 v2;
	_ =	sdelay $0x8  }
0x2b: {  	v2 =	vpop (erf)  }
0x2c: {  	v3 =	vmul.f32 $2.260995330e-03, v2;
	_ =	sdelay $0x1  }
0x2d: {  	v3 =	vsub.f32 $1.505534910e-02, v3;
	_ =	sdelay $0x1  }
0x2e: {  	v3 =	vmul.f32 v3, v2;
	_ =	sdelay $0x1  }
0x2f: {  	v3 =	vadd.f32 $-4.705113550e-02, v3;
	_ =	sdelay $0x1  }
0x30: {  	v3 =	vmul.f32 v3, v2;
	_ =	sdelay $0x1  }
0x31: {  	v3 =	vadd.f32 $9.475556010e-02, v3;
	_ =	sdelay $0x1  }
0x32: {  	v3 =	vmul.f32 v3, v2;
	_ =	sdelay $0x1  }
0x33: {  	v3 =	vadd.f32 $-1.453396380e-01, v3;
	_ =	sdelay $0x1  }
0x34: {  	v3 =	vmul.f32 v3, v2;
	_ =	sdelay $0x1  }
0x35: {  	v3 =	vadd.f32 $1.935175060e-01, v3;
	_ =	sdelay $0x1  }
0x36: {  	v3 =	vmul.f32 v3, v2;
	_ =	sdelay $0x1  }
0x37: {  	v3 =	vadd.f32 $-2.487205270e-01, v3;
	_ =	sdelay $0x1  }
0x38: {  	v3 =	vmul.f32 v3, v2;
	_ =	sdelay $0x1  }
0x39: {  	v3 =	vadd.f32 $3.331819180e-01, v3;
	_ =	sdelay $0x1  }
0x3a: {  	v3 =	vmul.f32 v3, v2;
	_ =	sdelay $0x1  }
0x3b: {  	s6 =	simm.s32 $0x8020;
	v3 =	vadd.f32 $-4.999906120e-01, v3  }
0x3c: {  	v4 =	vld [tilespmem:s6+$0xFFFFFFE0]  }
0x3d: {  	v3 =	vmul.f32 v3, v2;
	_ =	sdelay $0x1  }
0x3e: {  	v3 =	vadd.f32 $9.999997610e-01, v3;
	_ =	sdelay $0x1  }
0x3f: {  	vm0 =	vgt.s32 v4, $0x0;
	v2 =	vmul.f32 v3, v2  }
0x40: {  	v3 =	vmax.f32 v0, v1;
	v0 =	vsel vm0, v1, v0  }
0x41: {  	v0 =	vsub.f32 v3, v0;
	v1 =	vadd.f32 $9.473307690e-10, v2;
	_ =	sdelay $0x1  }
0x42: {  	v2 =	vadd.f32 v1, v0;
	_ =	sdelay $0x1  }
0x43: {  	v1 =	vsel vm0, $0x0, v2  }
0x44: {  	v3 =	vshrl.u32 v1, $0x14;
	_ =	sdelay $0x1  }
0x45: {  	s11 =	simm.s32 $0x10020;
	s12 =	sand.u32 $0x7, s31  }
0x46: {  	s13 =	simm.s32 $0xC020;
	s14 =	simm.s32 $0x10;
	s1 =	sshll.u32 s12, $0x4;
	[tilespmem:s11+$0xFFFFFFE0] =	vst v2  }
0x47: {  	s5 =	simm.s32 $0x14000;
	s2 =	sand.u32 $0x50, s14;
	s1 =	sadd.s32 $0x0, s1;
	v0 =	vimm.f32 $1.000000000e+00;
	[tilespmem:s13+$0xFFFFFFE0] =	vst v1  }
0x48: {  	s2 =	sor.u32 s2, s7;
	s8 =	sadd.s32 $0x10, s1;
	[tilespmem:v3+s5+$0x0] =	vst.idx.add.f32.msk $0xffff, v0  }
0x49: {  	s8 =	sor.u32 $0x80, s8;
	v1 =	vld [tilespmem:s2+$0x0]  }
0x4a: {  	v3 =	vld [tilespmem:s8+$0x0];
	_ =	sdelay $0x4  }
0x4b: {  	v4 =	vsub.f32 v1, v3;
	_ =	sdelay $0x1  }
0x4c: {  	v4 =	vand.u32 $0x7FFFFFFF, v4  }
0x4d: {  	v4 =	vsub.f32 $0.0e+00, v4;
	_ =	sdelay $0x1  }
0x4e: {  	v4 =	vmul.f32 $1.442695020e+00, v4;
	_ =	sdelay $0x1  }
0x4f: {  	(erf) = vpow2.f32 v4;
	_ =	sdelay $0x8  }
0x50: {  	v4 =	vpop (erf)  }
0x51: {  	v5 =	vmul.f32 $2.260995330e-03, v4;
	_ =	sdelay $0x1  }
0x52: {  	v5 =	vsub.f32 $1.505534910e-02, v5;
	_ =	sdelay $0x1  }
0x53: {  	v5 =	vmul.f32 v5, v4;
	_ =	sdelay $0x1  }
0x54: {  	v5 =	vadd.f32 $-4.705113550e-02, v5;
	_ =	sdelay $0x1  }
0x55: {  	v5 =	vmul.f32 v5, v4;
	_ =	sdelay $0x1  }
0x56: {  	v5 =	vadd.f32 $9.475556010e-02, v5;
	_ =	sdelay $0x1  }
0x57: {  	v5 =	vmul.f32 v5, v4;
	_ =	sdelay $0x1  }
0x58: {  	v5 =	vadd.f32 $-1.453396380e-01, v5;
	_ =	sdelay $0x1  }
0x59: {  	v5 =	vmul.f32 v5, v4;
	_ =	sdelay $0x1  }
0x5a: {  	v5 =	vadd.f32 $1.935175060e-01, v5;
	_ =	sdelay $0x1  }
0x5b: {  	v5 =	vmul.f32 v5, v4;
	_ =	sdelay $0x1  }
0x5c: {  	v5 =	vadd.f32 $-2.487205270e-01, v5;
	_ =	sdelay $0x1  }
0x5d: {  	v5 =	vmul.f32 v5, v4;
	_ =	sdelay $0x1  }
0x5e: {  	v5 =	vadd.f32 $3.331819180e-01, v5;
	_ =	sdelay $0x1  }
0x5f: {  	v5 =	vmul.f32 v5, v4;
	_ =	sdelay $0x1  }
0x60: {  	v5 =	vadd.f32 $-4.999906120e-01, v5  }
0x61: {  	v6 =	vld [tilespmem:s6+$0xFFFFFFF0]  }
0x62: {  	v5 =	vmul.f32 v5, v4;
	_ =	sdelay $0x1  }
0x63: {  	v5 =	vadd.f32 $9.999997610e-01, v5;
	_ =	sdelay $0x1  }
0x64: {  	vm1 =	vgt.s32 v6, $0x0;
	v4 =	vmul.f32 v5, v4  }
0x65: {  	v5 =	vmax.f32 v1, v3;
	v1 =	vsel vm1, v3, v1  }
0x66: {  	v1 =	vsub.f32 v5, v1;
	v3 =	vadd.f32 $9.473307690e-10, v4;
	_ =	sdelay $0x1  }
0x67: {  	v3 =	vadd.f32 v3, v1;
	_ =	sdelay $0x1  }
0x68: {  	v1 =	vsel vm1, $0x0, v3  }
0x69: {  	v4 =	vshrl.u32 v1, $0x14;
	_ =	sdelay $0x2  }
0x6a: {  	s15 =	simm.s32 $0x20;
	s0 =	sand.u32 $0x3, s31;
	[tilespmem:s11+$0xFFFFFFF0] =	vst v3  }
0x6b: {  	s0 =	sshll.u32 s0, $0x5;
	s2 =	sand.u32 $0x60, s15;
	[tilespmem:s13+$0xFFFFFFF0] =	vst v1  }
0x6c: {  	s0 =	sadd.s32 $0x20, s0;
	s2 =	sor.u32 s2, s7;
	[tilespmem:v4+s5+$0x0] =	vst.idx.add.f32.msk $0xffff, v0  }
0x6d: {  	s0 =	sor.u32 $0x80, s0;
	v1 =	vld [tilespmem:s2+$0x0]  }
0x6e: {  	v4 =	vld [tilespmem:s0+$0x0];
	_ =	sdelay $0x4  }
0x6f: {  	v5 =	vsub.f32 v1, v4;
	_ =	sdelay $0x1  }
0x70: {  	v5 =	vand.u32 $0x7FFFFFFF, v5  }
0x71: {  	v5 =	vsub.f32 $0.0e+00, v5;
	_ =	sdelay $0x1  }
0x72: {  	v5 =	vmul.f32 $1.442695020e+00, v5;
	_ =	sdelay $0x1  }
0x73: {  	(erf) = vpow2.f32 v5;
	_ =	sdelay $0x8  }
0x74: {  	v5 =	vpop (erf)  }
0x75: {  	v6 =	vmul.f32 $2.260995330e-03, v5;
	_ =	sdelay $0x1  }
0x76: {  	v6 =	vsub.f32 $1.505534910e-02, v6;
	_ =	sdelay $0x1  }
0x77: {  	v6 =	vmul.f32 v6, v5;
	_ =	sdelay $0x1  }
0x78: {  	v6 =	vadd.f32 $-4.705113550e-02, v6;
	_ =	sdelay $0x1  }
0x79: {  	v6 =	vmul.f32 v6, v5;
	_ =	sdelay $0x1  }
0x7a: {  	v6 =	vadd.f32 $9.475556010e-02, v6;
	_ =	sdelay $0x1  }
0x7b: {  	v6 =	vmul.f32 v6, v5;
	_ =	sdelay $0x1  }
0x7c: {  	v6 =	vadd.f32 $-1.453396380e-01, v6;
	_ =	sdelay $0x1  }
0x7d: {  	v6 =	vmul.f32 v6, v5;
	_ =	sdelay $0x1  }
0x7e: {  	v6 =	vadd.f32 $1.935175060e-01, v6;
	_ =	sdelay $0x1  }
0x7f: {  	v6 =	vmul.f32 v6, v5;
	_ =	sdelay $0x1  }
0x80: {  	v6 =	vadd.f32 $-2.487205270e-01, v6;
	_ =	sdelay $0x1  }
0x81: {  	v6 =	vmul.f32 v6, v5;
	_ =	sdelay $0x1  }
0x82: {  	v6 =	vadd.f32 $3.331819180e-01, v6;
	_ =	sdelay $0x1  }
0x83: {  	v6 =	vmul.f32 v6, v5;
	_ =	sdelay $0x1  }
0x84: {  	v6 =	vadd.f32 $-4.999906120e-01, v6  }
0x85: {  	v7 =	vld [tilespmem:s6+$0x0]  }
0x86: {  	v6 =	vmul.f32 v6, v5;
	_ =	sdelay $0x1  }
0x87: {  	v6 =	vadd.f32 $9.999997610e-01, v6;
	_ =	sdelay $0x1  }
0x88: {  	vm2 =	vgt.s32 v7, $0x0;
	v5 =	vmul.f32 v6, v5  }
0x89: {  	v6 =	vmax.f32 v1, v4;
	v1 =	vsel vm2, v4, v1  }
0x8a: {  	v1 =	vsub.f32 v6, v1;
	v4 =	vadd.f32 $9.473307690e-10, v5;
	_ =	sdelay $0x1  }
0x8b: {  	v4 =	vadd.f32 v4, v1;
	_ =	sdelay $0x1  }
0x8c: {  	v1 =	vsel vm2, $0x0, v4  }
0x8d: {  	v5 =	vshrl.u32 v1, $0x14;
	_ =	sdelay $0x2  }
0x8e: {  	s16 =	simm.s32 $0x30;
	[tilespmem:s11+$0x0] =	vst v4  }
0x8f: {  	s0 =	sand.u32 $0x70, s16;
	[tilespmem:s13+$0x0] =	vst v1  }
0x90: {  	s1 =	sadd.s32 $0x30, s1;
	s0 =	sor.u32 s0, s7;
	[tilespmem:v5+s5+$0x0] =	vst.idx.add.f32.msk $0xffff, v0  }
0x91: {  	s1 =	sor.u32 $0x80, s1;
	v5 =	vld [tilespmem:s0+$0x0]  }
0x92: {  	v6 =	vld [tilespmem:s1+$0x0];
	_ =	sdelay $0x4  }
0x93: {  	v1 =	vsub.f32 v5, v6;
	_ =	sdelay $0x1  }
0x94: {  	v1 =	vand.u32 $0x7FFFFFFF, v1  }
0x95: {  	v1 =	vsub.f32 $0.0e+00, v1;
	_ =	sdelay $0x1  }
0x96: {  	v1 =	vmul.f32 $1.442695020e+00, v1;
	_ =	sdelay $0x1  }
0x97: {  	(erf) = vpow2.f32 v1;
	_ =	sdelay $0x8  }
0x98: {  	v7 =	vpop (erf)  }
0x99: {  	v1 =	vmul.f32 $2.260995330e-03, v7;
	_ =	sdelay $0x1  }
0x9a: {  	v1 =	vsub.f32 $1.505534910e-02, v1;
	_ =	sdelay $0x1  }
0x9b: {  	v1 =	vmul.f32 v1, v7;
	_ =	sdelay $0x1  }
0x9c: {  	v1 =	vadd.f32 $-4.705113550e-02, v1;
	_ =	sdelay $0x1  }
0x9d: {  	v1 =	vmul.f32 v1, v7;
	_ =	sdelay $0x1  }
0x9e: {  	v1 =	vadd.f32 $9.475556010e-02, v1;
	_ =	sdelay $0x1  }
0x9f: {  	v1 =	vmul.f32 v1, v7;
	_ =	sdelay $0x1  }
0xa0: {  	v1 =	vadd.f32 $-1.453396380e-01, v1;
	_ =	sdelay $0x1  }
0xa1: {  	v1 =	vmul.f32 v1, v7;
	_ =	sdelay $0x1  }
0xa2: {  	v1 =	vadd.f32 $1.935175060e-01, v1;
	_ =	sdelay $0x1  }
0xa3: {  	v8 =	vmul.f32 v1, v7;
	_ =	sdelay $0x1  }
0xa4: {  	v1 =	vimm.s32 $0x0;
	v8 =	vadd.f32 $-2.487205270e-01, v8  }
0xa5: {  	v9 =	vsel vm0, $0x3F800000, v1  }
0xa6: {  	v2 =	vnsel vm0, $0x0, v2;
	(xrf2) =	vadd.scan.msk.f32 $0xffff, v9;
	v8 =	vmul.f32 v8, v7  }
0xa7: {  	(xrf2) =	vadd.scan.msk.f32 $0xffff, v2;
	v2 =	vsel vm1, $0x3F800000, v1  }
0xa8: {  	(xrf2) =	vadd.scan.msk.f32 $0xffff, v2;
	v2 =	vld [tilespmem:s6+$0x10];
	v8 =	vadd.f32 $3.331819180e-01, v8;
	_ =	sdelay $0x1  }
0xa9: {  	v3 =	vnsel vm1, $0x0, v3;
	v8 =	vmul.f32 v8, v7  }
0xaa: {  	(xrf2) =	vadd.scan.msk.f32 $0xffff, v3;
	v3 =	vsel vm2, $0x3F800000, v1  }
0xab: {  	(xrf2) =	vadd.scan.msk.f32 $0xffff, v3;
	v3 =	vadd.f32 $-4.999906120e-01, v8  }
0xac: {  	vm15 =	vgt.s32 v2, $0x0  }
0xad: {  	v4 =	vnsel vm2, $0x0, v4;
	v2 =	vmul.f32 v3, v7;
	v3 =	vsel vm15, $0x3F800000, v1  }
0xae: {  	(xrf2) =	vadd.scan.msk.f32 $0xffff, v4;
	_ =	sdelay $0x1  }
0xaf: {  	(xrf2) =	vadd.scan.msk.f32 $0xffff, v3;
	v2 =	vadd.f32 $9.999997610e-01, v2;
	v3, _, _ =	vpop (xrf2)  }
0xb0: {  	v4, _, _ =	vpop (xrf2);
	(v2sf) =	vpush v3, $0xF  }
0xb1: {  	v2 =	vmul.f32 v2, v7;
	v3, _, _ =	vpop (xrf2);
	(v2sf) =	vpush v4, $0xF  }
0xb2: {  	v4 =	vsel vm15, v6, v5;
	(v2sf) =	vpush v3, $0xF;
	v3 =	vmax.f32 v5, v6  }
0xb3: {  	v2 =	vadd.f32 $9.473307690e-10, v2;
	v3 =	vsub.f32 v3, v4;
	_ =	sdelay $0x1  }
0xb4: {  	v5, _, _ =	vpop (xrf2);
	v3 =	vadd.f32 v2, v3  }
0xb5: {  	(v2sf) =	vpush v5, $0xF;
	v4, _, _ =	vpop (xrf2)  }
0xb6: {  	(v2sf) =	vpush v4, $0xF;
	v2, _, _ =	vpop (xrf2);
	v4 =	vsel vm15, $0x0, v3  }
0xb7: {  	(v2sf) =	vpush v2, $0xF;
	v2 =	vshrl.u32 v4, $0x14;
	_ =	sdelay $0x1  }
0xb8: {  	p0 =	por !p0, !p0;
	s0 =	rddreg [dreg:$0x4]  }
0xb9: {  	s17 =	simm.s32 $0x80;
	s7 =	simm.s32 $0x40;
	s0 =	simm.s32 @!p0 $0x0;
	v5, _, _ =	vpop (xrf2);
	[tilespmem:s11+$0x10] =	vst v3  }
0xba: {  	s18 =	sand.u32 $0x40, s7;
	s0 =	sshll.u32 s0, $0x6;
	(v2sf) =	vpush v5, $0xF;
	[tilespmem:s13+$0x10] =	vst v4;
	s13 =	sand.u32 $0x7F00, s17  }
0xbb: {  	s0 =	sadd.s32 $0x80, s0;
	s1 =	sor.u32 s18, s13;
	[tilespmem:v2+s5+$0x0] =	vst.idx.add.f32.msk $0xffff, v0  }
0xbc: {  	s0 =	sor.u32 $0x80, s0;
	v2 =	vld [tilespmem:s1+$0x0]  }
0xbd: {  	v4 =	vnsel vm15, $0x0, v3;
	v3 =	vld [tilespmem:s0+$0x0];
	_ =	sdelay $0x1  }
0xbe: {  	(xrf2) =	vadd.scan.msk.f32 $0xffff, v4  }
0xbf: {  	s26 =	simm.s32 $0x4  }
0xc0: {  	s22 =	simm.f32 $0.0e+00;
	s9 =	sand.u32 $0x7, s26  }
0xc1: {  	s4 =	simm.s32 $0xC060;
	s10 =	simm.s32 $0x20;
	s28 =	sshll.u32 s9, $0x4;
	v4 =	vsub.f32 v2, v3  }
0xc2: {  	s14 =	simm.s32 $0x80;
	s29 =	sadd.s32 $0x80, s28;
	s19 =	spop (v2sf)  }
0xc3: {  	s12 =	sadd.s32 $0x10, s29;
	s20 =	spop (v2sf);
	s24 =	sadd.f32 s19, s22;
	v4 =	vand.u32 $0x7FFFFFFF, v4  }
0xc4: {  	s9 =	sadd.s32 $0x30, s29;
	s21 =	spop (v2sf);
	s1 =	sadd.f32 s20, s22;
	v4 =	vsub.f32 $0.0e+00, v4  }
0xc5: {  	s15 =	simm.s32 $0x200;
	s23 =	spop (v2sf);
	s2 =	sadd.f32 s21, s24  }
0xc6: {  	s8 =	simm.s32 $0x8060;
	s1 =	sadd.f32 s23, s1;
	s25 =	spop (v2sf)  }
0xc7: {  	s16 =	simm.s32 $0x8;
	s2 =	sadd.f32 s25, s2;
	s30 =	spop (v2sf);
	v5 =	vmul.f32 $1.442695020e+00, v4  }
0xc8: {  	s6 =	simm.s32 $0x10060;
	s31 =	spop (v2sf);
	s18 =	sadd.f32 s30, s1;
	v4, _, _ =	vpop (xrf2)  }
0xc9: {  	s11 =	simm.s32 $0x2;
	s0 =	simm.s32 $0x80;
	s3 =	sadd.f32 s31, s2;
	(erf) = vpow2.f32 v5;
	(v2sf) =	vpush v4, $0xF;
	v4 =	vmax.f32 v2, v3  }
.LBB2_4:
0xca: {  	_ =	sdelay $0x7  }
0xcb: {  	v5 =	vpop (erf)  }
0xcc: {  	v6 =	vmul.f32 $2.260995330e-03, v5;
	_ =	sdelay $0x1  }
0xcd: {  	v6 =	vsub.f32 $1.505534910e-02, v6;
	_ =	sdelay $0x1  }
0xce: {  	v6 =	vmul.f32 v6, v5;
	_ =	sdelay $0x1  }
0xcf: {  	v6 =	vadd.f32 $-4.705113550e-02, v6;
	_ =	sdelay $0x1  }
0xd0: {  	v6 =	vmul.f32 v6, v5;
	_ =	sdelay $0x1  }
0xd1: {  	v6 =	vadd.f32 $9.475556010e-02, v6;
	_ =	sdelay $0x1  }
0xd2: {  	v6 =	vmul.f32 v6, v5;
	_ =	sdelay $0x1  }
0xd3: {  	v6 =	vadd.f32 $-1.453396380e-01, v6;
	_ =	sdelay $0x1  }
0xd4: {  	v6 =	vmul.f32 v6, v5;
	_ =	sdelay $0x1  }
0xd5: {  	v6 =	vadd.f32 $1.935175060e-01, v6;
	_ =	sdelay $0x1  }
0xd6: {  	v6 =	vmul.f32 v6, v5;
	_ =	sdelay $0x1  }
0xd7: {  	v6 =	vadd.f32 $-2.487205270e-01, v6;
	_ =	sdelay $0x1  }
0xd8: {  	v6 =	vmul.f32 v6, v5;
	_ =	sdelay $0x1  }
0xd9: {  	v6 =	vadd.f32 $3.331819180e-01, v6;
	_ =	sdelay $0x1  }
0xda: {  	v6 =	vmul.f32 v6, v5;
	_ =	sdelay $0x1  }
0xdb: {  	v6 =	vadd.f32 $-4.999906120e-01, v6  }
0xdc: {  	v7 =	vld [tilespmem:s8+$0xFFFFFFE0]  }
0xdd: {  	v6 =	vmul.f32 v6, v5;
	_ =	sdelay $0x1  }
0xde: {  	v6 =	vadd.f32 $9.999997610e-01, v6;
	_ =	sdelay $0x1  }
0xdf: {  	vm0 =	vgt.s32 v7, $0x0;
	v5 =	vmul.f32 v6, v5  }
0xe0: {  	v2 =	vsel vm0, v3, v2  }
0xe1: {  	v3 =	vsel vm0, $0x3F800000, v1;
	v2 =	vsub.f32 v4, v2;
	v4 =	vadd.f32 $9.473307690e-10, v5  }
0xe2: {  	(xrf2) =	vadd.scan.msk.f32 $0xffff, v3  }
0xe3: {  	v2 =	vadd.f32 v4, v2;
	_ =	sdelay $0x1  }
0xe4: {  	v3 =	vsel vm0, $0x0, v2  }
0xe5: {  	v5 =	vshrl.u32 v3, $0x14  }
0xe6: {  	s1 =	sand.u32 $0x7, s16  }
0xe7: {  	s14 =	sadd.s32 $0x80, s14;
	s1 =	sshll.u32 s1, $0x4  }
0xe8: {  	s28 =	sadd.s32 $0x10, s7;
	s1 =	sadd.s32 s1, s14;
	[tilespmem:s6+$0xFFFFFFE0] =	vst v2  }
0xe9: {  	s26 =	sadd.s32 $0x10, s1;
	s22 =	sadd.s32 $0x30, s1;
	s1 =	sand.u32 $0x50, s28;
	[tilespmem:s4+$0xFFFFFFE0] =	vst v3  }
0xea: {  	s1 =	sor.u32 s1, s13;
	[tilespmem:v5+s5+$0x0] =	vst.idx.add.f32.msk $0xffff, v0  }
0xeb: {  	s29 =	sor.u32 $0x80, s12;
	v4 =	vnsel vm0, $0x0, v2;
	v2, _, _ =	vpop (xrf2);
	v3 =	vld [tilespmem:s1+$0x0]  }
0xec: {  	s2 =	spop (v2sf);
	(v2sf) =	vpush v2, $0xF;
	v2 =	vld [tilespmem:s29+$0x0];
	_ =	sdelay $0x4  }
0xed: {  	v5 =	vsub.f32 v3, v2;
	_ =	sdelay $0x1  }
0xee: {  	v5 =	vand.u32 $0x7FFFFFFF, v5  }
0xef: {  	v5 =	vsub.f32 $0.0e+00, v5;
	_ =	sdelay $0x1  }
0xf0: {  	v5 =	vmul.f32 $1.442695020e+00, v5;
	_ =	sdelay $0x1  }
0xf1: {  	(erf) = vpow2.f32 v5;
	_ =	sdelay $0x8  }
0xf2: {  	v5 =	vpop (erf)  }
0xf3: {  	v6 =	vmul.f32 $2.260995330e-03, v5;
	_ =	sdelay $0x1  }
0xf4: {  	v6 =	vsub.f32 $1.505534910e-02, v6;
	_ =	sdelay $0x1  }
0xf5: {  	v6 =	vmul.f32 v6, v5;
	_ =	sdelay $0x1  }
0xf6: {  	v6 =	vadd.f32 $-4.705113550e-02, v6;
	_ =	sdelay $0x1  }
0xf7: {  	v6 =	vmul.f32 v6, v5;
	_ =	sdelay $0x1  }
0xf8: {  	v6 =	vadd.f32 $9.475556010e-02, v6;
	_ =	sdelay $0x1  }
0xf9: {  	v6 =	vmul.f32 v6, v5;
	_ =	sdelay $0x1  }
0xfa: {  	v6 =	vadd.f32 $-1.453396380e-01, v6;
	_ =	sdelay $0x1  }
0xfb: {  	v6 =	vmul.f32 v6, v5;
	_ =	sdelay $0x1  }
0xfc: {  	v6 =	vadd.f32 $1.935175060e-01, v6;
	_ =	sdelay $0x1  }
0xfd: {  	v6 =	vmul.f32 v6, v5;
	_ =	sdelay $0x1  }
0xfe: {  	v6 =	vadd.f32 $-2.487205270e-01, v6  }
0xff: {  	(xrf2) =	vadd.scan.msk.f32 $0xffff, v4  }
0x100: {  	v6 =	vmul.f32 v6, v5;
	_ =	sdelay $0x1  }
0x101: {  	v6 =	vadd.f32 $3.331819180e-01, v6;
	_ =	sdelay $0x1  }
0x102: {  	v6 =	vmul.f32 v6, v5;
	_ =	sdelay $0x1  }
0x103: {  	v7 =	vld [tilespmem:s8+$0xFFFFFFF0];
	v6 =	vadd.f32 $-4.999906120e-01, v6;
	_ =	sdelay $0x1  }
0x104: {  	v6 =	vmul.f32 v6, v5  }
0x105: {  	v4, _, _ =	vpop (xrf2)  }
0x106: {  	(v2sf) =	vpush v4, $0xF;
	v6 =	vadd.f32 $9.999997610e-01, v6  }
0x107: {  	vm13 =	vgt.s32 v7, $0x0  }
0x108: {  	v4 =	vmax.f32 v3, v2;
	v2 =	vsel vm13, v2, v3;
	v3 =	vmul.f32 v6, v5  }
0x109: {  	v5 =	vsel vm13, $0x3F800000, v1  }
0x10a: {  	v2 =	vsub.f32 v4, v2;
	(xrf2) =	vadd.scan.msk.f32 $0xffff, v5;
	v3 =	vadd.f32 $9.473307690e-10, v3;
	_ =	sdelay $0x1  }
0x10b: {  	v2 =	vadd.f32 v3, v2;
	_ =	sdelay $0x1  }
0x10c: {  	v3 =	vsel vm13, $0x0, v2  }
0x10d: {  	v5 =	vshrl.u32 v3, $0x14;
	_ =	sdelay $0x1  }
0x10e: {  	s10 =	sadd.s32 $0x80, s10;
	s21 =	smov.u32 s0  }
0x10f: {  	s17 =	sadd.s32 $0x40, s0;
	s30 =	sand.u32 $0x3, s11;
	s31 =	sadd.s32 $0x20, s7;
	[tilespmem:s6+$0xFFFFFFF0] =	vst v2  }
0x110: {  	p1 =	sne.s32 s0, $0x3FC0;
	s0 =	sshll.u32 s30, $0x5;
	s1 =	sand.u32 $0x60, s31;
	[tilespmem:s4+$0xFFFFFFF0] =	vst v3  }
0x111: {  	s0 =	sadd.s32 s0, s10;
	s1 =	sor.u32 s1, s13;
	s20 =	spop (v2sf);
	v4 =	vnsel vm13, $0x0, v2;
	v2, _, _ =	vpop (xrf2);
	[tilespmem:v5+s5+$0x0] =	vst.idx.add.f32.msk $0xffff, v0  }
0x112: {  	s0 =	sor.u32 $0x80, s0;
	s19 =	spop (v2sf);
	(v2sf) =	vpush v2, $0xF;
	v2 =	vld [tilespmem:s1+$0x0]  }
0x113: {  	v3 =	vld [tilespmem:s0+$0x0];
	_ =	sdelay $0x4  }
0x114: {  	v5 =	vsub.f32 v2, v3;
	_ =	sdelay $0x1  }
0x115: {  	v5 =	vand.u32 $0x7FFFFFFF, v5  }
0x116: {  	v5 =	vsub.f32 $0.0e+00, v5;
	_ =	sdelay $0x1  }
0x117: {  	v5 =	vmul.f32 $1.442695020e+00, v5;
	_ =	sdelay $0x1  }
0x118: {  	(erf) = vpow2.f32 v5;
	_ =	sdelay $0x8  }
0x119: {  	v5 =	vpop (erf)  }
0x11a: {  	v6 =	vmul.f32 $2.260995330e-03, v5;
	_ =	sdelay $0x1  }
0x11b: {  	v6 =	vsub.f32 $1.505534910e-02, v6;
	_ =	sdelay $0x1  }
0x11c: {  	v6 =	vmul.f32 v6, v5;
	_ =	sdelay $0x1  }
0x11d: {  	v6 =	vadd.f32 $-4.705113550e-02, v6;
	_ =	sdelay $0x1  }
0x11e: {  	v6 =	vmul.f32 v6, v5;
	_ =	sdelay $0x1  }
0x11f: {  	v6 =	vadd.f32 $9.475556010e-02, v6;
	_ =	sdelay $0x1  }
0x120: {  	v6 =	vmul.f32 v6, v5;
	_ =	sdelay $0x1  }
0x121: {  	v6 =	vadd.f32 $-1.453396380e-01, v6;
	_ =	sdelay $0x1  }
0x122: {  	v6 =	vmul.f32 v6, v5;
	_ =	sdelay $0x1  }
0x123: {  	v6 =	vadd.f32 $1.935175060e-01, v6;
	_ =	sdelay $0x1  }
0x124: {  	v6 =	vmul.f32 v6, v5;
	_ =	sdelay $0x1  }
0x125: {  	v6 =	vadd.f32 $-2.487205270e-01, v6  }
0x126: {  	(xrf2) =	vadd.scan.msk.f32 $0xffff, v4  }
0x127: {  	v6 =	vmul.f32 v6, v5;
	_ =	sdelay $0x1  }
0x128: {  	v6 =	vadd.f32 $3.331819180e-01, v6;
	_ =	sdelay $0x1  }
0x129: {  	v6 =	vmul.f32 v6, v5  }
0x12a: {  	v7 =	vld [tilespmem:s8+$0x0]  }
0x12b: {  	v6 =	vadd.f32 $-4.999906120e-01, v6;
	_ =	sdelay $0x1  }
0x12c: {  	v6 =	vmul.f32 v6, v5  }
0x12d: {  	v4, _, _ =	vpop (xrf2)  }
0x12e: {  	(v2sf) =	vpush v4, $0xF;
	vm14 =	vgt.s32 v7, $0x0;
	v6 =	vadd.f32 $9.999997610e-01, v6  }
0x12f: {  	v4 =	vmax.f32 v2, v3;
	v2 =	vsel vm14, v3, v2  }
0x130: {  	v2 =	vsub.f32 v4, v2;
	v4 =	vmul.f32 v6, v5  }
0x131: {  	v3 =	vsel vm14, $0x3F800000, v1  }
0x132: {  	(xrf2) =	vadd.scan.msk.f32 $0xffff, v3;
	v3 =	vadd.f32 $9.473307690e-10, v4;
	_ =	sdelay $0x1  }
0x133: {  	v2 =	vadd.f32 v3, v2;
	_ =	sdelay $0x1  }
0x134: {  	v3 =	vsel vm14, $0x0, v2;
	[tilespmem:s6+$0x0] =	vst v2  }
0x135: {  	[tilespmem:s4+$0x0] =	vst v3;
	v3 =	vshrl.u32 v3, $0x14;
	_ =	sdelay $0x1  }
0x136: {  	v2 =	vnsel vm14, $0x0, v2  }
0x137: {  	s18 =	sadd.f32 s2, s18;
	s2 =	sadd.s32 $0x30, s7  }
0x138: {  	s0 =	sand.u32 $0x70, s2  }
0x139: {  	s0 =	sor.u32 s0, s13;
	s24 =	spop (v2sf);
	(xrf2) =	vadd.scan.msk.f32 $0xffff, v2;
	v2, _, _ =	vpop (xrf2);
	[tilespmem:v3+s5+$0x0] =	vst.idx.add.f32.msk $0xffff, v0  }
0x13a: {  	s7 =	smov.u32 s21;
	s21 =	sor.u32 $0x80, s9;
	s23 =	spop (v2sf);
	(v2sf) =	vpush v2, $0xF;
	v2 =	vld [tilespmem:s0+$0x0]  }
0x13b: {  	v3 =	vld [tilespmem:s21+$0x0];
	_ =	sdelay $0x4  }
0x13c: {  	v6 =	vsub.f32 v2, v3;
	_ =	sdelay $0x1  }
0x13d: {  	v6 =	vand.u32 $0x7FFFFFFF, v6  }
0x13e: {  	v6 =	vsub.f32 $0.0e+00, v6;
	_ =	sdelay $0x1  }
0x13f: {  	v6 =	vmul.f32 $1.442695020e+00, v6;
	_ =	sdelay $0x1  }
0x140: {  	(erf) = vpow2.f32 v6;
	_ =	sdelay $0x8  }
0x141: {  	v6 =	vpop (erf)  }
0x142: {  	v7 =	vmul.f32 $2.260995330e-03, v6;
	_ =	sdelay $0x1  }
0x143: {  	v7 =	vsub.f32 $1.505534910e-02, v7;
	_ =	sdelay $0x1  }
0x144: {  	v7 =	vmul.f32 v7, v6;
	_ =	sdelay $0x1  }
0x145: {  	v7 =	vadd.f32 $-4.705113550e-02, v7;
	_ =	sdelay $0x1  }
0x146: {  	v7 =	vmul.f32 v7, v6;
	_ =	sdelay $0x1  }
0x147: {  	v7 =	vadd.f32 $9.475556010e-02, v7;
	_ =	sdelay $0x1  }
0x148: {  	v7 =	vmul.f32 v7, v6;
	_ =	sdelay $0x1  }
0x149: {  	v7 =	vadd.f32 $-1.453396380e-01, v7;
	_ =	sdelay $0x1  }
0x14a: {  	v7 =	vmul.f32 v7, v6;
	_ =	sdelay $0x1  }
0x14b: {  	v7 =	vadd.f32 $1.935175060e-01, v7;
	_ =	sdelay $0x1  }
0x14c: {  	v7 =	vmul.f32 v7, v6;
	_ =	sdelay $0x1  }
0x14d: {  	v7 =	vadd.f32 $-2.487205270e-01, v7;
	_ =	sdelay $0x1  }
0x14e: {  	v7 =	vmul.f32 v7, v6;
	_ =	sdelay $0x1  }
0x14f: {  	v7 =	vadd.f32 $3.331819180e-01, v7;
	_ =	sdelay $0x1  }
0x150: {  	v4 =	vld [tilespmem:s8+$0x10];
	v7 =	vmul.f32 v7, v6;
	_ =	sdelay $0x1  }
0x151: {  	v5, _, _ =	vpop (xrf2);
	v7 =	vadd.f32 $-4.999906120e-01, v7  }
0x152: {  	(v2sf) =	vpush v5, $0xF  }
0x153: {  	v7 =	vmul.f32 v7, v6  }
0x154: {  	v5 =	vmax.f32 v2, v3;
	vm15 =	vgt.s32 v4, $0x0  }
0x155: {  	v2 =	vsel vm15, v3, v2;
	v4 =	vsel vm15, $0x3F800000, v1;
	v3 =	vadd.f32 $9.999997610e-01, v7  }
0x156: {  	(xrf2) =	vadd.scan.msk.f32 $0xffff, v4  }
0x157: {  	v3 =	vmul.f32 v3, v6;
	_ =	sdelay $0x1  }
0x158: {  	v2 =	vsub.f32 v5, v2;
	v3 =	vadd.f32 $9.473307690e-10, v3;
	_ =	sdelay $0x1  }
0x159: {  	v2 =	vadd.f32 v3, v2;
	_ =	sdelay $0x1  }
0x15a: {  	v3 =	vsel vm15, $0x0, v2;
	[tilespmem:s6+$0x10] =	vst v2;
	v2 =	vnsel vm15, $0x0, v2  }
0x15b: {  	[tilespmem:s4+$0x10] =	vst v3;
	v3 =	vshrl.u32 v3, $0x14  }
0x15c: {  	p0 =	por !p0, !p0;
	s15 =	sadd.s32 $0x200, s15;
	s12 =	smov.u32 s26  }
0x15d: {  	s9 =	smov.u32 s22;
	s1 =	rddreg [dreg:$0x4];
	s22 =	spop (v2sf);
	(xrf2) =	vadd.scan.msk.f32 $0xffff, v2;
	v2, _, _ =	vpop (xrf2)  }
0x15e: {  	s26 =	sshrl.u32 s15, $0x2;
	s1 =	simm.s32 @!p0 $0x0;
	s25 =	spop (v2sf);
	(v2sf) =	vpush v2, $0xF  }
0x15f: {  	s13 =	sand.u32 $0x7F00, s26;
	s1 =	sshll.u32 s1, $0x6;
	s21 =	sand.u32 $0x40, s7  }
0x160: {  	s1 =	sadd.s32 s1, s14;
	s21 =	sor.u32 s21, s13;
	[tilespmem:v3+s5+$0x0] =	vst.idx.add.f32.msk $0xffff, v0  }
0x161: {  	s1 =	sor.u32 $0x80, s1;
	v2 =	vld [tilespmem:s21+$0x0]  }
0x162: {  	v3 =	vld [tilespmem:s1+$0x0];
	_ =	sdelay $0x4  }
0x163: {  	v5 =	vsub.f32 v2, v3  }
0x164: {  	s28 =	sadd.f32 s20, s3  }
0x165: {  	s29 =	sadd.f32 s19, s18;
	v5 =	vand.u32 $0x7FFFFFFF, v5  }
.Ltmp2:
0x166: {  	s1 =	sadd.f32 s24, s28;
	v5 =	vsub.f32 $0.0e+00, v5;
	(pc) =	sbr.rel @p1 .LBB2_4-.Ltmp2, $4  }
0x167: {  	s16 =	sadd.s32 $0x4, s16;
	s31 =	sadd.f32 s23, s29  }
0x168: {  	s11 =	sadd.s32 $0x2, s11;
	s8 =	sadd.s32 $0x40, s8;
	s1 =	sadd.f32 s22, s1;
	v5 =	vmul.f32 $1.442695020e+00, v5  }
0x169: {  	s0 =	smov.u32 s17;
	s18 =	sadd.f32 s25, s31;
	v4, _, _ =	vpop (xrf2);
	s30 =	spop (v2sf)  }
0x16a: {  	s6 =	sadd.s32 $0x40, s6;
	s4 =	sadd.s32 $0x40, s4;
	(v2sf) =	vpush v4, $0xF;
	v4 =	vmax.f32 v2, v3;
	(erf) = vpow2.f32 v5;
	s3 =	sadd.f32 s30, s1  }
0x16b: {  	_ =	sdelay $0x7  }
0x16c: {  	v5 =	vpop (erf)  }
0x16d: {  	v6 =	vmul.f32 $2.260995330e-03, v5;
	_ =	sdelay $0x1  }
0x16e: {  	v6 =	vsub.f32 $1.505534910e-02, v6;
	_ =	sdelay $0x1  }
0x16f: {  	v6 =	vmul.f32 v6, v5;
	_ =	sdelay $0x1  }
0x170: {  	v6 =	vadd.f32 $-4.705113550e-02, v6;
	_ =	sdelay $0x1  }
0x171: {  	v6 =	vmul.f32 v6, v5;
	_ =	sdelay $0x1  }
0x172: {  	v6 =	vadd.f32 $9.475556010e-02, v6;
	_ =	sdelay $0x1  }
0x173: {  	v6 =	vmul.f32 v6, v5;
	_ =	sdelay $0x1  }
0x174: {  	v6 =	vadd.f32 $-1.453396380e-01, v6;
	_ =	sdelay $0x1  }
0x175: {  	v6 =	vmul.f32 v6, v5;
	_ =	sdelay $0x1  }
0x176: {  	v6 =	vadd.f32 $1.935175060e-01, v6;
	_ =	sdelay $0x1  }
0x177: {  	v6 =	vmul.f32 v6, v5;
	_ =	sdelay $0x1  }
0x178: {  	v6 =	vadd.f32 $-2.487205270e-01, v6;
	_ =	sdelay $0x1  }
0x179: {  	v6 =	vmul.f32 v6, v5;
	_ =	sdelay $0x1  }
0x17a: {  	v6 =	vadd.f32 $3.331819180e-01, v6;
	_ =	sdelay $0x1  }
0x17b: {  	v6 =	vmul.f32 v6, v5;
	_ =	sdelay $0x1  }
0x17c: {  	v6 =	vadd.f32 $-4.999906120e-01, v6  }
0x17d: {  	v7 =	vld [tilespmem:s8+$0xFFFFFFE0]  }
0x17e: {  	v6 =	vmul.f32 v6, v5;
	_ =	sdelay $0x1  }
0x17f: {  	v6 =	vadd.f32 $9.999997610e-01, v6;
	_ =	sdelay $0x1  }
0x180: {  	vm0 =	vgt.s32 v7, $0x0;
	v5 =	vmul.f32 v6, v5  }
0x181: {  	v2 =	vsel vm0, v3, v2  }
0x182: {  	v2 =	vsub.f32 v4, v2;
	v3 =	vadd.f32 $9.473307690e-10, v5;
	_ =	sdelay $0x1  }
0x183: {  	v2 =	vadd.f32 v3, v2;
	_ =	sdelay $0x1  }
0x184: {  	v3 =	vsel vm0, $0x0, v2  }
0x185: {  	v4 =	vshrl.u32 v3, $0x14;
	_ =	sdelay $0x2  }
0x186: {  	s0 =	sadd.s32 $0x10, s7;
	[tilespmem:s6+$0xFFFFFFE0] =	vst v2  }
0x187: {  	s0 =	sand.u32 $0x50, s0;
	[tilespmem:s4+$0xFFFFFFE0] =	vst v3  }
0x188: {  	s0 =	sor.u32 s0, s13;
	[tilespmem:v4+s5+$0x0] =	vst.idx.add.f32.msk $0xffff, v0  }
0x189: {  	s1 =	sor.u32 $0x80, s12;
	v3 =	vld [tilespmem:s0+$0x0]  }
0x18a: {  	v4 =	vld [tilespmem:s1+$0x0];
	_ =	sdelay $0x4  }
0x18b: {  	v5 =	vsub.f32 v3, v4;
	_ =	sdelay $0x1  }
0x18c: {  	v5 =	vand.u32 $0x7FFFFFFF, v5  }
0x18d: {  	v5 =	vsub.f32 $0.0e+00, v5;
	_ =	sdelay $0x1  }
0x18e: {  	v5 =	vmul.f32 $1.442695020e+00, v5;
	_ =	sdelay $0x1  }
0x18f: {  	(erf) = vpow2.f32 v5;
	_ =	sdelay $0x8  }
0x190: {  	v5 =	vpop (erf)  }
0x191: {  	v6 =	vmul.f32 $2.260995330e-03, v5;
	_ =	sdelay $0x1  }
0x192: {  	v6 =	vsub.f32 $1.505534910e-02, v6;
	_ =	sdelay $0x1  }
0x193: {  	v6 =	vmul.f32 v6, v5;
	_ =	sdelay $0x1  }
0x194: {  	v6 =	vadd.f32 $-4.705113550e-02, v6;
	_ =	sdelay $0x1  }
0x195: {  	v6 =	vmul.f32 v6, v5;
	_ =	sdelay $0x1  }
0x196: {  	v6 =	vadd.f32 $9.475556010e-02, v6;
	_ =	sdelay $0x1  }
0x197: {  	v6 =	vmul.f32 v6, v5;
	_ =	sdelay $0x1  }
0x198: {  	v6 =	vadd.f32 $-1.453396380e-01, v6;
	_ =	sdelay $0x1  }
0x199: {  	v6 =	vmul.f32 v6, v5;
	_ =	sdelay $0x1  }
0x19a: {  	v6 =	vadd.f32 $1.935175060e-01, v6;
	_ =	sdelay $0x1  }
0x19b: {  	v6 =	vmul.f32 v6, v5;
	_ =	sdelay $0x1  }
0x19c: {  	v6 =	vadd.f32 $-2.487205270e-01, v6;
	_ =	sdelay $0x1  }
0x19d: {  	v6 =	vmul.f32 v6, v5;
	_ =	sdelay $0x1  }
0x19e: {  	v6 =	vadd.f32 $3.331819180e-01, v6;
	_ =	sdelay $0x1  }
0x19f: {  	v6 =	vmul.f32 v6, v5;
	_ =	sdelay $0x1  }
0x1a0: {  	v6 =	vadd.f32 $-4.999906120e-01, v6  }
0x1a1: {  	v7 =	vld [tilespmem:s8+$0xFFFFFFF0]  }
0x1a2: {  	v6 =	vmul.f32 v6, v5;
	_ =	sdelay $0x1  }
0x1a3: {  	v6 =	vadd.f32 $9.999997610e-01, v6;
	_ =	sdelay $0x1  }
0x1a4: {  	vm1 =	vgt.s32 v7, $0x0;
	v5 =	vmul.f32 v6, v5  }
0x1a5: {  	v6 =	vmax.f32 v3, v4;
	v3 =	vsel vm1, v4, v3  }
0x1a6: {  	v3 =	vsub.f32 v6, v3;
	v4 =	vadd.f32 $9.473307690e-10, v5;
	_ =	sdelay $0x1  }
0x1a7: {  	v3 =	vadd.f32 v4, v3;
	_ =	sdelay $0x1  }
0x1a8: {  	v4 =	vsel vm1, $0x0, v3  }
0x1a9: {  	v5 =	vshrl.u32 v4, $0x14;
	_ =	sdelay $0x2  }
0x1aa: {  	s20 =	sand.u32 $0x3, s11;
	s21 =	sadd.s32 $0x20, s7;
	[tilespmem:s6+$0xFFFFFFF0] =	vst v3  }
0x1ab: {  	s2 =	sadd.s32 $0x80, s10;
	s0 =	sshll.u32 s20, $0x5;
	s1 =	sand.u32 $0x60, s21;
	[tilespmem:s4+$0xFFFFFFF0] =	vst v4  }
0x1ac: {  	s0 =	sadd.s32 s0, s2;
	s1 =	sor.u32 s1, s13;
	[tilespmem:v5+s5+$0x0] =	vst.idx.add.f32.msk $0xffff, v0  }
0x1ad: {  	s0 =	sor.u32 $0x80, s0;
	v4 =	vld [tilespmem:s1+$0x0]  }
0x1ae: {  	v5 =	vld [tilespmem:s0+$0x0];
	_ =	sdelay $0x4  }
0x1af: {  	v6 =	vsub.f32 v4, v5;
	_ =	sdelay $0x1  }
0x1b0: {  	v6 =	vand.u32 $0x7FFFFFFF, v6  }
0x1b1: {  	v6 =	vsub.f32 $0.0e+00, v6;
	_ =	sdelay $0x1  }
0x1b2: {  	v6 =	vmul.f32 $1.442695020e+00, v6;
	_ =	sdelay $0x1  }
0x1b3: {  	(erf) = vpow2.f32 v6;
	_ =	sdelay $0x8  }
0x1b4: {  	v6 =	vpop (erf)  }
0x1b5: {  	v7 =	vmul.f32 $2.260995330e-03, v6;
	_ =	sdelay $0x1  }
0x1b6: {  	v7 =	vsub.f32 $1.505534910e-02, v7;
	_ =	sdelay $0x1  }
0x1b7: {  	v7 =	vmul.f32 v7, v6;
	_ =	sdelay $0x1  }
0x1b8: {  	v7 =	vadd.f32 $-4.705113550e-02, v7;
	_ =	sdelay $0x1  }
0x1b9: {  	v7 =	vmul.f32 v7, v6;
	_ =	sdelay $0x1  }
0x1ba: {  	v7 =	vadd.f32 $9.475556010e-02, v7;
	_ =	sdelay $0x1  }
0x1bb: {  	v7 =	vmul.f32 v7, v6;
	_ =	sdelay $0x1  }
0x1bc: {  	v7 =	vadd.f32 $-1.453396380e-01, v7;
	_ =	sdelay $0x1  }
0x1bd: {  	v7 =	vmul.f32 v7, v6;
	_ =	sdelay $0x1  }
0x1be: {  	v7 =	vadd.f32 $1.935175060e-01, v7;
	_ =	sdelay $0x1  }
0x1bf: {  	v7 =	vmul.f32 v7, v6;
	_ =	sdelay $0x1  }
0x1c0: {  	v7 =	vadd.f32 $-2.487205270e-01, v7;
	_ =	sdelay $0x1  }
0x1c1: {  	v7 =	vmul.f32 v7, v6;
	_ =	sdelay $0x1  }
0x1c2: {  	v7 =	vadd.f32 $3.331819180e-01, v7;
	_ =	sdelay $0x1  }
0x1c3: {  	v7 =	vmul.f32 v7, v6;
	_ =	sdelay $0x1  }
0x1c4: {  	v7 =	vadd.f32 $-4.999906120e-01, v7  }
0x1c5: {  	v8 =	vld [tilespmem:s8+$0x0]  }
0x1c6: {  	v7 =	vmul.f32 v7, v6;
	_ =	sdelay $0x1  }
0x1c7: {  	v7 =	vadd.f32 $9.999997610e-01, v7;
	_ =	sdelay $0x1  }
0x1c8: {  	vm2 =	vgt.s32 v8, $0x0;
	v6 =	vmul.f32 v7, v6  }
0x1c9: {  	v7 =	vmax.f32 v4, v5;
	v4 =	vsel vm2, v5, v4  }
0x1ca: {  	v4 =	vsub.f32 v7, v4;
	v5 =	vadd.f32 $9.473307690e-10, v6;
	_ =	sdelay $0x1  }
0x1cb: {  	v4 =	vadd.f32 v5, v4;
	_ =	sdelay $0x1  }
0x1cc: {  	v5 =	vsel vm2, $0x0, v4  }
0x1cd: {  	v6 =	vshrl.u32 v5, $0x14;
	_ =	sdelay $0x2  }
0x1ce: {  	s22 =	sadd.s32 $0x30, s7;
	[tilespmem:s6+$0x0] =	vst v4  }
0x1cf: {  	s0 =	sand.u32 $0x70, s22;
	[tilespmem:s4+$0x0] =	vst v5  }
0x1d0: {  	s0 =	sor.u32 s0, s13;
	[tilespmem:v6+s5+$0x0] =	vst.idx.add.f32.msk $0xffff, v0  }
0x1d1: {  	s23 =	sor.u32 $0x80, s9;
	v5 =	vld [tilespmem:s0+$0x0]  }
0x1d2: {  	v6 =	vld [tilespmem:s23+$0x0];
	_ =	sdelay $0x4  }
0x1d3: {  	v7 =	vsub.f32 v5, v6;
	_ =	sdelay $0x1  }
0x1d4: {  	v7 =	vand.u32 $0x7FFFFFFF, v7  }
0x1d5: {  	v7 =	vsub.f32 $0.0e+00, v7;
	_ =	sdelay $0x1  }
0x1d6: {  	v7 =	vmul.f32 $1.442695020e+00, v7;
	_ =	sdelay $0x1  }
0x1d7: {  	(erf) = vpow2.f32 v7;
	_ =	sdelay $0x8  }
0x1d8: {  	v7 =	vpop (erf)  }
0x1d9: {  	v8 =	vmul.f32 $2.260995330e-03, v7;
	_ =	sdelay $0x1  }
0x1da: {  	v8 =	vsub.f32 $1.505534910e-02, v8;
	_ =	sdelay $0x1  }
0x1db: {  	v8 =	vmul.f32 v8, v7;
	_ =	sdelay $0x1  }
0x1dc: {  	v8 =	vadd.f32 $-4.705113550e-02, v8;
	_ =	sdelay $0x1  }
0x1dd: {  	v8 =	vmul.f32 v8, v7;
	_ =	sdelay $0x1  }
0x1de: {  	v8 =	vadd.f32 $9.475556010e-02, v8;
	_ =	sdelay $0x1  }
0x1df: {  	v8 =	vmul.f32 v8, v7;
	_ =	sdelay $0x1  }
0x1e0: {  	v8 =	vadd.f32 $-1.453396380e-01, v8;
	_ =	sdelay $0x1  }
0x1e1: {  	v8 =	vmul.f32 v8, v7;
	_ =	sdelay $0x1  }
0x1e2: {  	v8 =	vadd.f32 $1.935175060e-01, v8;
	_ =	sdelay $0x1  }
0x1e3: {  	v8 =	vmul.f32 v8, v7;
	_ =	sdelay $0x1  }
0x1e4: {  	v8 =	vadd.f32 $-2.487205270e-01, v8;
	_ =	sdelay $0x1  }
0x1e5: {  	v8 =	vmul.f32 v8, v7;
	_ =	sdelay $0x1  }
0x1e6: {  	v8 =	vadd.f32 $3.331819180e-01, v8;
	_ =	sdelay $0x1  }
0x1e7: {  	v8 =	vmul.f32 v8, v7;
	_ =	sdelay $0x1  }
0x1e8: {  	v8 =	vadd.f32 $-4.999906120e-01, v8  }
0x1e9: {  	v9 =	vsel vm0, $0x3F800000, v1;
	v10 =	vld [tilespmem:s8+$0x10]  }
0x1ea: {  	(xrf2) =	vadd.scan.msk.f32 $0xffff, v9;
	v2 =	vnsel vm0, $0x0, v2;
	v8 =	vmul.f32 v8, v7  }
0x1eb: {  	(xrf2) =	vadd.scan.msk.f32 $0xffff, v2;
	v2 =	vsel vm1, $0x3F800000, v1  }
0x1ec: {  	(xrf2) =	vadd.scan.msk.f32 $0xffff, v2;
	v3 =	vnsel vm1, $0x0, v3;
	v2 =	vadd.f32 $9.999997610e-01, v8  }
0x1ed: {  	(xrf2) =	vadd.scan.msk.f32 $0xffff, v3;
	v3 =	vsel vm2, $0x3F800000, v1  }
0x1ee: {  	(xrf2) =	vadd.scan.msk.f32 $0xffff, v3;
	v3 =	vnsel vm2, $0x0, v4;
	vm0 =	vgt.s32 v10, $0x0;
	v2 =	vmul.f32 v2, v7  }
0x1ef: {  	(xrf2) =	vadd.scan.msk.f32 $0xffff, v3;
	v3 =	vmax.f32 v5, v6;
	v4 =	vsel vm0, v6, v5;
	v1 =	vsel vm0, $0x3F800000, v1  }
0x1f0: {  	v3 =	vsub.f32 v3, v4;
	(xrf2) =	vadd.scan.msk.f32 $0xffff, v1;
	v1 =	vadd.f32 $9.473307690e-10, v2;
	_ =	sdelay $0x1  }
0x1f1: {  	v2 =	vadd.f32 v1, v3;
	_ =	sdelay $0x1  }
0x1f2: {  	v3 =	vnsel vm0, $0x0, v2  }
0x1f3: {  	v1, _, _ =	vpop (xrf2)  }
0x1f4: {  	(v2sf) =	vpush v1, $0xF;
	v1, _, _ =	vpop (xrf2)  }
0x1f5: {  	(xrf2) =	vadd.scan.msk.f32 $0xffff, v3;
	(v2sf) =	vpush v1, $0xF;
	v3, _, _ =	vpop (xrf2)  }
0x1f6: {  	v1, _, _ =	vpop (xrf2);
	(v2sf) =	vpush v3, $0xF  }
0x1f7: {  	v3, _, _ =	vpop (xrf2);
	(v2sf) =	vpush v1, $0xF  }
0x1f8: {  	(v2sf) =	vpush v3, $0xF;
	v3 =	vsel vm0, $0x0, v2  }
0x1f9: {  	v4 =	vshrl.u32 v3, $0x14;
	_ =	sdelay $0x1  }
0x1fa: {  	v1, _, _ =	vpop (xrf2)  }
0x1fb: {  	[tilespmem:s6+$0x10] =	vst v2;
	(v2sf) =	vpush v1, $0xF;
	v1, _, _ =	vpop (xrf2)  }
0x1fc: {  	[tilespmem:s4+$0x10] =	vst v3;
	(v2sf) =	vpush v1, $0xF  }
0x1fd: {  	s9 =	simm.s32 $0x147F0;
	[tilespmem:v4+s5+$0x0] =	vst.idx.add.f32.msk $0xffff, v0  }
0x1fe: {  	v1, _, _ =	vpop (xrf2);
	v4 =	vld [tilespmem:s9+$0x0]  }
0x1ff: {  	(v2sf) =	vpush v1, $0xF;
	v1 =	vlaneseq.u32  }
0x200: {  	v2 =	vmul.u32 $0xFFFFFFFF, v1;
	_ =	sdelay $0x1  }
0x201: {  	v3 =	vadd.s32 $0xF, v2  }
0x202: {  	v6 =	vperm.xlane v4, v3  }
0x203: {  	s24 =	spop (v2sf);
	(xrf2) =	vadd.scan.msk.f32 $0xffff, v4  }
0x204: {  	s10 =	simm.s32 $0x147E0;
	s25 =	spop (v2sf);
	(xrf2) =	vadd.scan.msk.f32 $0xffff, v6  }
0x205: {  	s26 =	spop (v2sf);
	s1 =	sadd.f32 s25, s3;
	v4 =	vld [tilespmem:s10+$0x0]  }
0x206: {  	s28 =	spop (v2sf)  }
0x207: {  	s29 =	spop (v2sf);
	s1 =	sadd.f32 s28, s1  }
0x208: {  	s30 =	spop (v2sf)  }
0x209: {  	s31 =	spop (v2sf);
	s1 =	sadd.f32 s30, s1  }
0x20a: {  	s3 =	spop (v2sf);
	(xrf2) =	vadd.scan.msk.f32 $0xffff, v4  }
0x20b: {  	s1 =	sadd.f32 s3, s1;
	_ =	sdelay $0x1  }
0x20c: {  	[dreg:$0x6] =	wrdreg s1;
	s1 =	smul.f32 $3.000000000e+00, s1;
	v5, _, _ =	vpop (xrf2)  }
0x20d: {  	s7 =	simm.f32 $0.0e+00;
	(v2sf) =	vpush v5, $0xF;
	v5, _, _ =	vpop (xrf2)  }
0x20e: {  	s6 =	smin.f32 s1, $1.638300000e+04;
	v5 =	vadd.f32 s7, v5  }
0x20f: {  	v0 =	vmov s6  }
0x210: {  	s11 =	simm.s32 $0x147D0;
	v2 =	vor.u32 $0x80000000, v1;
	vm0 =	vge.f32 v5, v0  }
0x211: {  	v7 =	vld [tilespmem:s11+$0x0];
	v8 =	vnsel vm0, $0x80000010, v2  }
0x212: {  	v9 =	vperm.xlane v4, v3;
	(xrf0) =	vmin.scan.msk.u32 $0xffff, v8  }
0x213: {  	v4, _, _ =	vpop (xrf2)  }
0x214: {  	(xrf2) =	vadd.scan.msk.f32 $0xffff, v9;
	(v2sf) =	vpush v4, $0xF;
	_ =	sdelay $0x1  }
0x215: {  	(xrf2) =	vadd.scan.msk.f32 $0xffff, v7;
	_ =	sdelay $0x1  }
0x216: {  	v4, _, _ =	vpop (xrf0)  }
0x217: {  	v10 =	vperm.xlane v7, v3;
	(v2sf) =	vpush v4, $0xF;
	_ =	sdelay $0x1  }
0x218: {  	s8 =	spop (v2sf);
	(xrf2) =	vadd.scan.msk.f32 $0xffff, v10  }
0x219: {  	s12 =	spop (v2sf)  }
0x21a: {  	s13 =	sadd.f32 s12, s7  }
0x21b: {  	v4, _, _ =	vpop (xrf2)  }
0x21c: {  	s14 =	simm.s32 $0x147C0;
	v8 =	vadd.f32 s13, v4  }
0x21d: {  	v7, _, _ =	vpop (xrf2);
	v4 =	vld [tilespmem:s14+$0x0]  }
0x21e: {  	(v2sf) =	vpush v7, $0xF;
	vm0 =	vge.f32 v8, v0  }
0x21f: {  	v7 =	vnsel vm0, $0x80000010, v2  }
0x220: {  	s15 =	spop (v2sf);
	(xrf0) =	vmin.scan.msk.u32 $0xffff, v7  }
0x221: {  	s16 =	sadd.f32 s15, s13  }
0x222: {  	(xrf2) =	vadd.scan.msk.f32 $0xffff, v4;
	v7, _, _ =	vpop (xrf2)  }
0x223: {  	v4 =	vperm.xlane v4, v3;
	v11 =	vadd.f32 s16, v7;
	_ =	sdelay $0x1  }
0x224: {  	(xrf2) =	vadd.scan.msk.f32 $0xffff, v4;
	vm0 =	vge.f32 v11, v0;
	s17 =	spop (v2sf)  }
0x225: {  	v7 =	vnsel vm0, $0x80000010, v2;
	v12, _, _ =	vpop (xrf0);
	s19 =	sxor.u32 $0x80000000, s17  }
0x226: {  	s0 =	sadd.f32 s24, s18;
	s18 =	simm.s32 $0x147B0;
	(xrf0) =	vmin.scan.msk.u32 $0xffff, v7;
	(v2sf) =	vpush v12, $0xF;
	v7 =	vmov s19  }
0x227: {  	v13 =	vld [tilespmem:s18+$0x0];
	vm0 =	veq.s32 v7, v1  }
0x228: {  	v5 =	vnsel vm0, $0x0, v5;
	_ =	sdelay $0x2  }
0x229: {  	(xrf2) =	vadd.scan.msk.f32 $0xffff, v5;
	v5, _, _ =	vpop (xrf2)  }
0x22a: {  	s20 =	spop (v2sf);
	(xrf2) =	vadd.scan.msk.f32 $0xffff, v13;
	(v2sf) =	vpush v5, $0xF;
	v5, _, _ =	vpop (xrf0)  }
0x22b: {  	s1 =	sadd.f32 s20, s16;
	(v2sf) =	vpush v5, $0xF  }
0x22c: {  	v7, _, _ =	vpop (xrf2)  }
0x22d: {  	v5 =	vperm.xlane v13, v3;
	v7 =	vadd.f32 s1, v7;
	_ =	sdelay $0x1  }
0x22e: {  	v6 =	vnsel vm0, $0x0, v6;
	(xrf2) =	vadd.scan.msk.f32 $0xffff, v5;
	vm0 =	vge.f32 v7, v0  }
0x22f: {  	(xrf2) =	vadd.scan.msk.f32 $0xffff, v6;
	v6 =	vnsel vm0, $0x80000010, v2;
	_ =	sdelay $0x1  }
0x230: {  	s0 =	sadd.f32 s26, s0  }
0x231: {  	(xrf0) =	vmin.scan.msk.u32 $0xffff, v6;
	v6, _, _ =	vpop (xrf2);
	s22 =	spop (v2sf)  }
0x232: {  	s0 =	sadd.f32 s29, s0;
	(v2sf) =	vpush v6, $0xF;
	v6, _, _ =	vpop (xrf2);
	s23 =	sxor.u32 $0x80000000, s22  }
0x233: {  	s21 =	simm.s32 $0x147A0;
	(v2sf) =	vpush v6, $0xF;
	v6 =	vmov s23  }
0x234: {  	p4 =	por $0x1, $0x1;
	s5 =	simm.s32 $0x0;
	v56 =	vld [tilespmem:s21+$0x0];
	s0 =	sadd.f32 s31, s0;
	vm0 =	veq.s32 v6, v1  }
0x235: {  	s11 =	simm.s32 $0x8000077F;
	p0 =	slt.f32 s7, s6;
	p1 =	sge.f32 s13, s6;
	v8 =	vnsel vm0, $0x0, v8  }
0x236: {  	s9 =	simm.s32 $0x8000075F;
	s10 =	simm.s32 $0x8000076F;
	s0 =	sadd.f32 s8, s0;
	(xrf2) =	vadd.scan.msk.f32 $0xffff, v8  }
0x237: {  	p5 =	slt.f32 s13, s6;
	p0 =	por !p0, !p1;
	v6, _, _ =	vpop (xrf0);
	s24 =	spop (v2sf)  }
0x238: {  	p0 =	por !p0, !p0;
	v57, _, _ =	vpop (xrf2);
	s25 =	spop (v2sf);
	s2 =	sadd.f32 s24, s1  }
0x239: {  	p0 =	por !p4, !p0;
	p2 =	sge.f32 s16, s6;
	v58 =	vnsel vm0, $0x0, v9;
	(v2sf) =	vpush v6, $0xF;
	v6 =	vperm.xlane v56, v3;
	v8, _, _ =	vpop (xrf2);
	s26 =	sxor.u32 $0x80000000, s25  }
0x23a: {  	s28 =	simm.s32 $0x14790;
	s8 =	simm.s32 $0x0;
	p0 =	por !p0, !p0;
	(xrf2) =	vadd.scan.msk.f32 $0xffff, v56;
	(v2sf) =	vpush v8, $0xF;
	v8 =	vmov s26;
	v9 =	vadd.f32 s2, v57  }
0x23b: {  	[dreg:$0x7] =	wrdreg s0;
	s8 =	simm.s32 @p0 $0x1;
	p1 =	por !p5, !p2;
	(xrf2) =	vadd.scan.msk.f32 $0xffff, v6;
	vm0 =	veq.s32 v8, v1  }
0x23c: {  	s12 =	simm.s32 $0x8000078F;
	p6 =	seq.s32 s8, $0x0;
	p1 =	por !p1, !p1;
	(xrf2) =	vadd.scan.msk.f32 $0xffff, v58;
	v8 =	vnsel vm0, $0x0, v11;
	vm1 =	vge.f32 v9, v0  }
0x23d: {  	p3 =	slt.f32 s16, s6;
	p1 =	por !p6, !p1;
	p4 =	sge.f32 s1, s6;
	(xrf2) =	vadd.scan.msk.f32 $0xffff, v8;
	v8 =	vnsel vm1, $0x80000010, v2  }
0x23e: {  	s14 =	simm.s32 $0x800007AF;
	s15 =	simm.s32 $0x800007BF;
	p1 =	por !p1, !p1  }
0x23f: {  	s13 =	simm.s32 $0x8000079F;
	s8 =	simm.s32 @p1 $0x1;
	p4 =	por !p3, !p4  }
0x240: {  	p0 =	por p0, p0;
	p5 =	seq.s32 s8, $0x0;
	p2 =	por !p4, !p4;
	(xrf0) =	vmin.scan.msk.u32 $0xffff, v8;
	v8, _, _ =	vpop (xrf2)  }
0x241: {  	p6 =	por p0, p0;
	s0 =	ssub.s32 $0x800007FF, s17;
	p3 =	por !p5, !p2;
	(v2sf) =	vpush v8, $0xF  }
0x242: {  	v59 =	vld [tilespmem:s28+$0x0];
	p1 =	por p1, p1;
	s5 =	smov.u32 @p0 s0;
	p0 =	por !p3, !p3  }
0x243: {  	p4 =	slt.f32 s1, s6;
	p2 =	por p6, p6;
	s8 =	simm.s32 @p0 $0x1  }
0x244: {  	p0 =	por p0, p0;
	p5 =	sge.f32 s2, s6;
	s16 =	spop (v2sf);
	v60, _, _ =	vpop (xrf2)  }
0x245: {  	p6 =	seq.s32 s8, $0x0;
	s0 =	ssub.s32 $0x800007EF, s22;
	s29 =	spop (v2sf);
	(v2sf) =	vpush v60, $0xF  }
0x246: {  	s5 =	smov.u32 @p1 s0;
	p1 =	por p1, p1;
	p3 =	por !p4, !p5;
	v11, _, _ =	vpop (xrf2)  }
0x247: {  	p1 =	por p1, p1;
	s1 =	ssub.s32 $0x800007DF, s25;
	p3 =	por !p3, !p3;
	(xrf2) =	vadd.scan.msk.f32 $0xffff, v59;
	v61, _, _ =	vpop (xrf0)  }
0x248: {  	s5 =	smov.u32 @p0 s1;
	v14 =	vnsel vm0, $0x0, v10;
	p3 =	por !p6, !p3;
	s0 =	sadd.f32 s29, s2;
	v8 =	vperm.xlane v59, v3;
	v10, _, _ =	vpop (xrf2);
	(v2sf) =	vpush v61, $0xF  }
0x249: {  	s1 =	simm.s32 $0x14780;
	p5 =	slt.f32 s2, s6;
	p4 =	por !p3, !p3;
	(v2sf) =	vpush v10, $0xF  }
0x24a: {  	p3 =	por p2, p2;
	p2 =	por p0, p0;
	p6 =	sge.f32 s0, s6;
	(xrf2) =	vadd.scan.msk.f32 $0xffff, v8  }
0x24b: {  	s8 =	simm.s32 @p4 $0x1;
	p0 =	por p4, p4;
	v11 =	vadd.f32 s0, v11;
	s30 =	spop (v2sf);
	v63, _, _ =	vpop (xrf2)  }
0x24c: {  	s2 =	simm.s32 $0x8000074F;
	p5 =	por !p5, !p6;
	s31 =	sxor.u32 $0x80000000, s30;
	(v2sf) =	vpush v63, $0xF  }
0x24d: {  	s17 =	smov.u32 s0;
	(xrf2) =	vadd.scan.msk.f32 $0xffff, v14;
	vm0 =	vge.f32 v11, v0;
	p6 =	seq.s32 s8, $0x0;
	p4 =	por !p5, !p5;
	v62 =	vmov s31  }
0x24e: {  	s18 =	ssub.s32 $0x800007CF, s30;
	v10 =	vnsel vm0, $0x80000010, v2;
	s19 =	spop (v2sf);
	p4 =	por !p6, !p4;
	vm0 =	veq.s32 v62, v1  }
.LBB2_6:
0x24f: {  	p5 =	seq.s32 s2, $0x8000000F;
	v12 =	vld [tilespmem:s1+$0x0];
	(xrf0) =	vmin.scan.msk.u32 $0xffff, v10;
	p4 =	por !p4, !p4;
	v10 =	vnsel vm0, $0x0, v7;
	v13 =	vnsel vm0, $0x0, v4;
	s3 =	ssub.f32 s16, s19;
	v4 =	vmovc v5;
	v5 =	vmov v6  }
0x250: {  	v6 =	vmovc v8;
	v7 =	vmov v9;
	v9 =	vmov v11;
	s4 =	smov.u32 s15;
	s8 =	simm.s32 @p4 $0x1;
	(xrf2) =	vadd.scan.msk.f32 $0xffff, v10;
	s16 =	spop (v2sf)  }
0x251: {  	s5 =	smov.u32 @p0 s18;
	s15 =	smov.u32 s14;
	v8, _, _ =	vpop (xrf2);
	s3 =	ssub.f32 s6, s3  }
0x252: {  	s14 =	smov.u32 s13;
	s13 =	smov.u32 s12;
	s12 =	smov.u32 s11;
	(v2sf) =	vpush v8, $0xF  }
0x253: {  	s11 =	smov.u32 s10;
	s10 =	smov.u32 s9;
	s7 =	smov.u32 @p3 s3  }
0x254: {  	s9 =	smov.u32 s2;
	p3 =	por p1, p1;
	v8 =	vperm.xlane v12, v3;
	(xrf2) =	vadd.scan.msk.f32 $0xffff, v12;
	v10, _, _ =	vpop (xrf2);
	s3 =	spop (v2sf)  }
0x255: {  	p1 =	por p2, p2;
	p2 =	por p0, p0;
	s0 =	sadd.f32 s3, s0;
	v11, _, _ =	vpop (xrf0)  }
0x256: {  	p0 =	por p4, p4;
	p4 =	slt.f32 s17, s6;
	(v2sf) =	vpush v11, $0xF  }
.Ltmp3:
0x257: {  	(xrf2) =	vadd.scan.msk.f32 $0xffff, v8;
	v11 =	vadd.f32 s0, v10;
	p6 =	sge.f32 s0, s6;
	v10, _, _ =	vpop (xrf2);
	(pc) =	sbr.rel @!p5 .LBB2_6-.Ltmp3, $4  }
0x258: {  	s17 =	smov.u32 s0;
	s3 =	spop (v2sf);
	(v2sf) =	vpush v10, $0xF  }
0x259: {  	vm0 =	vge.f32 v11, v0;
	p4 =	por !p4, !p6;
	s19 =	sxor.u32 $0x80000000, s3;
	s18 =	ssub.s32 s4, s3  }
0x25a: {  	p6 =	seq.s32 s8, $0x0;
	v10 =	vnsel vm0, $0x80000010, v2;
	p4 =	por !p4, !p4;
	v12 =	vmov s19;
	v14, _, _ =	vpop (xrf2);
	(xrf2) =	vadd.scan.msk.f32 $0xffff, v13;
	s19 =	spop (v2sf)  }
0x25b: {  	s2 =	sadd.s32 $0xFFFFFFF0, s2;
	s1 =	sadd.s32 $0xFFFFFFF0, s1;
	p4 =	por !p6, !p4;
	vm0 =	veq.s32 v12, v1;
	(v2sf) =	vpush v14, $0xF  }
0x25c: {  	(xrf0) =	vmin.scan.msk.u32 $0xffff, v10;
	_ =	sdelay $0x4  }
0x25d: {  	v12, _, _ =	vpop (xrf2)  }
0x25e: {  	(v2sf) =	vpush v12, $0xF;
	v23, _, _ =	vpop (xrf0)  }
0x25f: {  	v22 =	vld [tilespmem:s1+$0x0];
	(v2sf) =	vpush v23, $0xF;
	_ =	sdelay $0x1  }
0x260: {  	v7 =	vnsel vm0, $0x0, v7;
	s2 =	spop (v2sf)  }
0x261: {  	(xrf2) =	vadd.scan.msk.f32 $0xffff, v7;
	s31 =	spop (v2sf)  }
0x262: {  	s21 =	sadd.f32 s31, s0  }
0x263: {  	(xrf2) =	vadd.scan.msk.f32 $0xffff, v22;
	v24 =	vperm.xlane v22, v3;
	v25, _, _ =	vpop (xrf2)  }
0x264: {  	v10 =	vadd.f32 s21, v25  }
0x265: {  	(xrf2) =	vadd.scan.msk.f32 $0xffff, v24  }
0x266: {  	vm1 =	vge.f32 v10, v0  }
0x267: {  	s3 =	sadd.s32 $0xFFFFFFF0, s1;
	v26 =	vnsel vm1, $0x80000010, v2  }
0x268: {  	v13 =	vld [tilespmem:s3+$0x0];
	s29 =	spop (v2sf);
	(xrf0) =	vmin.scan.msk.u32 $0xffff, v26  }
0x269: {  	s4 =	sxor.u32 $0x80000000, s29  }
0x26a: {  	v27, _, _ =	vpop (xrf2);
	v28 =	vmov s4;
	s25 =	spop (v2sf)  }
0x26b: {  	v4 =	vnsel vm0, $0x0, v4;
	(v2sf) =	vpush v27, $0xF;
	v14, _, _ =	vpop (xrf2);
	vm5 =	veq.s32 v28, v1;
	s26 =	spop (v2sf)  }
0x26c: {  	(xrf2) =	vadd.scan.msk.f32 $0xffff, v4;
	(v2sf) =	vpush v14, $0xF;
	v30 =	vnsel vm5, $0x0, v9;
	s20 =	spop (v2sf)  }
0x26d: {  	s1 =	sadd.s32 $0xFFFFFFF0, s3;
	v31 =	vperm.xlane v13, v3;
	(xrf2) =	vadd.scan.msk.f32 $0xffff, v30;
	v29, _, _ =	vpop (xrf2);
	s0 =	spop (v2sf)  }
0x26e: {  	v33 =	vld [tilespmem:s1+$0x0];
	(xrf2) =	vadd.scan.msk.f32 $0xffff, v13;
	(v2sf) =	vpush v29, $0xF;
	v32, _, _ =	vpop (xrf0);
	s24 =	sadd.f32 s20, s21;
	s22 =	sxor.u32 $0x80000000, s0  }
0x26f: {  	(xrf2) =	vadd.scan.msk.f32 $0xffff, v31;
	v34, _, _ =	vpop (xrf2);
	(v2sf) =	vpush v32, $0xF;
	v35 =	vmov s22  }
0x270: {  	v5 =	vnsel vm5, $0x0, v5;
	v13 =	vadd.f32 s24, v34;
	vm6 =	veq.s32 v35, v1  }
0x271: {  	(xrf2) =	vadd.scan.msk.f32 $0xffff, v5;
	v36 =	vnsel vm6, $0x0, v11  }
0x272: {  	vm7 =	vge.f32 v13, v0;
	(xrf2) =	vadd.scan.msk.f32 $0xffff, v36  }
0x273: {  	v37 =	vnsel vm7, $0x80000010, v2;
	(xrf2) =	vadd.scan.msk.f32 $0xffff, v33  }
0x274: {  	(xrf0) =	vmin.scan.msk.u32 $0xffff, v37;
	_ =	sdelay $0x1  }
0x275: {  	v38, _, _ =	vpop (xrf2)  }
0x276: {  	v39, _, _ =	vpop (xrf2)  }
0x277: {  	(v2sf) =	vpush v38, $0xF;
	v40, _, _ =	vpop (xrf2)  }
0x278: {  	(v2sf) =	vpush v39, $0xF;
	v41, _, _ =	vpop (xrf2)  }
0x279: {  	s22 =	spop (v2sf);
	(v2sf) =	vpush v40, $0xF;
	v42, _, _ =	vpop (xrf0)  }
0x27a: {  	s30 =	spop (v2sf);
	v43, _, _ =	vpop (xrf2);
	(v2sf) =	vpush v42, $0xF  }
0x27b: {  	(v2sf) =	vpush v43, $0xF;
	v44, _, _ =	vpop (xrf2)  }
0x27c: {  	s1 =	sadd.s32 $0xFFFFFFF0, s1;
	s23 =	spop (v2sf);
	(v2sf) =	vpush v44, $0xF;
	v45, _, _ =	vpop (xrf2)  }
0x27d: {  	v47 =	vld [tilespmem:s1+$0x0];
	s3 =	spop (v2sf);
	(v2sf) =	vpush v45, $0xF  }
0x27e: {  	v46 =	vperm.xlane v33, v3;
	s28 =	sxor.u32 $0x80000000, s3  }
0x27f: {  	v49 =	vmov s28  }
0x280: {  	v48 =	vnsel vm6, $0x0, v6;
	(xrf2) =	vadd.scan.msk.f32 $0xffff, v46;
	vm9 =	veq.s32 v49, v1  }
0x281: {  	(xrf2) =	vadd.scan.msk.f32 $0xffff, v48;
	v51 =	vnsel vm9, $0x0, v10  }
0x282: {  	v3 =	vperm.xlane v47, v3;
	(xrf2) =	vadd.scan.msk.f32 $0xffff, v51  }
0x283: {  	(xrf2) =	vadd.scan.msk.f32 $0xffff, v47  }
0x284: {  	s23 =	sadd.f32 s23, s24;
	(xrf2) =	vadd.scan.msk.f32 $0xffff, v3;
	_ =	sdelay $0x1  }
0x285: {  	v9 =	vadd.f32 s23, v41;
	s1 =	spop (v2sf)  }
0x286: {  	s28 =	spop (v2sf)  }
0x287: {  	vm8 =	vge.f32 v9, v0;
	s31 =	spop (v2sf)  }
0x288: {  	[dreg:$0xc] =	wrdreg s2;
	v50 =	vnsel vm8, $0x80000010, v2;
	s4 =	spop (v2sf)  }
0x289: {  	(xrf0) =	vmin.scan.msk.u32 $0xffff, v50;
	v52, _, _ =	vpop (xrf2);
	s2 =	sadd.f32 s31, s23;
	s20 =	sxor.u32 $0x80000000, s4;
	s31 =	spop (v2sf)  }
0x28a: {  	v55, _, _ =	vpop (xrf2);
	v54 =	vmov s20;
	s20 =	spop (v2sf)  }
0x28b: {  	v8 =	vnsel vm9, $0x0, v8;
	v5 =	vadd.f32 s2, v52;
	v56, _, _ =	vpop (xrf2);
	vm10 =	veq.s32 v54, v1;
	[dreg:$0xb] =	wrdreg s20;
	s20 =	spop (v2sf)  }
0x28c: {  	(xrf2) =	vadd.scan.msk.f32 $0xffff, v8;
	v58, _, _ =	vpop (xrf2);
	v57 =	vnsel vm10, $0x0, v13;
	s20 =	sadd.f32 s20, s2  }
0x28d: {  	vm11 =	vge.f32 v5, v0;
	v59, _, _ =	vpop (xrf2);
	(xrf2) =	vadd.scan.msk.f32 $0xffff, v57  }
0x28e: {  	v60 =	vnsel vm11, $0x80000010, v2;
	v6 =	vadd.f32 s20, v59  }
0x28f: {  	v53, _, _ =	vpop (xrf0);
	(xrf0) =	vmin.scan.msk.u32 $0xffff, v60  }
0x290: {  	(v2sf) =	vpush v53, $0xF;
	vm12 =	vge.f32 v6, v0  }
0x291: {  	v0 =	vnsel vm12, $0x80000010, v2  }
0x292: {  	(xrf0) =	vmin.scan.msk.u32 $0xffff, v0  }
0x293: {  	(v2sf) =	vpush v55, $0xF  }
0x294: {  	(v2sf) =	vpush v56, $0xF  }
0x295: {  	(v2sf) =	vpush v58, $0xF;
	v0, _, _ =	vpop (xrf0)  }
0x296: {  	(v2sf) =	vpush v0, $0xF;
	v0, _, _ =	vpop (xrf2)  }
0x297: {  	s16 =	ssub.f32 s16, s19;
	(v2sf) =	vpush v0, $0xF;
	v0, _, _ =	vpop (xrf2)  }
0x298: {  	(v2sf) =	vpush v0, $0xF;
	v0, _, _ =	vpop (xrf0)  }
0x299: {  	s5 =	smov.u32 @p0 s18;
	p5 =	slt.f32 s17, s6;
	s16 =	ssub.f32 s6, s16;
	(v2sf) =	vpush v0, $0xF  }
0x29a: {  	p4 =	por !p4, !p4;
	p1 =	por p1, p1;
	p6 =	sge.f32 s21, s6  }
0x29b: {  	s8 =	simm.s32 @p4 $0x1;
	s19 =	rddreg [dreg:$0xc];
	s7 =	smov.u32 @p3 s16  }
0x29c: {  	p3 =	por p4, p4;
	s15 =	ssub.s32 s15, s29;
	p6 =	por !p5, !p6  }
0x29d: {  	p5 =	por p2, p2;
	p2 =	slt.f32 s21, s6;
	s18 =	ssub.f32 s19, s25  }
0x29e: {  	s5 =	smov.u32 @p3 s15;
	p4 =	por !p6, !p6;
	p6 =	seq.s32 s8, $0x0;
	v2 =	vnsel vm10, $0x0, v24  }
0x29f: {  	p5 =	por p5, p5;
	s15 =	ssub.f32 s6, s18;
	s16 =	spop (v2sf);
	(xrf2) =	vadd.scan.msk.f32 $0xffff, v2  }
0x2a0: {  	p3 =	por p3, p3;
	p4 =	por !p6, !p4;
	s17 =	sxor.u32 $0x80000000, s16  }
0x2a1: {  	p4 =	por !p4, !p4;
	s7 =	smov.u32 @p1 s15;
	s22 =	ssub.f32 s26, s22;
	v0 =	vmov s17  }
0x2a2: {  	p1 =	por p4, p4;
	p6 =	sge.f32 s24, s6;
	s17 =	spop (v2sf);
	vm13 =	veq.s32 v0, v1  }
0x2a3: {  	s0 =	ssub.s32 s14, s0;
	s15 =	ssub.f32 s6, s22;
	s21 =	spop (v2sf);
	v0 =	vnsel vm13, $0x0, v9  }
0x2a4: {  	s8 =	simm.s32 @p4 $0x1;
	s5 =	smov.u32 @p1 s0;
	s18 =	spop (v2sf);
	(xrf2) =	vadd.scan.msk.f32 $0xffff, v0  }
0x2a5: {  	s7 =	smov.u32 @p5 s15;
	p5 =	por !p2, !p6;
	s14 =	spop (v2sf)  }
0x2a6: {  	p2 =	slt.f32 s24, s6;
	p4 =	por !p5, !p5;
	s19 =	spop (v2sf)  }
0x2a7: {  	p5 =	seq.s32 s8, $0x0;
	s25 =	sxor.u32 $0x80000000, s14;
	s26 =	spop (v2sf)  }
0x2a8: {  	p6 =	por p0, p0;
	p4 =	por !p5, !p4;
	v0 =	vmov s25;
	s0 =	spop (v2sf)  }
0x2a9: {  	p0 =	por p6, p6;
	p5 =	por !p4, !p4;
	v2 =	vnsel vm13, $0x0, v31;
	v61, _, _ =	vpop (xrf2);
	vm14 =	veq.s32 v0, v1;
	s29 =	sxor.u32 $0x80000000, s0  }
0x2aa: {  	p4 =	por p0, p0;
	s8 =	simm.s32 @p5 $0x1;
	p6 =	sge.f32 s23, s6;
	(v2sf) =	vpush v61, $0xF;
	(xrf2) =	vadd.scan.msk.f32 $0xffff, v2;
	v2 =	vnsel vm14, $0x0, v5;
	v0 =	vmov s29  }
0x2ab: {  	p0 =	por p5, p5;
	p5 =	seq.s32 s8, $0x0;
	s1 =	ssub.f32 s30, s1;
	v63 =	vnsel vm14, $0x0, v46;
	(xrf2) =	vadd.scan.msk.f32 $0xffff, v2;
	vm15 =	veq.s32 v0, v1  }
0x2ac: {  	s3 =	ssub.s32 s13, s3;
	s13 =	simm.s32 @!p0 $0x0;
	p2 =	por !p2, !p6;
	(xrf2) =	vadd.scan.msk.f32 $0xffff, v63;
	v0 =	vnsel vm15, $0x0, v6  }
0x2ad: {  	s13 =	simm.s32 @p0 $0x1;
	p2 =	por !p2, !p2;
	s1 =	ssub.f32 s6, s1;
	v1 =	vnsel vm15, $0x0, v3;
	(xrf2) =	vadd.scan.msk.f32 $0xffff, v0  }
0x2ae: {  	s5 =	smov.u32 @p0 s3;
	p6 =	por p3, p3;
	p2 =	por !p5, !p2;
	v62, _, _ =	vpop (xrf2);
	(xrf2) =	vadd.scan.msk.f32 $0xffff, v1  }
0x2af: {  	s7 =	smov.u32 @p4 s1;
	p4 =	slt.f32 s23, s6;
	p0 =	sge.f32 s2, s6  }
0x2b0: {  	[smem:$0x7FD] =	sst s13;
	p5 =	por p6, p6;
	p2 =	por !p2, !p2  }
0x2b1: {  	s8 =	simm.s32 @p2 $0x1;
	p2 =	por p2, p2;
	p4 =	por !p4, !p0  }
0x2b2: {  	p6 =	seq.s32 s8, $0x0;
	s23 =	sld [smem:$0x7FD];
	p4 =	por !p4, !p4  }
0x2b3: {  	p3 =	slt.f32 s2, s6;
	s1 =	ssub.s32 s12, s4;
	p4 =	por !p6, !p4  }
0x2b4: {  	p6 =	por p1, p1;
	s13 =	ssub.f32 s28, s31;
	s5 =	smov.u32 @p2 s1;
	(v2sf) =	vpush v62, $0xF;
	v0, _, _ =	vpop (xrf2)  }
0x2b5: {  	p1 =	por !p4, !p4;
	p4 =	por p6, p6;
	p6 =	seq.s32 s23, $0x1;
	(v2sf) =	vpush v0, $0xF;
	v0, _, _ =	vpop (xrf2)  }
0x2b6: {  	p2 =	por p2, p2;
	s8 =	simm.s32 @p1 $0x1;
	p4 =	por p4, p4;
	(v2sf) =	vpush v0, $0xF;
	v0, _, _ =	vpop (xrf2)  }
0x2b7: {  	p1 =	por p1, p1;
	p2 =	por p2, p2;
	s2 =	ssub.f32 s6, s13;
	(v2sf) =	vpush v0, $0xF;
	v0, _, _ =	vpop (xrf2)  }
0x2b8: {  	p0 =	sge.f32 s20, s6;
	s1 =	ssub.s32 s11, s16;
	s16 =	rddreg [dreg:$0xb];
	(v2sf) =	vpush v0, $0xF;
	v0, _, _ =	vpop (xrf2)  }
0x2b9: {  	s7 =	smov.u32 @p5 s2;
	s2 =	ssub.f32 s16, s17;
	s17 =	spop (v2sf);
	(v2sf) =	vpush v0, $0xF  }
0x2ba: {  	p2 =	por p2, p2;
	p5 =	seq.s32 s8, $0x0;
	p0 =	por !p3, !p0  }
0x2bb: {  	p3 =	por p6, p6;
	p0 =	por !p0, !p0;
	s24 =	sadd.f32 s18, s20  }
0x2bc: {  	p3 =	por p3, p3;
	p0 =	por !p5, !p0;
	p5 =	slt.f32 s20, s6  }
0x2bd: {  	p3 =	por p3, p3;
	s2 =	ssub.f32 s6, s2;
	p6 =	sge.f32 s24, s6  }
0x2be: {  	p0 =	por !p0, !p0;
	s5 =	smov.u32 @p1 s1;
	p1 =	por p1, p1  }
0x2bf: {  	s8 =	simm.s32 @p0 $0x1;
	s7 =	smov.u32 @p4 s2;
	p4 =	por !p5, !p6  }
0x2c0: {  	p0 =	por p0, p0;
	p6 =	seq.s32 s8, $0x0;
	p4 =	por !p4, !p4  }
0x2c1: {  	p1 =	por p1, p1;
	p4 =	por !p6, !p4;
	s25 =	ssub.f32 s21, s19  }
0x2c2: {  	p1 =	por p1, p1;
	p5 =	por p0, p0;
	p4 =	por !p4, !p4  }
0x2c3: {  	s2 =	ssub.s32 s10, s14;
	s1 =	ssub.f32 s6, s25;
	s22 =	spop (v2sf)  }
0x2c4: {  	s5 =	smov.u32 @p0 s2;
	s3 =	ssub.f32 s26, s17;
	s26 =	spop (v2sf)  }
0x2c5: {  	p0 =	por p4, p4;
	s2 =	ssub.f32 s22, s26;
	s28 =	spop (v2sf)  }
0x2c6: {  	s7 =	smov.u32 @p3 s1;
	s1 =	ssub.f32 s6, s3;
	s29 =	spop (v2sf)  }
0x2c7: {  	s0 =	ssub.s32 s9, s0;
	s2 =	ssub.f32 s6, s2;
	s30 =	spop (v2sf)  }
0x2c8: {  	s7 =	smov.u32 @p2 s1;
	s1 =	ssub.f32 s28, s29;
	s31 =	spop (v2sf)  }
0x2c9: {  	p3 =	por p0, p0;
	s5 =	smov.u32 @p0 s0;
	s3 =	ssub.f32 s30, s31  }
0x2ca: {  	p6 =	por p3, p3;
	p2 =	por p5, p5;
	s1 =	ssub.f32 s6, s1  }
0x2cb: {  	s7 =	smov.u32 @p1 s2;
	p1 =	por p2, p2;
	s2 =	ssub.f32 s6, s3  }
0x2cc: {  	s0 =	simm.s32 $0x14800;
	s7 =	smov.u32 @p1 s1;
	p1 =	por p6, p6  }
0x2cd: {  	v1 =	vmov s5;
	v0 =	vimm.f32 $1.000000000e+00;
	s1 =	simm.s32 $0x40;
	s7 =	smov.u32 @p1 s2;
	s2 =	simm.s32 $0x0  }
.LBB2_8:
0x2ce: {  	p0 =	seq.s32 s1, $0xFFC0;
	v2 =	vld [tilespmem:s2+$0xC000];
	_ =	sdelay $0x4  }
0x2cf: {  	v3 =	vshrl.u32 v2, $0x14  }
0x2d0: {  	v2 =	vshrl.u32 v2, $0xA;
	vm0 =	veq.s32 v3, v1  }
0x2d1: {  	v2 =	vand.u32 $0x3FF, v2  }
.Ltmp4:
0x2d2: {  	(pc) =	sbr.rel @!p0 .LBB2_8-.Ltmp4, $2  }
0x2d3: {  	_ =	sdelay $0x2  }
0x2d4: {  	s2 =	sshra.s32 s1, $0x2;
	s1 =	sadd.s32 $0x40, s1;
	[tilespmem:v2+s0+$0x0] =	vst.idx.add.f32.msk vm0, v0  }
0x2d5: {  	v2 =	vld [tilespmem:s2+$0xC000];
	_ =	sdelay $0x4  }
0x2d6: {  	v3 =	vshrl.u32 v2, $0x14  }
0x2d7: {  	vm0 =	veq.s32 v3, v1;
	v1 =	vshrl.u32 v2, $0xA  }
0x2d8: {  	v1 =	vand.u32 $0x3FF, v1;
	_ =	sdelay $0x4  }
0x2d9: {  	s13 =	simm.s32 $0x14BF0;
	[tilespmem:v1+s0+$0x0] =	vst.idx.add.f32.msk vm0, v0  }
0x2da: {  	v4 =	vld [tilespmem:s13+$0x0]  }
0x2db: {  	v0 =	vlaneseq.u32  }
0x2dc: {  	v2 =	vmul.u32 $0xFFFFFFFF, v0;
	_ =	sdelay $0x1  }
0x2dd: {  	v3 =	vadd.s32 $0xF, v2  }
0x2de: {  	v6 =	vperm.xlane v4, v3  }
0x2df: {  	(xrf2) =	vadd.scan.msk.f32 $0xffff, v4  }
0x2e0: {  	s14 =	simm.s32 $0x14BE0;
	(xrf2) =	vadd.scan.msk.f32 $0xffff, v6  }
0x2e1: {  	v4 =	vld [tilespmem:s14+$0x0];
	_ =	sdelay $0x4  }
0x2e2: {  	(xrf2) =	vadd.scan.msk.f32 $0xffff, v4;
	_ =	sdelay $0x2  }
0x2e3: {  	v5, _, _ =	vpop (xrf2)  }
0x2e4: {  	s6 =	simm.f32 $0.0e+00;
	(v2sf) =	vpush v5, $0xF;
	v5, _, _ =	vpop (xrf2)  }
0x2e5: {  	v5 =	vadd.f32 s6, v5  }
0x2e6: {  	v1 =	vmov s7  }
0x2e7: {  	s15 =	simm.s32 $0x14BD0;
	v2 =	vor.u32 $0x80000000, v0;
	vm0 =	vge.f32 v5, v1  }
0x2e8: {  	v7 =	vld [tilespmem:s15+$0x0];
	v8 =	vnsel vm0, $0x80000010, v2  }
0x2e9: {  	v9 =	vperm.xlane v4, v3;
	(xrf0) =	vmin.scan.msk.u32 $0xffff, v8  }
0x2ea: {  	v4, _, _ =	vpop (xrf2)  }
0x2eb: {  	(xrf2) =	vadd.scan.msk.f32 $0xffff, v9;
	(v2sf) =	vpush v4, $0xF;
	_ =	sdelay $0x1  }
0x2ec: {  	(xrf2) =	vadd.scan.msk.f32 $0xffff, v7;
	_ =	sdelay $0x1  }
0x2ed: {  	v4, _, _ =	vpop (xrf0)  }
0x2ee: {  	v10 =	vperm.xlane v7, v3;
	(v2sf) =	vpush v4, $0xF;
	_ =	sdelay $0x1  }
0x2ef: {  	(xrf2) =	vadd.scan.msk.f32 $0xffff, v10  }
0x2f0: {  	s16 =	spop (v2sf)  }
0x2f1: {  	s17 =	sadd.f32 s16, s6  }
0x2f2: {  	v4, _, _ =	vpop (xrf2)  }
0x2f3: {  	s18 =	simm.s32 $0x14BC0;
	v8 =	vadd.f32 s17, v4  }
0x2f4: {  	v7, _, _ =	vpop (xrf2);
	v4 =	vld [tilespmem:s18+$0x0]  }
0x2f5: {  	(v2sf) =	vpush v7, $0xF;
	vm0 =	vge.f32 v8, v1  }
0x2f6: {  	v7 =	vnsel vm0, $0x80000010, v2  }
0x2f7: {  	s19 =	spop (v2sf);
	(xrf0) =	vmin.scan.msk.u32 $0xffff, v7  }
0x2f8: {  	s3 =	sadd.f32 s19, s17  }
0x2f9: {  	(xrf2) =	vadd.scan.msk.f32 $0xffff, v4;
	v7, _, _ =	vpop (xrf2)  }
0x2fa: {  	v4 =	vperm.xlane v4, v3;
	v11 =	vadd.f32 s3, v7;
	_ =	sdelay $0x1  }
0x2fb: {  	(xrf2) =	vadd.scan.msk.f32 $0xffff, v4;
	vm0 =	vge.f32 v11, v1;
	s20 =	spop (v2sf)  }
0x2fc: {  	v7 =	vnsel vm0, $0x80000010, v2;
	v12, _, _ =	vpop (xrf0);
	s4 =	sxor.u32 $0x80000000, s20  }
0x2fd: {  	s1 =	simm.s32 $0x14BB0;
	(xrf0) =	vmin.scan.msk.u32 $0xffff, v7;
	(v2sf) =	vpush v12, $0xF;
	v7 =	vmov s4  }
0x2fe: {  	v13 =	vld [tilespmem:s1+$0x0];
	vm0 =	veq.s32 v7, v0  }
0x2ff: {  	v5 =	vnsel vm0, $0x0, v5;
	_ =	sdelay $0x2  }
0x300: {  	(xrf2) =	vadd.scan.msk.f32 $0xffff, v5;
	v5, _, _ =	vpop (xrf2)  }
0x301: {  	s21 =	spop (v2sf);
	(xrf2) =	vadd.scan.msk.f32 $0xffff, v13;
	(v2sf) =	vpush v5, $0xF;
	v5, _, _ =	vpop (xrf0)  }
0x302: {  	s1 =	sadd.f32 s21, s3;
	(v2sf) =	vpush v5, $0xF  }
0x303: {  	v7, _, _ =	vpop (xrf2)  }
0x304: {  	v5 =	vperm.xlane v13, v3;
	v7 =	vadd.f32 s1, v7;
	_ =	sdelay $0x1  }
0x305: {  	v6 =	vnsel vm0, $0x0, v6;
	(xrf2) =	vadd.scan.msk.f32 $0xffff, v5;
	vm0 =	vge.f32 v7, v1  }
0x306: {  	(xrf2) =	vadd.scan.msk.f32 $0xffff, v6;
	v6 =	vnsel vm0, $0x80000010, v2;
	_ =	sdelay $0x2  }
0x307: {  	(xrf0) =	vmin.scan.msk.u32 $0xffff, v6;
	v6, _, _ =	vpop (xrf2);
	s23 =	spop (v2sf)  }
0x308: {  	(v2sf) =	vpush v6, $0xF;
	v6, _, _ =	vpop (xrf2);
	s24 =	sxor.u32 $0x80000000, s23  }
0x309: {  	s22 =	simm.s32 $0x14BA0;
	(v2sf) =	vpush v6, $0xF;
	v6 =	vmov s24  }
0x30a: {  	v56 =	vld [tilespmem:s22+$0x0];
	vm0 =	veq.s32 v6, v0  }
0x30b: {  	s8 =	simm.s32 $0x0;
	p0 =	slt.f32 s6, s7;
	p1 =	sge.f32 s17, s7;
	v8 =	vnsel vm0, $0x0, v8  }
0x30c: {  	p4 =	por $0x1, $0x1;
	s9 =	simm.s32 $0x0;
	s12 =	simm.s32 $0x8000038F;
	(xrf2) =	vadd.scan.msk.f32 $0xffff, v8  }
0x30d: {  	p5 =	slt.f32 s17, s7;
	p0 =	por !p0, !p1;
	v6, _, _ =	vpop (xrf0);
	s25 =	spop (v2sf)  }
0x30e: {  	p0 =	por !p0, !p0;
	v57, _, _ =	vpop (xrf2);
	s26 =	spop (v2sf);
	s2 =	sadd.f32 s25, s1  }
0x30f: {  	p0 =	por !p4, !p0;
	p2 =	sge.f32 s3, s7;
	v58 =	vnsel vm0, $0x0, v9;
	(v2sf) =	vpush v6, $0xF;
	v6 =	vperm.xlane v56, v3;
	v8, _, _ =	vpop (xrf2);
	s11 =	sxor.u32 $0x80000000, s26  }
0x310: {  	s10 =	simm.s32 $0x8000037F;
	s28 =	simm.s32 $0x14B90;
	p0 =	por !p0, !p0;
	(xrf2) =	vadd.scan.msk.f32 $0xffff, v56;
	(v2sf) =	vpush v8, $0xF;
	v8 =	vmov s11;
	v9 =	vadd.f32 s2, v57  }
0x311: {  	s15 =	simm.s32 $0x800003AF;
	s9 =	simm.s32 @p0 $0x1;
	p1 =	por !p5, !p2;
	(xrf2) =	vadd.scan.msk.f32 $0xffff, v6;
	vm0 =	veq.s32 v8, v0  }
0x312: {  	s13 =	simm.s32 $0x8000035F;
	p6 =	seq.s32 s9, $0x0;
	p1 =	por !p1, !p1;
	(xrf2) =	vadd.scan.msk.f32 $0xffff, v58;
	v8 =	vnsel vm0, $0x0, v11;
	vm1 =	vge.f32 v9, v1  }
0x313: {  	p3 =	slt.f32 s3, s7;
	p1 =	por !p6, !p1;
	p4 =	sge.f32 s1, s7;
	(xrf2) =	vadd.scan.msk.f32 $0xffff, v8;
	v8 =	vnsel vm1, $0x80000010, v2  }
0x314: {  	s14 =	simm.s32 $0x8000039F;
	s16 =	simm.s32 $0x800003BF;
	p1 =	por !p1, !p1  }
0x315: {  	p0 =	por p0, p0;
	s9 =	simm.s32 @p1 $0x1;
	p4 =	por !p3, !p4  }
0x316: {  	p6 =	por p0, p0;
	p5 =	seq.s32 s9, $0x0;
	p2 =	por !p4, !p4;
	(xrf0) =	vmin.scan.msk.u32 $0xffff, v8;
	v8, _, _ =	vpop (xrf2)  }
0x317: {  	s0 =	ssub.s32 $0x800003FF, s20;
	p1 =	por p1, p1;
	p3 =	por !p5, !p2;
	(v2sf) =	vpush v8, $0xF  }
0x318: {  	v59 =	vld [tilespmem:s28+$0x0];
	s8 =	smov.u32 @p0 s0;
	p4 =	slt.f32 s1, s7;
	p0 =	por !p3, !p3  }
0x319: {  	p2 =	por p6, p6;
	s9 =	simm.s32 @p0 $0x1;
	p0 =	por p0, p0  }
0x31a: {  	s0 =	ssub.s32 $0x800003EF, s23;
	p5 =	sge.f32 s2, s7;
	s17 =	spop (v2sf);
	v60, _, _ =	vpop (xrf2)  }
0x31b: {  	p6 =	seq.s32 s9, $0x0;
	s8 =	smov.u32 @p1 s0;
	s29 =	spop (v2sf);
	(v2sf) =	vpush v60, $0xF  }
0x31c: {  	p1 =	por p1, p1;
	s1 =	ssub.s32 $0x800003DF, s26;
	p3 =	por !p4, !p5;
	v11, _, _ =	vpop (xrf2)  }
0x31d: {  	s11 =	simm.s32 $0x8000036F;
	s8 =	smov.u32 @p0 s1;
	p3 =	por !p3, !p3;
	(xrf2) =	vadd.scan.msk.f32 $0xffff, v59;
	v61, _, _ =	vpop (xrf0)  }
0x31e: {  	s1 =	simm.s32 $0x14B80;
	v14 =	vnsel vm0, $0x0, v10;
	p3 =	por !p6, !p3;
	s0 =	sadd.f32 s29, s2;
	v8 =	vperm.xlane v59, v3;
	v10, _, _ =	vpop (xrf2);
	(v2sf) =	vpush v61, $0xF  }
0x31f: {  	p5 =	slt.f32 s2, s7;
	p4 =	por !p3, !p3;
	p3 =	por p2, p2;
	(v2sf) =	vpush v10, $0xF  }
0x320: {  	p2 =	por p1, p1;
	p1 =	por p0, p0;
	p6 =	sge.f32 s0, s7;
	(xrf2) =	vadd.scan.msk.f32 $0xffff, v8  }
0x321: {  	s9 =	simm.s32 @p4 $0x1;
	p0 =	por p4, p4;
	v11 =	vadd.f32 s0, v11;
	s30 =	spop (v2sf);
	v63, _, _ =	vpop (xrf2)  }
0x322: {  	s2 =	simm.s32 $0x8000034F;
	p5 =	por !p5, !p6;
	s31 =	sxor.u32 $0x80000000, s30;
	(v2sf) =	vpush v63, $0xF  }
0x323: {  	s18 =	smov.u32 s0;
	(xrf2) =	vadd.scan.msk.f32 $0xffff, v14;
	vm0 =	vge.f32 v11, v1;
	p6 =	seq.s32 s9, $0x0;
	p4 =	por !p5, !p5;
	v62 =	vmov s31  }
0x324: {  	s19 =	ssub.s32 $0x800003CF, s30;
	v10 =	vnsel vm0, $0x80000010, v2;
	s20 =	spop (v2sf);
	p4 =	por !p6, !p4;
	vm0 =	veq.s32 v62, v0  }
.LBB2_10:
0x325: {  	p5 =	sne.s32 s2, $0x8000000F;
	v12 =	vld [tilespmem:s1+$0x0];
	(xrf0) =	vmin.scan.msk.u32 $0xffff, v10;
	p4 =	por !p4, !p4;
	v10 =	vnsel vm0, $0x0, v7;
	v13 =	vnsel vm0, $0x0, v4;
	s3 =	ssub.f32 s17, s20;
	v4 =	vmovc v5;
	v5 =	vmov v6  }
0x326: {  	v6 =	vmovc v8;
	v7 =	vmov v9;
	v9 =	vmov v11;
	s4 =	smov.u32 s16;
	s9 =	simm.s32 @p4 $0x1;
	(xrf2) =	vadd.scan.msk.f32 $0xffff, v10;
	s17 =	spop (v2sf)  }
0x327: {  	s8 =	smov.u32 @p0 s19;
	s16 =	smov.u32 s15;
	v8, _, _ =	vpop (xrf2);
	s3 =	ssub.f32 s7, s3  }
0x328: {  	s15 =	smov.u32 s14;
	s14 =	smov.u32 s12;
	s12 =	smov.u32 s10;
	(v2sf) =	vpush v8, $0xF  }
0x329: {  	s10 =	smov.u32 s11;
	s11 =	smov.u32 s13;
	s6 =	smov.u32 @p3 s3  }
0x32a: {  	s13 =	smov.u32 s2;
	p3 =	por p2, p2;
	v8 =	vperm.xlane v12, v3;
	(xrf2) =	vadd.scan.msk.f32 $0xffff, v12;
	v10, _, _ =	vpop (xrf2);
	s3 =	spop (v2sf)  }
0x32b: {  	p2 =	por p1, p1;
	p1 =	por p0, p0;
	s0 =	sadd.f32 s3, s0;
	v11, _, _ =	vpop (xrf0)  }
0x32c: {  	p0 =	por p4, p4;
	p4 =	slt.f32 s18, s7;
	(v2sf) =	vpush v11, $0xF  }
.Ltmp5:
0x32d: {  	(xrf2) =	vadd.scan.msk.f32 $0xffff, v8;
	v11 =	vadd.f32 s0, v10;
	p6 =	sge.f32 s0, s7;
	v10, _, _ =	vpop (xrf2);
	(pc) =	sbr.rel @p5 .LBB2_10-.Ltmp5, $4  }
0x32e: {  	s18 =	smov.u32 s0;
	s3 =	spop (v2sf);
	(v2sf) =	vpush v10, $0xF  }
0x32f: {  	vm0 =	vge.f32 v11, v1;
	p4 =	por !p4, !p6;
	s20 =	sxor.u32 $0x80000000, s3;
	s19 =	ssub.s32 s4, s3  }
0x330: {  	p6 =	seq.s32 s9, $0x0;
	v10 =	vnsel vm0, $0x80000010, v2;
	p4 =	por !p4, !p4;
	v12 =	vmov s20;
	v14, _, _ =	vpop (xrf2);
	(xrf2) =	vadd.scan.msk.f32 $0xffff, v13;
	s20 =	spop (v2sf)  }
0x331: {  	s2 =	sadd.s32 $0xFFFFFFF0, s2;
	s1 =	sadd.s32 $0xFFFFFFF0, s1;
	p4 =	por !p6, !p4;
	vm0 =	veq.s32 v12, v0;
	(v2sf) =	vpush v14, $0xF  }
0x332: {  	(xrf0) =	vmin.scan.msk.u32 $0xffff, v10;
	_ =	sdelay $0x4  }
0x333: {  	v12, _, _ =	vpop (xrf2)  }
0x334: {  	(v2sf) =	vpush v12, $0xF;
	v26, _, _ =	vpop (xrf0)  }
0x335: {  	v25 =	vld [tilespmem:s1+$0x0];
	(v2sf) =	vpush v26, $0xF;
	_ =	sdelay $0x1  }
0x336: {  	v7 =	vnsel vm0, $0x0, v7;
	s2 =	spop (v2sf)  }
0x337: {  	(xrf2) =	vadd.scan.msk.f32 $0xffff, v7;
	s21 =	spop (v2sf)  }
0x338: {  	s21 =	sadd.f32 s21, s0  }
0x339: {  	(xrf2) =	vadd.scan.msk.f32 $0xffff, v25;
	v27 =	vperm.xlane v25, v3;
	v28, _, _ =	vpop (xrf2)  }
0x33a: {  	v10 =	vadd.f32 s21, v28  }
0x33b: {  	(xrf2) =	vadd.scan.msk.f32 $0xffff, v27  }
0x33c: {  	vm1 =	vge.f32 v10, v1  }
0x33d: {  	s22 =	sadd.s32 $0xFFFFFFF0, s1;
	v29 =	vnsel vm1, $0x80000010, v2  }
0x33e: {  	v13 =	vld [tilespmem:s22+$0x0];
	s29 =	spop (v2sf);
	(xrf0) =	vmin.scan.msk.u32 $0xffff, v29  }
0x33f: {  	s23 =	sxor.u32 $0x80000000, s29  }
0x340: {  	v30, _, _ =	vpop (xrf2);
	v31 =	vmov s23;
	s4 =	spop (v2sf)  }
0x341: {  	v4 =	vnsel vm0, $0x0, v4;
	(v2sf) =	vpush v30, $0xF;
	v14, _, _ =	vpop (xrf2);
	vm5 =	veq.s32 v31, v0;
	s24 =	spop (v2sf)  }
0x342: {  	(xrf2) =	vadd.scan.msk.f32 $0xffff, v4;
	(v2sf) =	vpush v14, $0xF;
	v33 =	vnsel vm5, $0x0, v9;
	s25 =	spop (v2sf)  }
0x343: {  	v34 =	vperm.xlane v13, v3;
	s0 =	sadd.s32 $0xFFFFFFF0, s22;
	(xrf2) =	vadd.scan.msk.f32 $0xffff, v33;
	[dreg:$0xe] =	wrdreg s24;
	v32, _, _ =	vpop (xrf2);
	s28 =	spop (v2sf)  }
0x344: {  	v36 =	vld [tilespmem:s0+$0x0];
	(xrf2) =	vadd.scan.msk.f32 $0xffff, v13;
	(v2sf) =	vpush v32, $0xF;
	v35, _, _ =	vpop (xrf0);
	s24 =	sadd.f32 s25, s21;
	s26 =	sxor.u32 $0x80000000, s28  }
0x345: {  	(xrf2) =	vadd.scan.msk.f32 $0xffff, v34;
	v37, _, _ =	vpop (xrf2);
	(v2sf) =	vpush v35, $0xF;
	v38 =	vmov s26  }
0x346: {  	v5 =	vnsel vm5, $0x0, v5;
	v13 =	vadd.f32 s24, v37;
	vm6 =	veq.s32 v38, v0  }
0x347: {  	(xrf2) =	vadd.scan.msk.f32 $0xffff, v5;
	v39 =	vnsel vm6, $0x0, v11  }
0x348: {  	vm7 =	vge.f32 v13, v1;
	(xrf2) =	vadd.scan.msk.f32 $0xffff, v39  }
0x349: {  	v40 =	vnsel vm7, $0x80000010, v2;
	(xrf2) =	vadd.scan.msk.f32 $0xffff, v36  }
0x34a: {  	(xrf0) =	vmin.scan.msk.u32 $0xffff, v40;
	_ =	sdelay $0x1  }
0x34b: {  	v41, _, _ =	vpop (xrf2)  }
0x34c: {  	v42, _, _ =	vpop (xrf2)  }
0x34d: {  	(v2sf) =	vpush v41, $0xF;
	v43, _, _ =	vpop (xrf2)  }
0x34e: {  	(v2sf) =	vpush v42, $0xF;
	v44, _, _ =	vpop (xrf2)  }
0x34f: {  	[dreg:$0xd] =	wrdreg s2;
	s2 =	spop (v2sf);
	(v2sf) =	vpush v43, $0xF;
	v45, _, _ =	vpop (xrf0)  }
0x350: {  	s26 =	spop (v2sf);
	v46, _, _ =	vpop (xrf2);
	(v2sf) =	vpush v45, $0xF  }
0x351: {  	(v2sf) =	vpush v46, $0xF;
	v47, _, _ =	vpop (xrf2)  }
0x352: {  	s31 =	sadd.s32 $0xFFFFFFF0, s0;
	s30 =	spop (v2sf);
	(v2sf) =	vpush v47, $0xF;
	v48, _, _ =	vpop (xrf2)  }
0x353: {  	v50 =	vld [tilespmem:s31+$0x0];
	v49 =	vperm.xlane v36, v3;
	s0 =	spop (v2sf);
	(v2sf) =	vpush v48, $0xF  }
0x354: {  	s3 =	sxor.u32 $0x80000000, s0  }
0x355: {  	v6 =	vnsel vm6, $0x0, v6;
	(xrf2) =	vadd.scan.msk.f32 $0xffff, v49;
	s23 =	sadd.f32 s30, s24;
	v51 =	vmov s3  }
0x356: {  	(xrf2) =	vadd.scan.msk.f32 $0xffff, v6;
	vm9 =	veq.s32 v51, v0  }
0x357: {  	v9 =	vadd.f32 s23, v44;
	v53 =	vnsel vm9, $0x0, v10  }
0x358: {  	v3 =	vperm.xlane v50, v3;
	(xrf2) =	vadd.scan.msk.f32 $0xffff, v53  }
0x359: {  	vm8 =	vge.f32 v9, v1;
	(xrf2) =	vadd.scan.msk.f32 $0xffff, v50  }
0x35a: {  	v52 =	vnsel vm8, $0x80000010, v2;
	(xrf2) =	vadd.scan.msk.f32 $0xffff, v3  }
0x35b: {  	(xrf0) =	vmin.scan.msk.u32 $0xffff, v52  }
0x35c: {  	s1 =	spop (v2sf)  }
0x35d: {  	s31 =	spop (v2sf)  }
0x35e: {  	s3 =	spop (v2sf)  }
0x35f: {  	v54, _, _ =	vpop (xrf2);
	s30 =	spop (v2sf)  }
0x360: {  	v57, _, _ =	vpop (xrf2);
	s25 =	sadd.f32 s3, s23;
	s22 =	sxor.u32 $0x80000000, s30;
	s3 =	spop (v2sf)  }
0x361: {  	v8 =	vnsel vm9, $0x0, v8;
	v55, _, _ =	vpop (xrf0);
	v56 =	vmov s22;
	s22 =	spop (v2sf)  }
0x362: {  	v6 =	vadd.f32 s25, v54;
	(v2sf) =	vpush v55, $0xF;
	v58, _, _ =	vpop (xrf2);
	vm10 =	veq.s32 v56, v0;
	[dreg:$0xf] =	wrdreg s22;
	s22 =	spop (v2sf)  }
0x363: {  	(xrf2) =	vadd.scan.msk.f32 $0xffff, v8;
	v60, _, _ =	vpop (xrf2);
	v59 =	vnsel vm10, $0x0, v13;
	s22 =	sadd.f32 s22, s25  }
0x364: {  	vm11 =	vge.f32 v6, v1;
	v61, _, _ =	vpop (xrf2);
	(xrf2) =	vadd.scan.msk.f32 $0xffff, v59  }
0x365: {  	v62 =	vnsel vm11, $0x80000010, v2;
	v8 =	vadd.f32 s22, v61  }
0x366: {  	(xrf0) =	vmin.scan.msk.u32 $0xffff, v62  }
0x367: {  	vm12 =	vge.f32 v8, v1  }
0x368: {  	v1 =	vnsel vm12, $0x80000010, v2  }
0x369: {  	(xrf0) =	vmin.scan.msk.u32 $0xffff, v1  }
0x36a: {  	(v2sf) =	vpush v57, $0xF  }
0x36b: {  	(v2sf) =	vpush v58, $0xF  }
0x36c: {  	(v2sf) =	vpush v60, $0xF;
	v1, _, _ =	vpop (xrf0)  }
0x36d: {  	s17 =	ssub.f32 s17, s20;
	(v2sf) =	vpush v1, $0xF;
	v1, _, _ =	vpop (xrf2)  }
0x36e: {  	(v2sf) =	vpush v1, $0xF;
	v1, _, _ =	vpop (xrf2)  }
0x36f: {  	s8 =	smov.u32 @p0 s19;
	p4 =	por !p4, !p4;
	s20 =	ssub.f32 s7, s17;
	(v2sf) =	vpush v1, $0xF;
	v1, _, _ =	vpop (xrf0)  }
0x370: {  	p5 =	slt.f32 s18, s7;
	p2 =	por p2, p2;
	s9 =	simm.s32 @p4 $0x1;
	(v2sf) =	vpush v1, $0xF  }
0x371: {  	s6 =	smov.u32 @p3 s20;
	p6 =	sge.f32 s21, s7;
	s17 =	spop (v2sf)  }
0x372: {  	s20 =	rddreg [dreg:$0xd];
	p3 =	por p4, p4;
	s19 =	sxor.u32 $0x80000000, s17  }
0x373: {  	s16 =	ssub.s32 s16, s29;
	p5 =	por !p5, !p6;
	p6 =	seq.s32 s9, $0x0;
	v1 =	vmov s19  }
0x374: {  	s8 =	smov.u32 @p3 s16;
	p4 =	por !p5, !p5;
	s4 =	ssub.f32 s20, s4;
	v2 =	vnsel vm10, $0x0, v27;
	vm13 =	veq.s32 v1, v0  }
0x375: {  	p5 =	por p1, p1;
	p3 =	por p3, p3;
	p4 =	por !p6, !p4;
	(xrf2) =	vadd.scan.msk.f32 $0xffff, v2;
	v1 =	vnsel vm13, $0x0, v9  }
0x376: {  	p5 =	por p5, p5;
	p4 =	por !p4, !p4;
	s4 =	ssub.f32 s7, s4;
	(xrf2) =	vadd.scan.msk.f32 $0xffff, v1  }
0x377: {  	p1 =	por p4, p4;
	s9 =	simm.s32 @p4 $0x1;
	s16 =	rddreg [dreg:$0xe]  }
0x378: {  	s6 =	smov.u32 @p2 s4;
	p2 =	slt.f32 s21, s7;
	p6 =	sge.f32 s24, s7  }
0x379: {  	s15 =	ssub.s32 s15, s28;
	s2 =	ssub.f32 s16, s2;
	s20 =	spop (v2sf)  }
0x37a: {  	p6 =	por !p2, !p6;
	p2 =	slt.f32 s24, s7;
	s19 =	spop (v2sf)  }
0x37b: {  	s8 =	smov.u32 @p1 s15;
	s2 =	ssub.f32 s7, s2;
	s18 =	spop (v2sf)  }
0x37c: {  	p4 =	por !p6, !p6;
	p6 =	por p0, p0;
	s16 =	spop (v2sf)  }
0x37d: {  	p0 =	por p6, p6;
	s6 =	smov.u32 @p5 s2;
	s15 =	spop (v2sf)  }
0x37e: {  	p5 =	seq.s32 s9, $0x0;
	s21 =	sxor.u32 $0x80000000, s16;
	s24 =	spop (v2sf)  }
0x37f: {  	p4 =	por !p5, !p4;
	p6 =	sge.f32 s23, s7;
	v1, _, _ =	vpop (xrf2);
	v2 =	vmov s21;
	s28 =	spop (v2sf)  }
0x380: {  	p5 =	por p0, p0;
	p4 =	por !p4, !p4;
	v4 =	vnsel vm13, $0x0, v34;
	(v2sf) =	vpush v1, $0xF;
	v1, _, _ =	vpop (xrf2);
	vm14 =	veq.s32 v2, v0;
	s29 =	sxor.u32 $0x80000000, s28  }
0x381: {  	s9 =	simm.s32 @p4 $0x1;
	s1 =	ssub.f32 s26, s1;
	p2 =	por !p2, !p6;
	(xrf2) =	vadd.scan.msk.f32 $0xffff, v4;
	(v2sf) =	vpush v1, $0xF;
	v1 =	vnsel vm14, $0x0, v6;
	v2 =	vmov s29  }
0x382: {  	p0 =	por p4, p4;
	p4 =	seq.s32 s9, $0x0;
	p2 =	por !p2, !p2;
	v63 =	vnsel vm14, $0x0, v49;
	(xrf2) =	vadd.scan.msk.f32 $0xffff, v1;
	vm15 =	veq.s32 v2, v0  }
0x383: {  	s0 =	ssub.s32 s14, s0;
	s1 =	ssub.f32 s7, s1;
	p2 =	por !p4, !p2;
	(xrf2) =	vadd.scan.msk.f32 $0xffff, v63;
	v0 =	vnsel vm15, $0x0, v8  }
0x384: {  	s8 =	smov.u32 @p0 s0;
	p6 =	por p3, p3;
	p3 =	por !p2, !p2;
	v1 =	vnsel vm15, $0x0, v3;
	(xrf2) =	vadd.scan.msk.f32 $0xffff, v0  }
0x385: {  	s6 =	smov.u32 @p5 s1;
	p5 =	slt.f32 s23, s7;
	p4 =	sge.f32 s25, s7;
	(xrf2) =	vadd.scan.msk.f32 $0xffff, v1  }
0x386: {  	p0 =	por p0, p0;
	s9 =	simm.s32 @p3 $0x1;
	s3 =	ssub.f32 s31, s3  }
0x387: {  	p3 =	por p3, p3;
	p5 =	por !p5, !p4;
	p4 =	por p6, p6  }
0x388: {  	p6 =	seq.s32 s9, $0x0;
	p5 =	por !p5, !p5;
	s0 =	ssub.f32 s7, s3  }
0x389: {  	p2 =	slt.f32 s25, s7;
	p5 =	por !p6, !p5;
	p6 =	por p1, p1  }
0x38a: {  	p1 =	por !p5, !p5;
	p5 =	por p6, p6;
	s6 =	smov.u32 @p4 s0  }
0x38b: {  	p4 =	por p5, p5;
	p5 =	por p0, p0;
	p0 =	por p3, p3;
	v0, _, _ =	vpop (xrf2)  }
0x38c: {  	s1 =	ssub.s32 s12, s30;
	s30 =	sshll.u32 s5, $0xA;
	s4 =	simm.s32 @!p0 $0x0;
	(v2sf) =	vpush v0, $0xF;
	v0, _, _ =	vpop (xrf2)  }
0x38d: {  	s12 =	rddreg [dreg:$0xf];
	s4 =	simm.s32 @p0 $0x1;
	p6 =	sge.f32 s22, s7;
	(v2sf) =	vpush v0, $0xF;
	v0, _, _ =	vpop (xrf2)  }
0x38e: {  	s8 =	smov.u32 @p3 s1;
	s9 =	simm.s32 @p1 $0x1;
	[smem:$0x7FC] =	sst s4;
	(v2sf) =	vpush v0, $0xF;
	v0, _, _ =	vpop (xrf2)  }
0x38f: {  	p2 =	por !p2, !p6;
	p6 =	seq.s32 s9, $0x0;
	s14 =	spop (v2sf);
	(v2sf) =	vpush v0, $0xF;
	v0, _, _ =	vpop (xrf2)  }
0x390: {  	p2 =	por !p2, !p2;
	s0 =	ssub.f32 s12, s20;
	s20 =	spop (v2sf);
	(v2sf) =	vpush v0, $0xF  }
0x391: {  	p3 =	por p1, p1;
	s23 =	sld [smem:$0x7FC];
	p2 =	por !p6, !p2  }
0x392: {  	p6 =	slt.f32 s22, s7;
	s3 =	ssub.s32 s10, s17;
	s21 =	sadd.f32 s18, s22  }
0x393: {  	p2 =	por !p2, !p2;
	s8 =	smov.u32 @p3 s3;
	s0 =	ssub.f32 s7, s0  }
0x394: {  	p3 =	por p3, p3;
	s9 =	simm.s32 @p2 $0x1;
	p0 =	sge.f32 s21, s7  }
0x395: {  	p2 =	por p2, p2;
	p3 =	por p3, p3;
	s6 =	smov.u32 @p4 s0  }
0x396: {  	p4 =	por p5, p5;
	s22 =	ssub.f32 s19, s15;
	p0 =	por !p6, !p0  }
0x397: {  	p5 =	seq.s32 s23, $0x1;
	p6 =	seq.s32 s9, $0x0;
	p0 =	por !p0, !p0  }
0x398: {  	s4 =	ssub.s32 s11, s16;
	s3 =	ssub.f32 s7, s22;
	p0 =	por !p6, !p0  }
0x399: {  	s8 =	smov.u32 @p2 s4;
	s2 =	ssub.s32 s13, s28;
	p0 =	por !p0, !p0  }
0x39a: {  	s6 =	smov.u32 @p4 s3;
	p6 =	por p2, p2;
	p1 =	por p0, p0  }
0x39b: {  	p0 =	por p5, p5;
	s1 =	ssub.f32 s24, s14;
	s24 =	spop (v2sf)  }
0x39c: {  	s8 =	smov.u32 @p1 s2;
	s0 =	ssub.f32 s20, s24;
	s25 =	spop (v2sf)  }
0x39d: {  	p0 =	por p0, p0;
	s1 =	ssub.f32 s7, s1;
	s26 =	spop (v2sf)  }
0x39e: {  	p1 =	por p1, p1;
	s0 =	ssub.f32 s7, s0;
	s28 =	spop (v2sf)  }
0x39f: {  	s6 =	smov.u32 @p0 s1;
	s1 =	ssub.f32 s25, s26;
	s29 =	spop (v2sf)  }
0x3a0: {  	p2 =	por p3, p3;
	p1 =	por p1, p1;
	s2 =	ssub.f32 s28, s29  }
0x3a1: {  	p0 =	por p6, p6;
	s6 =	smov.u32 @p2 s0;
	s0 =	ssub.f32 s7, s1  }
0x3a2: {  	s31 =	sor.u32 s30, s8;
	p0 =	por p0, p0;
	s1 =	ssub.f32 s7, s2  }
0x3a3: {  	s6 =	smov.u32 @p0 s0;
	p0 =	por p1, p1;
	s0 =	simm.s32 $0x14C80  }
0x3a4: {  	v1 =	vmov s31;
	v0 =	vimm.f32 $1.000000000e+00;
	s2 =	simm.s32 $0x0;
	s6 =	smov.u32 @p0 s1;
	s1 =	simm.s32 $0x40  }
.LBB2_12:
0x3a5: {  	p0 =	seq.s32 s1, $0xFFC0;
	v2 =	vld [tilespmem:s2+$0xC000];
	_ =	sdelay $0x4  }
0x3a6: {  	v3 =	vshrl.u32 v2, $0xA  }
0x3a7: {  	vm0 =	veq.s32 v3, v1  }
0x3a8: {  	v2 =	vand.u32 $0x3FF, v2  }
.Ltmp6:
0x3a9: {  	(pc) =	sbr.rel @!p0 .LBB2_12-.Ltmp6, $2  }
0x3aa: {  	_ =	sdelay $0x2  }
0x3ab: {  	s2 =	sshra.s32 s1, $0x2;
	s1 =	sadd.s32 $0x40, s1;
	[tilespmem:v2+s0+$0x0] =	vst.idx.add.f32.msk vm0, v0  }
0x3ac: {  	v2 =	vld [tilespmem:s2+$0xC000];
	_ =	sdelay $0x4  }
0x3ad: {  	v3 =	vshrl.u32 v2, $0xA  }
0x3ae: {  	vm0 =	veq.s32 v3, v1  }
0x3af: {  	v1 =	vand.u32 $0x3FF, v2;
	_ =	sdelay $0x4  }
0x3b0: {  	s12 =	simm.s32 $0x15070;
	[tilespmem:v1+s0+$0x0] =	vst.idx.add.f32.msk vm0, v0  }
0x3b1: {  	v4 =	vld [tilespmem:s12+$0x0]  }
0x3b2: {  	v0 =	vlaneseq.u32  }
0x3b3: {  	v2 =	vmul.u32 $0xFFFFFFFF, v0;
	_ =	sdelay $0x1  }
0x3b4: {  	v3 =	vadd.s32 $0xF, v2  }
0x3b5: {  	v6 =	vperm.xlane v4, v3  }
0x3b6: {  	(xrf2) =	vadd.scan.msk.f32 $0xffff, v4  }
0x3b7: {  	s13 =	simm.s32 $0x15060;
	(xrf2) =	vadd.scan.msk.f32 $0xffff, v6  }
0x3b8: {  	v4 =	vld [tilespmem:s13+$0x0];
	_ =	sdelay $0x4  }
0x3b9: {  	(xrf2) =	vadd.scan.msk.f32 $0xffff, v4;
	_ =	sdelay $0x2  }
0x3ba: {  	v5, _, _ =	vpop (xrf2)  }
0x3bb: {  	s7 =	simm.f32 $0.0e+00;
	(v2sf) =	vpush v5, $0xF;
	v5, _, _ =	vpop (xrf2)  }
0x3bc: {  	v5 =	vadd.f32 s7, v5  }
0x3bd: {  	v1 =	vmov s6  }
0x3be: {  	s14 =	simm.s32 $0x15050;
	v2 =	vor.u32 $0x80000000, v0;
	vm0 =	vge.f32 v5, v1  }
0x3bf: {  	v7 =	vld [tilespmem:s14+$0x0];
	v8 =	vnsel vm0, $0x80000010, v2  }
0x3c0: {  	v9 =	vperm.xlane v4, v3;
	(xrf0) =	vmin.scan.msk.u32 $0xffff, v8  }
0x3c1: {  	v4, _, _ =	vpop (xrf2)  }
0x3c2: {  	(xrf2) =	vadd.scan.msk.f32 $0xffff, v9;
	(v2sf) =	vpush v4, $0xF;
	_ =	sdelay $0x1  }
0x3c3: {  	(xrf2) =	vadd.scan.msk.f32 $0xffff, v7;
	_ =	sdelay $0x1  }
0x3c4: {  	v4, _, _ =	vpop (xrf0)  }
0x3c5: {  	v10 =	vperm.xlane v7, v3;
	(v2sf) =	vpush v4, $0xF;
	_ =	sdelay $0x1  }
0x3c6: {  	(xrf2) =	vadd.scan.msk.f32 $0xffff, v10  }
0x3c7: {  	s15 =	spop (v2sf)  }
0x3c8: {  	s16 =	sadd.f32 s15, s7  }
0x3c9: {  	v4, _, _ =	vpop (xrf2)  }
0x3ca: {  	s17 =	simm.s32 $0x15040;
	v8 =	vadd.f32 s16, v4  }
0x3cb: {  	v7, _, _ =	vpop (xrf2);
	v4 =	vld [tilespmem:s17+$0x0]  }
0x3cc: {  	(v2sf) =	vpush v7, $0xF;
	vm0 =	vge.f32 v8, v1  }
0x3cd: {  	v7 =	vnsel vm0, $0x80000010, v2  }
0x3ce: {  	s18 =	spop (v2sf);
	(xrf0) =	vmin.scan.msk.u32 $0xffff, v7  }
0x3cf: {  	s3 =	sadd.f32 s18, s16  }
0x3d0: {  	(xrf2) =	vadd.scan.msk.f32 $0xffff, v4;
	v7, _, _ =	vpop (xrf2)  }
0x3d1: {  	v4 =	vperm.xlane v4, v3;
	v11 =	vadd.f32 s3, v7;
	_ =	sdelay $0x1  }
0x3d2: {  	(xrf2) =	vadd.scan.msk.f32 $0xffff, v4;
	vm0 =	vge.f32 v11, v1;
	s19 =	spop (v2sf)  }
0x3d3: {  	v7 =	vnsel vm0, $0x80000010, v2;
	v12, _, _ =	vpop (xrf0);
	s4 =	sxor.u32 $0x80000000, s19  }
0x3d4: {  	s1 =	simm.s32 $0x15030;
	(xrf0) =	vmin.scan.msk.u32 $0xffff, v7;
	(v2sf) =	vpush v12, $0xF;
	v7 =	vmov s4  }
0x3d5: {  	v13 =	vld [tilespmem:s1+$0x0];
	vm0 =	veq.s32 v7, v0  }
0x3d6: {  	v5 =	vnsel vm0, $0x0, v5;
	_ =	sdelay $0x2  }
0x3d7: {  	(xrf2) =	vadd.scan.msk.f32 $0xffff, v5;
	v5, _, _ =	vpop (xrf2)  }
0x3d8: {  	s20 =	spop (v2sf);
	(xrf2) =	vadd.scan.msk.f32 $0xffff, v13;
	(v2sf) =	vpush v5, $0xF;
	v5, _, _ =	vpop (xrf0)  }
0x3d9: {  	s1 =	sadd.f32 s20, s3;
	(v2sf) =	vpush v5, $0xF  }
0x3da: {  	v7, _, _ =	vpop (xrf2)  }
0x3db: {  	v5 =	vperm.xlane v13, v3;
	v7 =	vadd.f32 s1, v7;
	_ =	sdelay $0x1  }
0x3dc: {  	v6 =	vnsel vm0, $0x0, v6;
	(xrf2) =	vadd.scan.msk.f32 $0xffff, v5;
	vm0 =	vge.f32 v7, v1  }
0x3dd: {  	(xrf2) =	vadd.scan.msk.f32 $0xffff, v6;
	v6 =	vnsel vm0, $0x80000010, v2;
	_ =	sdelay $0x2  }
0x3de: {  	(xrf0) =	vmin.scan.msk.u32 $0xffff, v6;
	v6, _, _ =	vpop (xrf2);
	s22 =	spop (v2sf)  }
0x3df: {  	(v2sf) =	vpush v6, $0xF;
	v6, _, _ =	vpop (xrf2);
	s23 =	sxor.u32 $0x80000000, s22  }
0x3e0: {  	s21 =	simm.s32 $0x15020;
	(v2sf) =	vpush v6, $0xF;
	v6 =	vmov s23  }
0x3e1: {  	v56 =	vld [tilespmem:s21+$0x0];
	vm0 =	veq.s32 v6, v0  }
0x3e2: {  	s10 =	simm.s32 $0x0;
	p0 =	slt.f32 s7, s6;
	p1 =	sge.f32 s16, s6;
	v8 =	vnsel vm0, $0x0, v8  }
0x3e3: {  	p4 =	por $0x1, $0x1;
	s9 =	simm.s32 $0x0;
	s26 =	simm.s32 $0x15010;
	(xrf2) =	vadd.scan.msk.f32 $0xffff, v8  }
0x3e4: {  	p5 =	slt.f32 s16, s6;
	p0 =	por !p0, !p1;
	v6, _, _ =	vpop (xrf0);
	s24 =	spop (v2sf)  }
0x3e5: {  	p0 =	por !p0, !p0;
	v57, _, _ =	vpop (xrf2);
	s25 =	spop (v2sf);
	s2 =	sadd.f32 s24, s1  }
0x3e6: {  	p0 =	por !p4, !p0;
	p2 =	sge.f32 s3, s6;
	v58 =	vnsel vm0, $0x0, v9;
	(v2sf) =	vpush v6, $0xF;
	v6 =	vperm.xlane v56, v3;
	v8, _, _ =	vpop (xrf2);
	s11 =	sxor.u32 $0x80000000, s25  }
0x3e7: {  	s14 =	simm.s32 $0x800003AF;
	s12 =	simm.s32 $0x8000039F;
	p0 =	por !p0, !p0;
	(xrf2) =	vadd.scan.msk.f32 $0xffff, v56;
	(v2sf) =	vpush v8, $0xF;
	v8 =	vmov s11;
	v9 =	vadd.f32 s2, v57  }
0x3e8: {  	s13 =	simm.s32 $0x8000038F;
	s9 =	simm.s32 @p0 $0x1;
	p1 =	por !p5, !p2;
	(xrf2) =	vadd.scan.msk.f32 $0xffff, v6;
	vm0 =	veq.s32 v8, v0  }
0x3e9: {  	s15 =	simm.s32 $0x8000036F;
	p6 =	seq.s32 s9, $0x0;
	p1 =	por !p1, !p1;
	(xrf2) =	vadd.scan.msk.f32 $0xffff, v58;
	v8 =	vnsel vm0, $0x0, v11;
	vm1 =	vge.f32 v9, v1  }
0x3ea: {  	p3 =	slt.f32 s3, s6;
	p1 =	por !p6, !p1;
	p4 =	sge.f32 s1, s6;
	(xrf2) =	vadd.scan.msk.f32 $0xffff, v8;
	v8 =	vnsel vm1, $0x80000010, v2  }
0x3eb: {  	s17 =	simm.s32 $0x800003BF;
	s16 =	simm.s32 $0x8000037F;
	p1 =	por !p1, !p1  }
0x3ec: {  	s18 =	simm.s32 $0x8000035F;
	s9 =	simm.s32 @p1 $0x1;
	p4 =	por !p3, !p4  }
0x3ed: {  	p0 =	por p0, p0;
	p5 =	seq.s32 s9, $0x0;
	p2 =	por !p4, !p4;
	(xrf0) =	vmin.scan.msk.u32 $0xffff, v8;
	v8, _, _ =	vpop (xrf2)  }
0x3ee: {  	p6 =	por p0, p0;
	s0 =	ssub.s32 $0x800003FF, s19;
	p3 =	por !p5, !p2;
	(v2sf) =	vpush v8, $0xF  }
0x3ef: {  	v59 =	vld [tilespmem:s26+$0x0];
	p1 =	por p1, p1;
	s10 =	smov.u32 @p0 s0;
	p0 =	por !p3, !p3  }
0x3f0: {  	p4 =	slt.f32 s1, s6;
	p2 =	por p6, p6;
	s9 =	simm.s32 @p0 $0x1  }
0x3f1: {  	p0 =	por p0, p0;
	p5 =	sge.f32 s2, s6;
	s11 =	spop (v2sf);
	v60, _, _ =	vpop (xrf2)  }
0x3f2: {  	p6 =	seq.s32 s9, $0x0;
	s0 =	ssub.s32 $0x800003EF, s22;
	s28 =	spop (v2sf);
	(v2sf) =	vpush v60, $0xF  }
0x3f3: {  	s10 =	smov.u32 @p1 s0;
	s1 =	ssub.s32 $0x800003DF, s25;
	p3 =	por !p4, !p5;
	v11, _, _ =	vpop (xrf2)  }
0x3f4: {  	p1 =	por p1, p1;
	s10 =	smov.u32 @p0 s1;
	p3 =	por !p3, !p3;
	(xrf2) =	vadd.scan.msk.f32 $0xffff, v59;
	v61, _, _ =	vpop (xrf0)  }
0x3f5: {  	p0 =	por p0, p0;
	v14 =	vnsel vm0, $0x0, v10;
	p3 =	por !p6, !p3;
	s0 =	sadd.f32 s28, s2;
	v8 =	vperm.xlane v59, v3;
	v10, _, _ =	vpop (xrf2);
	(v2sf) =	vpush v61, $0xF  }
0x3f6: {  	s1 =	simm.s32 $0x15000;
	p5 =	slt.f32 s2, s6;
	p4 =	por !p3, !p3;
	(v2sf) =	vpush v10, $0xF  }
0x3f7: {  	p3 =	por p2, p2;
	p2 =	por p1, p1;
	p6 =	sge.f32 s0, s6;
	(xrf2) =	vadd.scan.msk.f32 $0xffff, v8  }
0x3f8: {  	s9 =	simm.s32 @p4 $0x1;
	p1 =	por p4, p4;
	v11 =	vadd.f32 s0, v11;
	s30 =	spop (v2sf);
	v63, _, _ =	vpop (xrf2)  }
0x3f9: {  	s2 =	simm.s32 $0x8000034F;
	p5 =	por !p5, !p6;
	s31 =	sxor.u32 $0x80000000, s30;
	(v2sf) =	vpush v63, $0xF  }
0x3fa: {  	s29 =	smov.u32 s0;
	(xrf2) =	vadd.scan.msk.f32 $0xffff, v14;
	vm0 =	vge.f32 v11, v1;
	p6 =	seq.s32 s9, $0x0;
	p4 =	por !p5, !p5;
	v62 =	vmov s31  }
0x3fb: {  	s26 =	ssub.s32 $0x800003CF, s30;
	v10 =	vnsel vm0, $0x80000010, v2;
	s19 =	spop (v2sf);
	p4 =	por !p6, !p4;
	vm0 =	veq.s32 v62, v0  }
.LBB2_14:
0x3fc: {  	p5 =	sne.s32 s2, $0x8000000F;
	v12 =	vld [tilespmem:s1+$0x0];
	(xrf0) =	vmin.scan.msk.u32 $0xffff, v10;
	p4 =	por !p4, !p4;
	v10 =	vnsel vm0, $0x0, v7;
	v13 =	vnsel vm0, $0x0, v4;
	s3 =	ssub.f32 s11, s19;
	v4 =	vmovc v5;
	v5 =	vmov v6  }
0x3fd: {  	v6 =	vmovc v8;
	v7 =	vmov v9;
	v9 =	vmov v11;
	s4 =	smov.u32 s17;
	s9 =	simm.s32 @p4 $0x1;
	(xrf2) =	vadd.scan.msk.f32 $0xffff, v10;
	s11 =	spop (v2sf)  }
0x3fe: {  	s10 =	smov.u32 @p1 s26;
	s17 =	smov.u32 s14;
	v8, _, _ =	vpop (xrf2);
	s3 =	ssub.f32 s6, s3  }
0x3ff: {  	s14 =	smov.u32 s12;
	s12 =	smov.u32 s13;
	s13 =	smov.u32 s16;
	(v2sf) =	vpush v8, $0xF  }
0x400: {  	s16 =	smov.u32 s15;
	s15 =	smov.u32 s18;
	s7 =	smov.u32 @p3 s3  }
0x401: {  	s18 =	smov.u32 s2;
	p3 =	por p2, p2;
	v8 =	vperm.xlane v12, v3;
	(xrf2) =	vadd.scan.msk.f32 $0xffff, v12;
	v10, _, _ =	vpop (xrf2);
	s3 =	spop (v2sf)  }
0x402: {  	p2 =	por p0, p0;
	p0 =	por p1, p1;
	s0 =	sadd.f32 s3, s0;
	v11, _, _ =	vpop (xrf0)  }
0x403: {  	p1 =	por p4, p4;
	p4 =	slt.f32 s29, s6;
	(v2sf) =	vpush v11, $0xF  }
.Ltmp7:
0x404: {  	(xrf2) =	vadd.scan.msk.f32 $0xffff, v8;
	v11 =	vadd.f32 s0, v10;
	p6 =	sge.f32 s0, s6;
	v10, _, _ =	vpop (xrf2);
	(pc) =	sbr.rel @p5 .LBB2_14-.Ltmp7, $4  }
0x405: {  	s29 =	smov.u32 s0;
	s3 =	spop (v2sf);
	(v2sf) =	vpush v10, $0xF  }
0x406: {  	vm0 =	vge.f32 v11, v1;
	p4 =	por !p4, !p6;
	s19 =	sxor.u32 $0x80000000, s3;
	s26 =	ssub.s32 s4, s3  }
0x407: {  	p6 =	seq.s32 s9, $0x0;
	v10 =	vnsel vm0, $0x80000010, v2;
	p4 =	por !p4, !p4;
	v12 =	vmov s19;
	v14, _, _ =	vpop (xrf2);
	(xrf2) =	vadd.scan.msk.f32 $0xffff, v13;
	s19 =	spop (v2sf)  }
0x408: {  	s2 =	sadd.s32 $0xFFFFFFF0, s2;
	s1 =	sadd.s32 $0xFFFFFFF0, s1;
	p4 =	por !p6, !p4;
	vm0 =	veq.s32 v12, v0;
	(v2sf) =	vpush v14, $0xF  }
0x409: {  	(xrf0) =	vmin.scan.msk.u32 $0xffff, v10;
	_ =	sdelay $0x2  }
0x40a: {  	v12 =	vld [tilespmem:s1+$0x0];
	v33, _, _ =	vpop (xrf2)  }
0x40b: {  	(v2sf) =	vpush v33, $0xF;
	_ =	sdelay $0x1  }
0x40c: {  	v34, _, _ =	vpop (xrf0)  }
0x40d: {  	v7 =	vnsel vm0, $0x0, v7;
	s2 =	spop (v2sf);
	(v2sf) =	vpush v34, $0xF  }
0x40e: {  	(xrf2) =	vadd.scan.msk.f32 $0xffff, v7;
	v7 =	vperm.xlane v12, v3;
	s4 =	spop (v2sf)  }
0x40f: {  	(xrf2) =	vadd.scan.msk.f32 $0xffff, v12;
	s4 =	sadd.f32 s4, s0  }
0x410: {  	v35, _, _ =	vpop (xrf2);
	(xrf2) =	vadd.scan.msk.f32 $0xffff, v7  }
0x411: {  	v10 =	vadd.f32 s4, v35;
	_ =	sdelay $0x1  }
0x412: {  	vm1 =	vge.f32 v10, v1  }
0x413: {  	v36 =	vnsel vm1, $0x80000010, v2  }
0x414: {  	s20 =	sadd.s32 $0xFFFFFFF0, s1;
	s21 =	spop (v2sf);
	(xrf0) =	vmin.scan.msk.u32 $0xffff, v36  }
0x415: {  	v37 =	vld [tilespmem:s20+$0x0];
	s22 =	sxor.u32 $0x80000000, s21  }
0x416: {  	v13, _, _ =	vpop (xrf2);
	s23 =	spop (v2sf);
	v14 =	vmov s22  }
0x417: {  	v4 =	vnsel vm0, $0x0, v4;
	v38, _, _ =	vpop (xrf2);
	vm5 =	veq.s32 v14, v0;
	s24 =	spop (v2sf)  }
0x418: {  	(xrf2) =	vadd.scan.msk.f32 $0xffff, v4;
	(v2sf) =	vpush v13, $0xF;
	v4 =	vnsel vm5, $0x0, v9;
	v39, _, _ =	vpop (xrf2);
	s25 =	spop (v2sf)  }
0x419: {  	(v2sf) =	vpush v38, $0xF;
	(xrf2) =	vadd.scan.msk.f32 $0xffff, v4;
	v40, _, _ =	vpop (xrf2);
	s3 =	sadd.f32 s25, s4  }
0x41a: {  	(xrf2) =	vadd.scan.msk.f32 $0xffff, v37;
	(v2sf) =	vpush v39, $0xF;
	v41, _, _ =	vpop (xrf0)  }
0x41b: {  	s0 =	sadd.s32 $0xFFFFFFF0, s20;
	v4 =	vperm.xlane v37, v3;
	(v2sf) =	vpush v41, $0xF;
	v42 =	vadd.f32 s3, v40;
	s22 =	spop (v2sf)  }
0x41c: {  	v43 =	vld [tilespmem:s0+$0x0];
	s28 =	sxor.u32 $0x80000000, s22  }
0x41d: {  	v5 =	vnsel vm5, $0x0, v5;
	(xrf2) =	vadd.scan.msk.f32 $0xffff, v4;
	vm6 =	vge.f32 v42, v1;
	v44 =	vmov s28  }
0x41e: {  	(xrf2) =	vadd.scan.msk.f32 $0xffff, v5;
	v45 =	vnsel vm6, $0x80000010, v2;
	vm7 =	veq.s32 v44, v0  }
0x41f: {  	(xrf0) =	vmin.scan.msk.u32 $0xffff, v45;
	v5 =	vnsel vm7, $0x0, v11  }
0x420: {  	(xrf2) =	vadd.scan.msk.f32 $0xffff, v5  }
0x421: {  	(xrf2) =	vadd.scan.msk.f32 $0xffff, v43  }
0x422: {  	v5, _, _ =	vpop (xrf2)  }
0x423: {  	(v2sf) =	vpush v5, $0xF;
	v5, _, _ =	vpop (xrf2)  }
0x424: {  	(v2sf) =	vpush v5, $0xF;
	v5, _, _ =	vpop (xrf2)  }
0x425: {  	(v2sf) =	vpush v5, $0xF;
	_ =	sdelay $0x1  }
0x426: {  	[dreg:$0x9] =	wrdreg s24;
	s24 =	spop (v2sf);
	v5, _, _ =	vpop (xrf0)  }
0x427: {  	[dreg:$0xa] =	wrdreg s23;
	s23 =	spop (v2sf);
	v46, _, _ =	vpop (xrf2)  }
0x428: {  	s30 =	spop (v2sf);
	(v2sf) =	vpush v5, $0xF;
	v5, _, _ =	vpop (xrf2)  }
0x429: {  	s0 =	sadd.s32 $0xFFFFFFF0, s0;
	(v2sf) =	vpush v5, $0xF;
	v5 =	vperm.xlane v43, v3;
	s20 =	spop (v2sf);
	v47, _, _ =	vpop (xrf2)  }
0x42a: {  	v49 =	vld [tilespmem:s0+$0x0];
	s1 =	sadd.f32 s30, s3;
	s31 =	sxor.u32 $0x80000000, s20;
	(v2sf) =	vpush v47, $0xF;
	v48, _, _ =	vpop (xrf2)  }
0x42b: {  	v50 =	vmov s31;
	(xrf2) =	vadd.scan.msk.f32 $0xffff, v5;
	(v2sf) =	vpush v48, $0xF  }
0x42c: {  	v6 =	vnsel vm7, $0x0, v6;
	v11 =	vadd.f32 s1, v46;
	vm8 =	veq.s32 v50, v0  }
0x42d: {  	(xrf2) =	vadd.scan.msk.f32 $0xffff, v6;
	v6 =	vnsel vm8, $0x0, v10  }
0x42e: {  	vm9 =	vge.f32 v11, v1;
	(xrf2) =	vadd.scan.msk.f32 $0xffff, v6  }
0x42f: {  	v6 =	vnsel vm9, $0x80000010, v2;
	(xrf2) =	vadd.scan.msk.f32 $0xffff, v49  }
0x430: {  	(xrf0) =	vmin.scan.msk.u32 $0xffff, v6  }
0x431: {  	s31 =	spop (v2sf)  }
0x432: {  	s28 =	spop (v2sf)  }
0x433: {  	[dreg:$0x8] =	wrdreg s2;
	s2 =	spop (v2sf)  }
0x434: {  	s0 =	sadd.f32 s2, s1  }
0x435: {  	p5 =	slt.f32 s29, s6;
	p4 =	por !p4, !p4;
	p6 =	sge.f32 s4, s6;
	v6, _, _ =	vpop (xrf2)  }
0x436: {  	s9 =	simm.s32 @p4 $0x1;
	v3 =	vperm.xlane v49, v3;
	v8 =	vnsel vm8, $0x0, v8;
	v51, _, _ =	vpop (xrf0);
	v6 =	vadd.f32 s0, v6  }
0x437: {  	p5 =	por !p5, !p6;
	p6 =	seq.s32 s9, $0x0;
	v53, _, _ =	vpop (xrf2);
	s2 =	spop (v2sf);
	(v2sf) =	vpush v51, $0xF  }
0x438: {  	p5 =	por !p5, !p5;
	(xrf2) =	vadd.scan.msk.f32 $0xffff, v3;
	s25 =	sxor.u32 $0x80000000, s2;
	s30 =	spop (v2sf);
	(v2sf) =	vpush v53, $0xF;
	v54, _, _ =	vpop (xrf2);
	vm10 =	vge.f32 v6, v1  }
0x439: {  	p5 =	por !p6, !p5;
	(xrf2) =	vadd.scan.msk.f32 $0xffff, v8;
	v52 =	vmov s25;
	v8, _, _ =	vpop (xrf2);
	s25 =	spop (v2sf);
	v55 =	vnsel vm10, $0x80000010, v2;
	(v2sf) =	vpush v54, $0xF  }
0x43a: {  	s29 =	spop (v2sf);
	(xrf0) =	vmin.scan.msk.u32 $0xffff, v55;
	(v2sf) =	vpush v8, $0xF;
	[smem:$0x7EA] =	sst s1;
	s1 =	simm.s32 @!p4 $0x0  }
0x43b: {  	p6 =	sge.f32 s3, s6;
	s1 =	simm.s32 @p4 $0x1;
	p4 =	slt.f32 s4, s6  }
0x43c: {  	_ = 	snop  }
0x43d: {  	p4 =	por !p4, !p6;
	p6 =	slt.f32 s3, s6;
	_ =	sdelay $0x1  }
0x43e: {  	[smem:$0x7EB] =	sst s1;
	s3 =	simm.s32 @!p6 $0x0  }
0x43f: {  	s1 =	sld [smem:$0x7EA];
	s3 =	simm.s32 @p6 $0x1  }
0x440: {  	[smem:$0x7EC] =	sst s3  }
0x441: {  	p5 =	por !p5, !p5;
	s3 =	ssub.s32 s17, s21;
	s21 =	sld [smem:$0x7EB]  }
0x442: {  	s9 =	simm.s32 @p5 $0x1;
	s4 =	simm.s32 @!p5 $0x0  }
0x443: {  	s4 =	simm.s32 @p5 $0x1;
	p5 =	seq.s32 s9, $0x0;
	p4 =	por !p4, !p4  }
0x444: {  	[smem:$0x7EF] =	sst s4;
	p5 =	por !p5, !p4;
	p4 =	seq.s32 s21, $0x1  }
0x445: {  	s10 =	smov.u32 @p1 s26;
	s26 =	sld [smem:$0x7EC];
	p4 =	por p4, p4  }
0x446: {  	p6 =	sge.f32 s1, s6;
	p5 =	por !p5, !p5;
	s4 =	simm.s32 @!p4 $0x0  }
0x447: {  	s9 =	simm.s32 @p5 $0x1;
	s10 =	smov.u32 @p4 s3;
	s4 =	simm.s32 @p4 $0x1  }
0x448: {  	p4 =	seq.s32 s26, $0x1;
	[smem:$0x7F7] =	sst s4;
	s4 =	simm.s32 @!p5 $0x0  }
0x449: {  	p4 =	por !p4, !p6;
	s4 =	simm.s32 @p5 $0x1;
	p5 =	slt.f32 s1, s6  }
0x44a: {  	s29 =	sadd.f32 s29, s0;
	p6 =	seq.s32 s9, $0x0;
	p4 =	por !p4, !p4  }
0x44b: {  	p4 =	por !p6, !p4;
	p6 =	slt.f32 s0, s6;
	s1 =	simm.s32 @!p5 $0x0  }
0x44c: {  	[smem:$0x7F2] =	sst s4;
	s1 =	simm.s32 @p5 $0x1  }
0x44d: {  	p5 =	sge.f32 s0, s6;
	s0 =	simm.s32 @!p6 $0x0;
	[smem:$0x7ED] =	sst s1  }
0x44e: {  	s0 =	simm.s32 @p6 $0x1;
	s3 =	sld [smem:$0x7ED]  }
0x44f: {  	s1 =	spop (v2sf);
	p6 =	por !p4, !p4;
	[smem:$0x7EE] =	sst s0  }
0x450: {  	v8, _, _ =	vpop (xrf2);
	s0 =	simm.s32 @!p6 $0x0;
	s26 =	spop (v2sf);
	s9 =	simm.s32 @p6 $0x1  }
0x451: {  	vm11 =	veq.s32 v52, v0;
	v8 =	vadd.f32 s29, v8;
	s0 =	simm.s32 @p6 $0x1;
	s17 =	spop (v2sf);
	p4 =	seq.s32 s3, $0x1  }
0x452: {  	v56 =	vnsel vm11, $0x0, v42;
	p6 =	seq.s32 s9, $0x0;
	s21 =	sld [smem:$0x7EE];
	p4 =	por !p4, !p5  }
0x453: {  	(xrf2) =	vadd.scan.msk.f32 $0xffff, v56;
	vm12 =	vge.f32 v8, v1;
	[smem:$0x7F3] =	sst s0;
	s4 =	spop (v2sf);
	p4 =	por !p4, !p4  }
0x454: {  	v1 =	vnsel vm12, $0x80000010, v2;
	v2, _, _ =	vpop (xrf0);
	s0 =	sadd.f32 s4, s29;
	p4 =	por !p6, !p4;
	p6 =	slt.f32 s29, s6  }
0x455: {  	(v2sf) =	vpush v2, $0xF;
	s3 =	ssub.s32 s14, s22;
	s22 =	sld [smem:$0x7EF]  }
0x456: {  	s2 =	ssub.s32 s13, s2;
	s14 =	sld [smem:$0x7F2];
	s4 =	simm.s32 @!p6 $0x0  }
0x457: {  	p4 =	por !p4, !p4;
	s4 =	simm.s32 @p6 $0x1;
	p6 =	sge.f32 s0, s6  }
0x458: {  	(xrf0) =	vmin.scan.msk.u32 $0xffff, v1;
	p5 =	sge.f32 s29, s6;
	[smem:$0x7F0] =	sst s4;
	s4 =	simm.s32 @!p4 $0x0  }
0x459: {  	s9 =	simm.s32 @p4 $0x1;
	s4 =	simm.s32 @p4 $0x1;
	s0 =	simm.s32 @!p6 $0x0  }
0x45a: {  	s29 =	sld [smem:$0x7F0];
	s0 =	simm.s32 @p6 $0x1;
	p6 =	seq.s32 s21, $0x1  }
0x45b: {  	[smem:$0x7F5] =	sst s4;
	p5 =	por !p6, !p5;
	p6 =	seq.s32 s22, $0x1  }
0x45c: {  	v1, _, _ =	vpop (xrf2);
	[smem:$0x7F1] =	sst s0;
	p4 =	por p6, p6;
	p5 =	por !p5, !p5  }
0x45d: {  	(v2sf) =	vpush v1, $0xF;
	v1, _, _ =	vpop (xrf2);
	p6 =	seq.s32 s9, $0x0;
	s4 =	sld [smem:$0x7F1];
	s0 =	simm.s32 @!p4 $0x0  }
0x45e: {  	(v2sf) =	vpush v1, $0xF;
	v1, _, _ =	vpop (xrf0);
	s21 =	sxor.u32 $0x80000000, s1;
	p5 =	por !p6, !p5;
	s0 =	simm.s32 @p4 $0x1  }
0x45f: {  	(v2sf) =	vpush v1, $0xF;
	s1 =	ssub.s32 s16, s1;
	[smem:$0x7F8] =	sst s0;
	s0 =	simm.s32 @!p5 $0x0  }
0x460: {  	p6 =	seq.s32 s29, $0x1;
	s0 =	simm.s32 @p5 $0x1;
	p5 =	seq.s32 s4, $0x1  }
0x461: {  	s22 =	sld [smem:$0x7F3];
	p6 =	por !p6, !p5;
	p5 =	seq.s32 s14, $0x1  }
0x462: {  	s10 =	smov.u32 @p4 s3;
	[smem:$0x7F4] =	sst s0;
	p4 =	por p5, p5  }
0x463: {  	s16 =	sshll.u32 s5, $0x14;
	s4 =	sld [smem:$0x7F4];
	s0 =	simm.s32 @!p4 $0x0  }
0x464: {  	s13 =	sld [smem:$0x7F5];
	s29 =	spop (v2sf);
	s0 =	simm.s32 @p4 $0x1  }
0x465: {  	p5 =	seq.s32 s22, $0x1;
	[smem:$0x7F9] =	sst s0;
	s0 =	ssub.s32 s12, s20  }
0x466: {  	s10 =	smov.u32 @p4 s0;
	p4 =	por p5, p5;
	p5 =	seq.s32 s4, $0x1  }
0x467: {  	s12 =	sxor.u32 $0x80000000, s29;
	s0 =	simm.s32 @!p4 $0x0;
	p5 =	por !p5, !p5  }
0x468: {  	s20 =	simm.s32 $0x0;
	s0 =	simm.s32 @p4 $0x1;
	s3 =	simm.s32 @!p5 $0x0  }
0x469: {  	s9 =	simm.s32 @p5 $0x1;
	s3 =	simm.s32 @p5 $0x1;
	p5 =	seq.s32 s13, $0x1  }
0x46a: {  	v2 =	vnsel vm11, $0x0, v7;
	s10 =	smov.u32 @p4 s2;
	[smem:$0x7FA] =	sst s0;
	p4 =	por p5, p5  }
0x46b: {  	(xrf2) =	vadd.scan.msk.f32 $0xffff, v2;
	[smem:$0x7F6] =	sst s3;
	p5 =	por !p6, !p6;
	s2 =	simm.s32 @!p4 $0x0  }
0x46c: {  	v1 =	vmov s21;
	s10 =	smov.u32 @p4 s1;
	s1 =	spop (v2sf);
	s14 =	sld [smem:$0x7F6]  }
0x46d: {  	vm13 =	veq.s32 v1, v0;
	p6 =	seq.s32 s9, $0x0;
	s2 =	simm.s32 @p4 $0x1;
	s0 =	spop (v2sf)  }
0x46e: {  	v2 =	vnsel vm13, $0x0, v11;
	[smem:$0x7FB] =	sst s2;
	s2 =	ssub.s32 s15, s29;
	s15 =	spop (v2sf)  }
0x46f: {  	v4 =	vnsel vm13, $0x0, v4;
	(xrf2) =	vadd.scan.msk.f32 $0xffff, v2;
	p6 =	por !p6, !p5;
	p5 =	seq.s32 s14, $0x1;
	s3 =	ssub.s32 s18, s15  }
0x470: {  	(xrf2) =	vadd.scan.msk.f32 $0xffff, v4;
	v1 =	vmov s12;
	s18 =	sshll.u32 s8, $0xA;
	p4 =	por p5, p5;
	p5 =	por !p6, !p6  }
0x471: {  	vm14 =	veq.s32 v1, v0;
	s10 =	smov.u32 @p4 s2;
	s9 =	simm.s32 @p5 $0x1;
	p6 =	por p5, p5  }
0x472: {  	v1 =	vnsel vm14, $0x0, v6;
	s2 =	sxor.u32 $0x80000000, s15;
	s10 =	smov.u32 @p6 s3;
	s3 =	sor.u32 s16, s18  }
0x473: {  	v2 =	vld [tilespmem:s20+$0xC000];
	(xrf2) =	vadd.scan.msk.f32 $0xffff, v1;
	v1 =	vmov s2;
	p5 =	seq.s32 s9, $0x0;
	s2 =	sor.u32 s10, s3  }
0x474: {  	vm15 =	veq.s32 v1, v0;
	v1 =	vld [tilespmem:s20+$0x10000];
	s2 =	simm.s32 @p5 $0x7F800000  }
0x475: {  	v4 =	vnsel vm14, $0x0, v5;
	v5, _, _ =	vpop (xrf2);
	v0 =	vmov s2  }
0x476: {  	(v2sf) =	vpush v5, $0xF;
	v0 =	vbroadcast v0, $0x0  }
0x477: {  	s21 =	ssub.f32 s11, s19;
	v6 =	vld [tilespmem:s20+$0xC010];
	(xrf2) =	vadd.scan.msk.f32 $0xffff, v4;
	v4 =	vnsel vm15, $0x0, v8  }
0x478: {  	s11 =	ssub.f32 s28, s30;
	v3 =	vnsel vm15, $0x0, v3;
	(xrf2) =	vadd.scan.msk.f32 $0xffff, v4;
	v4 =	vld [tilespmem:s20+$0x10010];
	vm4 =	vgt.f32 v2, v0  }
0x479: {  	s19 =	sld [smem:$0x7F8];
	v5, _, _ =	vpop (xrf2);
	(xrf2) =	vadd.scan.msk.f32 $0xffff, v3;
	v1 =	vnsel vm4, $0x0, v1  }
0x47a: {  	s22 =	rddreg [dreg:$0x8];
	(v2sf) =	vpush v5, $0xF;
	v5, _, _ =	vpop (xrf2);
	(xrf2) =	vadd.scan.msk.f32 $0xffff, v1  }
0x47b: {  	s12 =	sld [smem:$0x7F7]  }
0x47c: {  	(v2sf) =	vpush v5, $0xF;
	s1 =	ssub.f32 s17, s1;
	vm5 =	vgt.f32 v6, v0  }
0x47d: {  	s29 =	rddreg [dreg:$0xa];
	v1 =	vld [tilespmem:s20+$0xC020];
	v2 =	vnsel vm5, $0x0, v4  }
0x47e: {  	s8 =	rddreg [dreg:$0x9];
	v3, _, _ =	vpop (xrf2);
	(xrf2) =	vadd.scan.msk.f32 $0xffff, v2;
	v2 =	vld [tilespmem:s20+$0xC030]  }
0x47f: {  	s1 =	ssub.f32 s6, s1;
	v4 =	vld [tilespmem:s20+$0x10030]  }
0x480: {  	s15 =	ssub.f32 s25, s26;
	(v2sf) =	vpush v3, $0xF;
	v3 =	vld [tilespmem:s20+$0x10020]  }
0x481: {  	s5 =	simm.s32 $0x40;
	s3 =	ssub.f32 s22, s29;
	v5, _, _ =	vpop (xrf2)  }
0x482: {  	s10 =	ssub.f32 s23, s31;
	v6 =	vld [tilespmem:s5+$0xC000];
	(v2sf) =	vpush v5, $0xF;
	v5, _, _ =	vpop (xrf2)  }
0x483: {  	v7 =	vld [tilespmem:s5+$0x10000];
	s4 =	ssub.f32 s6, s15;
	(v2sf) =	vpush v5, $0xF;
	v5, _, _ =	vpop (xrf2);
	vm6 =	vgt.f32 v2, v0  }
0x484: {  	v57 =	vld [tilespmem:s5+$0xC020];
	s22 =	sld [smem:$0x7FA];
	vm7 =	vgt.f32 v1, v0;
	(v2sf) =	vpush v5, $0xF;
	v4 =	vnsel vm6, $0x0, v4;
	v58, _, _ =	vpop (xrf2)  }
0x485: {  	p0 =	por p0, p0;
	v59 =	vld [tilespmem:s5+$0xC030];
	s2 =	ssub.f32 s6, s21;
	s13 =	spop (v2sf);
	v3 =	vnsel vm7, $0x0, v3;
	(xrf2) =	vadd.scan.msk.f32 $0xffff, v4;
	(v2sf) =	vpush v58, $0xF  }
0x486: {  	p2 =	por p2, p2;
	p0 =	por p0, p0;
	s23 =	sld [smem:$0x7FB];
	v8 =	vld [tilespmem:s5+$0xC010];
	(xrf2) =	vadd.scan.msk.f32 $0xffff, v3  }
0x487: {  	p6 =	por p6, p6;
	s7 =	smov.u32 @p3 s2;
	s2 =	ssub.f32 s8, s24;
	vm8 =	vgt.f32 v6, v0;
	v5 =	vld [tilespmem:s5+$0x10010]  }
0x488: {  	s29 =	simm.f32 $0.0e+00;
	p5 =	por p1, p1;
	s3 =	ssub.f32 s6, s3;
	v2 =	vld [tilespmem:s5+$0x10030];
	v3 =	vnsel vm8, $0x0, v7  }
0x489: {  	p1 =	por p5, p5;
	s21 =	simm.s32 $0x80;
	s2 =	ssub.f32 s6, s2;
	v1 =	vld [tilespmem:s5+$0x10020];
	(xrf2) =	vadd.scan.msk.f32 $0xffff, v3  }
0x48a: {  	s7 =	smov.u32 @p2 s3;
	s3 =	ssub.f32 s6, s10;
	s14 =	spop (v2sf);
	v60, _, _ =	vpop (xrf2)  }
0x48b: {  	vm9 =	vgt.f32 v8, v0;
	s0 =	ssub.f32 s0, s13;
	s7 =	smov.u32 @p0 s2;
	s16 =	spop (v2sf);
	(v2sf) =	vpush v60, $0xF  }
0x48c: {  	vm10 =	vgt.f32 v59, v0;
	p0 =	por p1, p1;
	p1 =	seq.s32 s12, $0x1;
	s2 =	ssub.f32 s6, s11;
	v3 =	vnsel vm9, $0x0, v5  }
0x48d: {  	vm11 =	vgt.f32 v57, v0;
	s20 =	sld [smem:$0x7F9];
	s7 =	smov.u32 @p0 s3;
	p0 =	por p1, p1;
	v2 =	vnsel vm10, $0x0, v2;
	(xrf2) =	vadd.scan.msk.f32 $0xffff, v3  }
0x48e: {  	p5 =	seq.s32 s22, $0x1;
	s0 =	ssub.f32 s6, s0;
	p0 =	por p0, p0;
	v1 =	vnsel vm11, $0x0, v1;
	v3 =	vld [tilespmem:s21+$0xC000];
	(xrf2) =	vadd.scan.msk.f32 $0xffff, v2  }
0x48f: {  	p2 =	seq.s32 s19, $0x1;
	s24 =	ssub.f32 s14, s16;
	p0 =	por p0, p0;
	v2 =	vld [tilespmem:s21+$0x10000];
	(xrf2) =	vadd.scan.msk.f32 $0xffff, v1;
	v7, _, _ =	vpop (xrf2)  }
0x490: {  	p3 =	seq.s32 s20, $0x1;
	s7 =	smov.u32 @p0 s2;
	s18 =	spop (v2sf);
	v61, _, _ =	vpop (xrf2)  }
0x491: {  	p0 =	por p2, p2;
	p1 =	por p3, p3;
	s25 =	spop (v2sf);
	v1 =	vld [tilespmem:s21+$0xC010];
	(v2sf) =	vpush v61, $0xF  }
0x492: {  	p2 =	por p5, p5;
	p5 =	seq.s32 s23, $0x1;
	v4 =	vld [tilespmem:s21+$0x10010];
	s26 =	spop (v2sf)  }
0x493: {  	v6 =	vld [tilespmem:s21+$0xC030];
	p0 =	por p0, p0;
	p1 =	por p1, p1;
	vm12 =	vgt.f32 v3, v0;
	v3, _, _ =	vpop (xrf2);
	(v2sf) =	vpush v7, $0xF;
	s28 =	spop (v2sf)  }
0x494: {  	v8 =	vld [tilespmem:s21+$0x10030];
	p3 =	por p2, p2;
	p0 =	por p0, p0;
	v7 =	vnsel vm12, $0x0, v2;
	s30 =	spop (v2sf);
	(v2sf) =	vpush v3, $0xF  }
0x495: {  	p2 =	por p5, p5;
	s7 =	smov.u32 @p0 s4;
	p0 =	por p1, p1;
	(xrf2) =	vadd.scan.msk.f32 $0xffff, v7  }
0x496: {  	s7 =	smov.u32 @p0 s1;
	p0 =	por p3, p3;
	s1 =	ssub.f32 s6, s24;
	vm13 =	vgt.f32 v1, v0  }
0x497: {  	p3 =	por p2, p2;
	s7 =	smov.u32 @p0 s0;
	v5 =	vld [tilespmem:s21+$0xC020];
	s0 =	ssub.f32 s18, s25;
	v4 =	vnsel vm13, $0x0, v4;
	v63, _, _ =	vpop (xrf2)  }
0x498: {  	v62 =	vld [tilespmem:s21+$0x10020];
	p5 =	por p4, p4;
	vm14 =	vgt.f32 v6, v0;
	p2 =	por p3, p3;
	s2 =	ssub.f32 s26, s28;
	(xrf2) =	vadd.scan.msk.f32 $0xffff, v4;
	v1, _, _ =	vpop (xrf2)  }
0x499: {  	s7 =	smov.u32 @p2 s1;
	s1 =	ssub.f32 s6, s0;
	s0 =	simm.s32 $0xC0;
	v7 =	vnsel vm14, $0x0, v8;
	v8, _, _ =	vpop (xrf2);
	(v2sf) =	vpush v63, $0xF  }
0x49a: {  	p0 =	por p5, p5;
	v2 =	vld [tilespmem:s0+$0xC000];
	s2 =	ssub.f32 s6, s2;
	s31 =	spop (v2sf);
	(v2sf) =	vpush v8, $0xF  }
0x49b: {  	p1 =	por p6, p6;
	p0 =	por p0, p0;
	(xrf2) =	vadd.scan.msk.f32 $0xffff, v7;
	v3 =	vld [tilespmem:s0+$0x10000];
	s3 =	sadd.f32 s30, s29  }
0x49c: {  	vm15 =	vgt.f32 v5, v0;
	s7 =	smov.u32 @p0 s1;
	p0 =	por p1, p1;
	v4 =	vld [tilespmem:s0+$0xC010]  }
0x49d: {  	v6 =	vnsel vm15, $0x0, v62;
	v5 =	vld [tilespmem:s0+$0x10010];
	s1 =	simm.s32 $0x400;
	s7 =	smov.u32 @p0 s2;
	s2 =	sadd.f32 s31, s3  }
.LBB2_16:
0x49e: {  	p0 =	sne.s32 s1, $0xFF00;
	v7 =	vld [tilespmem:s0+$0xC020];
	(xrf2) =	vadd.scan.msk.f32 $0xffff, v6;
	s3 =	smov.u32 s1;
	s1 =	sadd.s32 $0x100, s1  }
0x49f: {  	vm0 =	vgt.f32 v2, v0;
	v2 =	vld [tilespmem:s0+$0x10020];
	v6, _, _ =	vpop (xrf2);
	(v2sf) =	vpush v1, $0xF  }
0x4a0: {  	v1 =	vnsel vm0, $0x0, v3;
	v3 =	vld [tilespmem:s0+$0xC030];
	(v2sf) =	vpush v6, $0xF;
	s4 =	spop (v2sf)  }
0x4a1: {  	vm0 =	vgt.f32 v4, v0;
	v4 =	vld [tilespmem:s0+$0x10030];
	(xrf2) =	vadd.scan.msk.f32 $0xffff, v1;
	s0 =	sadd.f32 s4, s2  }
0x4a2: {  	v1 =	vnsel vm0, $0x0, v5;
	v5, _, _ =	vpop (xrf2);
	s2 =	spop (v2sf)  }
0x4a3: {  	vm0 =	vgt.f32 v7, v0;
	s4 =	spop (v2sf);
	s2 =	sadd.f32 s2, s0  }
0x4a4: {  	v6 =	vnsel vm0, $0x0, v2;
	(xrf2) =	vadd.scan.msk.f32 $0xffff, v1  }
.Ltmp8:
0x4a5: {  	s0 =	sshra.s32 s3, $0x2;
	vm0 =	vgt.f32 v3, v0;
	(v2sf) =	vpush v5, $0xF;
	v1, _, _ =	vpop (xrf2);
	(pc) =	sbr.rel @p0 .LBB2_16-.Ltmp8, $4  }
0x4a6: {  	v2 =	vld [tilespmem:s0+$0xC000];
	v4 =	vnsel vm0, $0x0, v4  }
0x4a7: {  	s2 =	sadd.f32 s4, s2;
	v3 =	vld [tilespmem:s0+$0x10000];
	(xrf2) =	vadd.scan.msk.f32 $0xffff, v4  }
0x4a8: {  	v4 =	vld [tilespmem:s0+$0xC010];
	v7, _, _ =	vpop (xrf2);
	s3 =	spop (v2sf)  }
0x4a9: {  	v5 =	vld [tilespmem:s0+$0x10010];
	(v2sf) =	vpush v7, $0xF;
	s2 =	sadd.f32 s3, s2  }
0x4aa: {  	v7 =	vld [tilespmem:s0+$0xC020]  }
0x4ab: {  	(xrf2) =	vadd.scan.msk.f32 $0xffff, v6;
	v48 =	vld [tilespmem:s0+$0xC030]  }
0x4ac: {  	v8 =	vld [tilespmem:s0+$0x10030]  }
0x4ad: {  	v49 =	vld [tilespmem:s0+$0x10020];
	vm0 =	vgt.f32 v2, v0  }
0x4ae: {  	v3 =	vnsel vm0, $0x0, v3  }
0x4af: {  	vm11 =	vgt.f32 v4, v0;
	(xrf2) =	vadd.scan.msk.f32 $0xffff, v3  }
0x4b0: {  	(v2sf) =	vpush v1, $0xF;
	v51, _, _ =	vpop (xrf2);
	v50 =	vnsel vm11, $0x0, v5;
	vm12 =	vgt.f32 v48, v0  }
0x4b1: {  	(v2sf) =	vpush v51, $0xF;
	vm13 =	vgt.f32 v7, v0;
	(xrf2) =	vadd.scan.msk.f32 $0xffff, v50;
	v52 =	vnsel vm12, $0x0, v8  }
0x4b2: {  	v53 =	vnsel vm13, $0x0, v49;
	(xrf2) =	vadd.scan.msk.f32 $0xffff, v52  }
0x4b3: {  	v54, _, _ =	vpop (xrf2);
	(xrf2) =	vadd.scan.msk.f32 $0xffff, v53  }
0x4b4: {  	(v2sf) =	vpush v54, $0xF;
	v55, _, _ =	vpop (xrf2)  }
0x4b5: {  	s11 =	spop (v2sf);
	v56, _, _ =	vpop (xrf2)  }
0x4b6: {  	s0 =	sadd.f32 s11, s2;
	(v2sf) =	vpush v56, $0xF  }
0x4b7: {  	s1 =	spop (v2sf)  }
0x4b8: {  	s0 =	sadd.f32 s1, s0;
	(v2sf) =	vpush v55, $0xF  }
0x4b9: {  	(xrf0) =	vmax.scan.msk.f32 $0xffff, v0;
	s12 =	spop (v2sf);
	v57, _, _ =	vpop (xrf2)  }
0x4ba: {  	s0 =	sadd.f32 s12, s0;
	(v2sf) =	vpush v57, $0xF  }
0x4bb: {  	s13 =	spop (v2sf);
	v58, _, _ =	vpop (xrf2)  }
0x4bc: {  	s0 =	sadd.f32 s13, s0;
	(v2sf) =	vpush v58, $0xF;
	v59, _, _ =	vpop (xrf2)  }
0x4bd: {  	s14 =	spop (v2sf);
	v60, _, _ =	vpop (xrf2)  }
0x4be: {  	s0 =	sadd.f32 s14, s0;
	(v2sf) =	vpush v60, $0xF  }
0x4bf: {  	v61, _, _ =	vpop (xrf0);
	s15 =	spop (v2sf);
	(v2sf) =	vpush v59, $0xF  }
0x4c0: {  	s0 =	sadd.f32 s15, s0;
	s16 =	spop (v2sf);
	(v2sf) =	vpush v61, $0xF  }
0x4c1: {  	_ = 	snop  }
0x4c2: {  	s0 =	sadd.f32 s16, s0  }
0x4c3: {  	s17 =	spop (v2sf)  }
0x4c4: {  	s0 =	sadd.f32 s17, s0  }
0x4c5: {  	s18 =	spop (v2sf)  }
0x4c6: {  	s0 =	sadd.f32 s18, s0  }
0x4c7: {  	s19 =	spop (v2sf)  }
0x4c8: {  	s0 =	sadd.f32 s19, s0  }
0x4c9: {  	s20 =	spop (v2sf)  }
0x4ca: {  	s0 =	sadd.f32 s20, s0  }
0x4cb: {  	s21 =	spop (v2sf)  }
0x4cc: {  	s0 =	sadd.f32 s21, s0  }
0x4cd: {  	s22 =	spop (v2sf)  }
0x4ce: {  	s0 =	sadd.f32 s22, s0;
	s23 =	spop (v2sf)  }
0x4cf: {  	p0 =	sgt.f32 s7, $0.0e+00;
	s24 =	spop (v2sf)  }
0x4d0: {  	s0 =	sadd.f32 s23, s0;
	s1 =	smul.f32 s24, s7  }
0x4d1: {  	s25 =	rddreg [dreg:$0x7];
	v63 =	vimm.f32 $0.0e+00  }
0x4d2: {  	p1 =	sne.s32 s9, $0x0;
	[tilespmem:$0x15110] =	vst v63;
	s1 =	simm.s32 @!p0 $0x0;
	s0 =	sadd.f32 s0, s25  }
0x4d3: {  	[tilespmem:$0x15120] =	vst v63;
	s1 =	simm.s32 @!p1 $0x0  }
0x4d4: {  	[tilespmem:$0x15130] =	vst v63;
	s0 =	sadd.f32 s0, s1  }
0x4d5: {  	[tilespmem:$0x15140] =	vst v63  }
0x4d6: {  	vm14 =	vcmask $0x300;
	[tilespmem:$0x15150] =	vst v63;
	v62 =	vmov s0  }
0x4d7: {  	vm15 =	vcmask $0x704;
	s26 =	rddreg [dreg:$0x6];
	[tilespmem:$0x15160] =	vst v63;
	v0 =	vnsel vm14, $0x0, v62  }
0x4d8: {  	s28 =	simm.s32 $0x0;
	[tilespmem:$0x15170] =	vst v63;
	v0 =	vsel vm15, s26, v0  }
0x4d9: {  	s29 =	simm.s32 $0x15100;
	s30 =	rddreg [dreg:$0x5];
	s31 =	simm.s32 $0x1;
	[tilespmem:$0x15100] =	vst v0  }
0x4da: {  	[hbm4b:s30+s28] =	stream.linear.scatter [tilespmem:s29], [sflag:$0x1], $0x80, $0x38;
	[tilespmem:$0x15180] =	vst v63  }
0x4db: {  	_ =	swait.ge [sflag:s31], $0x80  }
0x4dc: {  	[sflag:s31] =	ssyncset.done $0x0  }
0x4dd: {  	[sflag:s31] =	ssyncadd.s32 $0xFFFFFF80  }
0x4de: {  	s5 =	stileid.u32;
	s4 =	rddreg [dreg:$0x3]  }
.LBB2_18:
0x4df: {  	_ =	sfence.sel $0x180000  }
0x4e0: {  	[bflag:$0x0] =	sbarrier.arrive $0xFFFF  }
0x4e1: {  	p0 =	sne.s32 s5, $0x0;
	_ =	strace $0x90000047  }
0x4e2: {  	s0 =	sadd.s32 @!p0 $0x100000, s4;
	[bflag:$0x2] =	sbarrier.arrive $0xFFFF  }
0x4e3: {  	[sflag:s0] =	ssyncadd.tile.s32 @!p0 $0x1;
	_ =	shalt  }
.Lfunc_end2:
_tile_overlayer_lowered:
.L_overlay_start_2:
0x4e4: {  	(tag) =	ssettag $0x2  }
0x4e5: {  	s0 =	rddreg [dreg:$0x0];
	s2 =	stileid.u32  }
0x4e6: {  	s1 =	rddreg [dreg:$0x1];
	p0 =	sne.s32 s2, $0x0  }
0x4e7: {  	s3 =	rddreg [dreg:$0x2];
	[bflag:$0x3] =	sbarrier.arrive $0xFFFF;
	s2 =	simm.s32 @!p0 $0x1C01  }
0x4e8: {  	[timem:s3], [sflag:s2] =	dma.local @!p0 [hbm:s0], s1  }
0x4e9: {  	s0 =	simm.s32 @!p0 $0x1  }
0x4ea: {  	_ =	swait.ge @!p0 [sflag:s0], s1  }
0x4eb: {  	s1 =	ssub.s32 @!p0 $0x0, s1;
	[sflag:s0] =	ssyncset.done @!p0 $0x0  }
0x4ec: {  	[sflag:s0] =	ssyncadd.s32 @!p0 s1  }
0x4ed: {  	[bflag:$0x3] =	sbarrier.arrive $0xFFFF  }
0x4ee: {  	_ =	shalt  }

</sc_bundles>
